<compile_context>
chip_gen: v7x
topology: tpu7x:2x2x1
jax: 0.10.2.dev20260603
libtpu: 0.0.44.dev20260713+nightly
codegen_flags: <defaults>
</compile_context>

<pallas_src>
import functools

import jax
import jax.numpy as jnp
from jax import lax
from jax.experimental import pallas as pl
from jax.experimental.pallas import tpu as pltpu
from jax.experimental.pallas import tpu_sc as plsc

K = 32
TQ = 256
QG = TQ // 4


def _stats_body(feat_ref, wf_ref, bnw_ref, bnb_ref, wfs_ref, bias_ref):
    f = feat_ref[...]
    mean = jnp.mean(f, axis=(0, 2))
    var = jnp.mean(jnp.square(f - mean[None, :, None]), axis=(0, 2))
    s = bnw_ref[...].reshape(-1) / jnp.sqrt(var + 1e-5)
    bp = bnb_ref[...].reshape(-1) - mean * s
    wf = wf_ref[...]
    wfs_ref[...] = wf * s[None, :]
    bias_ref[...] = lax.dot_general(
        wf, bp[:, None], (((1,), (0,)), ((), ())),
        preferred_element_type=jnp.float32).reshape(1, -1)


def _fold_bn(feat, w_f, bn0_w, bn0_b):
    CP, CH = w_f.shape
    return pl.pallas_call(
        _stats_body,
        out_shape=(
            jax.ShapeDtypeStruct((CP, CH), jnp.float32),
            jax.ShapeDtypeStruct((1, CP), jnp.float32),
        ),
    )(feat, w_f, bn0_w.reshape(1, CH), bn0_b.reshape(1, CH))


def _feat0_knn_body(xq_ref, xa_ref, fb_ref, wfs_ref, wx_ref, bias_ref,
                    f0r_ref, idx_ref):
    n = xa_ref.shape[1]
    xq = xq_ref[0]
    xa = xa_ref[0]
    fb = fb_ref[0]
    f0r = lax.dot_general(fb, wfs_ref[...], (((0,), (1,)), ((), ())),
                          preferred_element_type=jnp.float32)
    f0r = f0r + lax.dot_general(xq, wx_ref[...], (((1,), (1,)), ((), ())),
                                preferred_element_type=jnp.float32)
    f0r_ref[0] = f0r + bias_ref[...]
    inner = lax.dot_general(xq, xa, (((1,), (1,)), ((), ())),
                            preferred_element_type=jnp.float32)
    xx = jnp.sum(xa * xa, axis=1)
    score = 2.0 * inner - xx[None, :]
    iota_f = lax.broadcasted_iota(jnp.int32, (TQ, n), 1).astype(jnp.float32)
    cols = []
    for _ in range(K):
        m = jnp.max(score, axis=1, keepdims=True)
        ge = score >= m
        j = jnp.min(jnp.where(ge, iota_f, float(n)), axis=1)
        cols.append(j)
        score = jnp.where(ge, -jnp.inf, score)
    idx = jnp.stack(cols, axis=1).astype(jnp.int32)
    idx = idx + pl.program_id(0) * n
    idx_ref[0] = jnp.concatenate(
        [idx[p * QG:(p + 1) * QG, :] for p in range(4)], axis=1)


def _feat0_knn(xyz, feat, wfs, wx, bias):
    B, N, _ = xyz.shape
    CH = feat.shape[1]
    CP = wfs.shape[0]
    grid = (B, N // TQ)
    return pl.pallas_call(
        _feat0_knn_body,
        grid=grid,
        in_specs=[
            pl.BlockSpec((1, TQ, 3), lambda b, i: (b, i, 0)),
            pl.BlockSpec((1, N, 3), lambda b, i: (b, 0, 0)),
            pl.BlockSpec((1, CH, TQ), lambda b, i: (b, 0, i)),
            pl.BlockSpec((CP, CH), lambda b, i: (0, 0)),
            pl.BlockSpec((CP, 3), lambda b, i: (0, 0)),
            pl.BlockSpec((1, CP), lambda b, i: (0, 0)),
        ],
        out_specs=[
            pl.BlockSpec((1, TQ, CP), lambda b, i: (b, i, 0)),
            pl.BlockSpec((1, QG, 128), lambda b, i: (b, i, 0)),
        ],
        out_shape=(
            jax.ShapeDtypeStruct((B, N, CP), jnp.float32),
            jax.ShapeDtypeStruct((B, N * K // 128, 128), jnp.int32),
        ),
    )(xyz, xyz, feat, wfs, wx, bias)


def _gather_max_sc(table, idx2d, n_workers, q_per_w, cp):
    rows_per_chunk = 128
    q_per_chunk = rows_per_chunk // K
    chunks = q_per_w * K // rows_per_chunk
    mesh = plsc.VectorSubcoreMesh(core_axis_name="c", subcore_axis_name="s")

    @functools.partial(
        pl.kernel,
        out_type=jax.ShapeDtypeStruct((table.shape[0], cp), jnp.float32),
        mesh=mesh,
        scratch_types=[
            pltpu.VMEM((chunks, 128), jnp.int32),
            pltpu.VMEM((rows_per_chunk, cp), jnp.float32),
            pltpu.VMEM((rows_per_chunk, cp), jnp.float32),
            pltpu.VMEM((q_per_w, cp), jnp.float32),
            pltpu.SemaphoreType.DMA,
            pltpu.SemaphoreType.DMA,
        ],
    )
    def kb(table_hbm, idx_hbm, out_hbm, idx_v, rows0, rows1, out_v, s0, s1):
        wid = lax.axis_index("s") * 2 + lax.axis_index("c")
        pltpu.sync_copy(idx_hbm.at[pl.ds(wid * chunks, chunks)], idx_v)
        bufs = (rows0, rows1)
        sems = (s0, s1)
        pltpu.async_copy(table_hbm.at[idx_v.at[0]], rows0, s0)
        pltpu.async_copy(table_hbm.at[idx_v.at[1]], rows1, s1)

        def pair_body(p, _):
            for b in range(2):
                ch = p * 2 + b
                rows_v, sem = bufs[b], sems[b]
                pltpu.make_async_copy(table_hbm.at[idx_v.at[ch]], rows_v,
                                      sem).wait()

                def col_body(c, _):
                    off = pl.ds(pl.multiple_of(c * 16, 16), 16)
                    for q in range(q_per_chunk):
                        vals = [rows_v[q * K + j, off] for j in range(K)]
                        while len(vals) > 1:
                            vals = [jnp.maximum(vals[i], vals[i + 1])
                                    for i in range(0, len(vals) - 1, 2)] + (
                                        [vals[-1]] if len(vals) % 2 else [])
                        out_v[q * chunks + ch, off] = vals[0]
                    return 0

                lax.fori_loop(0, cp // 16, col_body, 0)

                @pl.when(ch + 2 < chunks)
                def _():
                    pltpu.async_copy(table_hbm.at[idx_v.at[ch + 2]], rows_v,
                                     sem)

            return 0

        lax.fori_loop(0, chunks // 2, pair_body, 0)
        g0 = (wid // 16) * 4096 + (wid % 16) * 256
        for p in range(q_per_chunk):
            pltpu.sync_copy(
                out_v.at[pl.ds(p * chunks, chunks)],
                out_hbm.at[pl.ds(g0 + p * QG, chunks)])

    return kb(table, idx2d)


def _out_body(fr_ref, f0_ref, whs_ref, out_ref):
    diff = fr_ref[0] - f0_ref[0]
    out_ref[0] = lax.dot_general(whs_ref[...], diff, (((1,), (1,)), ((), ())),
                                 preferred_element_type=jnp.float32)


def _out_matmul(f_rows, f0_rows, whs):
    B, N, CP = f_rows.shape
    CH = whs.shape[0]
    return pl.pallas_call(
        _out_body,
        grid=(B, N // TQ),
        in_specs=[
            pl.BlockSpec((1, TQ, CP), lambda b, i: (b, i, 0)),
            pl.BlockSpec((1, TQ, CP), lambda b, i: (b, i, 0)),
            pl.BlockSpec((CH, CP), lambda b, i: (0, 0)),
        ],
        out_specs=pl.BlockSpec((1, CH, TQ), lambda b, i: (b, 0, i)),
        out_shape=jax.ShapeDtypeStruct((B, CH, N), jnp.float32),
    )(f_rows, f0_rows, whs)


def kernel(xyz, feat, W_g, W_h, bn0_w, bn0_b):
    B, N, _ = xyz.shape
    CH = feat.shape[1]
    CP = W_g.shape[0]
    M = W_h.shape[1] // CP

    w_f = W_g[:, :CH]
    w_x = W_g[:, CH:]
    whs = W_h.reshape(CH, M, CP).sum(axis=1)

    wfs, bias = _fold_bn(feat, w_f, bn0_w, bn0_b)
    f0_rows, idx = _feat0_knn(xyz, feat, wfs, w_x, bias)

    table = f0_rows.reshape(B * N, CP)
    idx2d = idx.reshape(B * N * K // 128, 128)
    n_workers = 32
    f_rows = _gather_max_sc(table, idx2d, n_workers, B * N // n_workers, CP)

    return _out_matmul(f_rows.reshape(B, N, CP), f0_rows, whs)

# --- scband reference (transcript-rebuilt; emitter-appended) ---
"""Pipeline reference for scband-surface-conv-76622216561208 (READ-ONLY COPY).

The authoritative reference and input builder live on the scoring server;
editing this copy changes nothing except your own understanding.
"""

import jax, jax.numpy as jnp
import numpy as np


def bknn(x, k):
    # x: [B, C, N]
    inner = 2.0 * jnp.matmul(jnp.transpose(x, (0, 2, 1)), x)
    xx = jnp.sum(jnp.square(x), axis=1, keepdims=True)
    pairwise_dist = xx - inner + jnp.transpose(xx, (0, 2, 1))
    inv_dist = -1.0 * pairwise_dist
    _, idx = jax.lax.top_k(inv_dist, k)
    return idx


def index_points(points, idx):
    # points: [B, N, C], idx: [B, S] -> [B, S, C]
    return jax.vmap(lambda p, i: p[i])(points, idx)


def setup_inputs(seed: int = 0) -> dict:
    key = jax.random.key(seed)
    k1, k2, k3, k4 = jax.random.split(key, 4)
    B, N, CH, CP, M = 2, 4096, 256, 128, 3
    xyz = jax.random.normal(k1, (B, N, 3), dtype=jnp.float32)
    feat = jax.random.normal(k2, (B, CH, N), dtype=jnp.float32)
    lim_g = 1.0 / np.sqrt(CH + 3)
    W_g = jax.random.uniform(k3, (CP, CH + 3), minval=-lim_g, maxval=lim_g, dtype=jnp.float32)
    lim_h = 1.0 / np.sqrt(M * CP)
    W_h = jax.random.uniform(k4, (CH, M * CP), minval=-lim_h, maxval=lim_h, dtype=jnp.float32)
    bn0_w = jnp.ones((CH,), dtype=jnp.float32)
    bn0_b = jnp.zeros((CH,), dtype=jnp.float32)
    return {"xyz": xyz, "feat": feat, "W_g": W_g, "W_h": W_h, "bn0_w": bn0_w, "bn0_b": bn0_b}


def reference(xyz, feat, W_g, W_h, bn0_w, bn0_b):
    k = 32
    M = 3
    B = xyz.shape[0]
    N = xyz.shape[1]
    # BatchNorm1d (training-mode batch stats, affine init gamma=1, beta=0)
    mean = jnp.mean(feat, axis=(0, 2), keepdims=True)
    var = jnp.var(feat, axis=(0, 2), keepdims=True)
    featn = (feat - mean) / jnp.sqrt(var + 1e-5) * bn0_w[None, :, None] + bn0_b[None, :, None]
    # g_func on concat(feat, xyz^T)
    cat = jnp.concatenate([featn, jnp.transpose(xyz, (0, 2, 1))], axis=1)  # [B, C+3, N]
    feat0 = jnp.transpose(jnp.matmul(jnp.transpose(cat, (0, 2, 1)), W_g.T), (0, 2, 1))  # [B, C', N]
    Cp = feat0.shape[1]
    # kNN idx computed once (idx is reused for all M iterations, as in torch)
    idx = bknn(jnp.transpose(xyz[:, :, 0:3], (0, 2, 1)), k)  # [B, N, k]
    all_feat = []
    for i in range(M):
        group = index_points(jnp.transpose(feat0, (0, 2, 1)), idx.reshape(B, -1))  # [B, N*k, C']
        group = jnp.transpose(group.reshape(B, N, k, Cp), (0, 2, 1, 3))  # [B, k, N, C']
        f = jnp.transpose(jnp.max(group, axis=1), (0, 2, 1))  # [B, C', N]
        all_feat.append(f - feat0)
    relative_feat = jnp.concatenate(all_feat, axis=1)  # [B, M*C', N]
    out = jnp.transpose(jnp.matmul(jnp.transpose(relative_feat, (0, 2, 1)), W_h.T), (0, 2, 1))  # [B, CH, N]
    return out

if __name__ == "__main__":
    import jax
    _d = setup_inputs()
    print(jax.jit(kernel)(*tuple(_d.values())))

</pallas_src>

<mosaic_0001>
#map = affine_map<(d0, d1) -> (0, 0)>
module attributes {stable_mosaic.version = 14 : i64} {
  func.func @kb(%arg0: i32, %arg1: i32, %arg2: memref<8192x128xf32, #tpu.memory_space<hbm>>, %arg3: memref<2048x128xi32, #tpu.memory_space<hbm>>, %arg4: memref<8192x128xf32, #tpu.memory_space<hbm>>, %arg5: memref<64x128xi32, #tpu.memory_space<vmem>>, %arg6: memref<128x128xf32, #tpu.memory_space<vmem>>, %arg7: memref<128x128xf32, #tpu.memory_space<vmem>>, %arg8: memref<256x128xf32, #tpu.memory_space<vmem>>, %arg9: memref<!tpu.dma_semaphore, #tpu.memory_space<semaphore_mem>>, %arg10: memref<!tpu.dma_semaphore, #tpu.memory_space<semaphore_mem>>) attributes {dimension_semantics = [#tpu.dimension_semantics<core_parallel>, #tpu.dimension_semantics<subcore_parallel>], iteration_bounds = array<i64: 2, 16>, scalar_prefetch = 0 : i64, scratch_operands = 6 : i64, tpu.core_type = #tpu.core_type<sc_vector_subcore>, window_params = [{transform_indices = #map}, {transform_indices = #map}, {transform_indices = #map}]} {
    %mul3A = arith.constant 2 : i32
    %mul3A_0 = arith.muli %arg1, %mul3A : i32
    %add3A = arith.addi %mul3A_0, %arg0 : i32
    %mul3A_1 = arith.constant 64 : i32
    %mul3A_2 = arith.muli %add3A, %mul3A_1 : i32
    "tpu.region"() ({
      %run_scoped3A = tpu.sem_alloc : memref<!tpu.dma_semaphore, #tpu.memory_space<semaphore_mem>>
      %dma_start3A_65 = arith.constant 0 : i32
      %dma_start3A_66 = tpu.memref_slice %arg3[%mul3A_2, %dma_start3A_65] : memref<2048x128xi32, #tpu.memory_space<hbm>> -> memref<64x128xi32, #tpu.memory_space<hbm>>
      %dma_start3A_67 = arith.constant 0 : i32
      %dma_start3A_68 = tpu.memref_slice %arg3[%mul3A_2, %dma_start3A_67] : memref<2048x128xi32, #tpu.memory_space<hbm>> -> memref<64x128xi32, #tpu.memory_space<hbm>>
      tpu.enqueue_dma source(%dma_start3A_68 : memref<64x128xi32, #tpu.memory_space<hbm>>) target(%arg5 : memref<64x128xi32, #tpu.memory_space<vmem>>) target_semaphore(%run_scoped3A : memref<!tpu.dma_semaphore, #tpu.memory_space<semaphore_mem>>)
      %dma_wait3A = arith.constant 0 : i32
      %dma_wait3A_69 = tpu.memref_slice %arg3[%mul3A_2, %dma_wait3A] : memref<2048x128xi32, #tpu.memory_space<hbm>> -> memref<64x128xi32, #tpu.memory_space<hbm>>
      %dma_wait3A_70 = arith.constant 0 : i32
      %dma_wait3A_71 = tpu.memref_slice %arg3[%mul3A_2, %dma_wait3A_70] : memref<2048x128xi32, #tpu.memory_space<hbm>> -> memref<64x128xi32, #tpu.memory_space<hbm>>
      tpu.wait_dma2 semaphore(%run_scoped3A : memref<!tpu.dma_semaphore, #tpu.memory_space<semaphore_mem>>) src(%dma_wait3A_71 : memref<64x128xi32, #tpu.memory_space<hbm>>) dst(%arg5 : memref<64x128xi32, #tpu.memory_space<vmem>>)
      tpu.yield
    }) : () -> ()
    %dma_start3A = arith.constant 0 : i32
    %dma_start3A_3 = arith.constant 0 : i32
    %dma_start3A_4 = tpu.memref_slice %arg5[%dma_start3A, %dma_start3A_3] : memref<64x128xi32, #tpu.memory_space<vmem>> -> memref<1x128xi32, #tpu.memory_space<vmem>>
    %dma_start3A_5 = tpu.memref_squeeze %dma_start3A_4 : memref<1x128xi32, #tpu.memory_space<vmem>> -> memref<128xi32, #tpu.memory_space<vmem>>
    %dma_start3A_6 = arith.constant 0 : i32
    %dma_start3A_7 = arith.constant 0 : i32
    %dma_start3A_8 = tpu.memref_slice %arg2[%dma_start3A_6, %dma_start3A_7] : memref<8192x128xf32, #tpu.memory_space<hbm>> -> memref<8192x128xf32, #tpu.memory_space<hbm>>
    tpu.enqueue_indirect_dma source(%dma_start3A_8 : memref<8192x128xf32, #tpu.memory_space<hbm>>) target(%arg6 : memref<128x128xf32, #tpu.memory_space<vmem>>) offsets(%dma_start3A_5 : memref<128xi32, #tpu.memory_space<vmem>>) semaphore(%arg9 : memref<!tpu.dma_semaphore, #tpu.memory_space<semaphore_mem>>)
    %dma_start3A_9 = arith.constant 1 : i32
    %dma_start3A_10 = arith.constant 0 : i32
    %dma_start3A_11 = tpu.memref_slice %arg5[%dma_start3A_9, %dma_start3A_10] : memref<64x128xi32, #tpu.memory_space<vmem>> -> memref<1x128xi32, #tpu.memory_space<vmem>>
    %dma_start3A_12 = tpu.memref_squeeze %dma_start3A_11 : memref<1x128xi32, #tpu.memory_space<vmem>> -> memref<128xi32, #tpu.memory_space<vmem>>
    %dma_start3A_13 = arith.constant 0 : i32
    %dma_start3A_14 = arith.constant 0 : i32
    %dma_start3A_15 = tpu.memref_slice %arg2[%dma_start3A_13, %dma_start3A_14] : memref<8192x128xf32, #tpu.memory_space<hbm>> -> memref<8192x128xf32, #tpu.memory_space<hbm>>
    tpu.enqueue_indirect_dma source(%dma_start3A_15 : memref<8192x128xf32, #tpu.memory_space<hbm>>) target(%arg7 : memref<128x128xf32, #tpu.memory_space<vmem>>) offsets(%dma_start3A_12 : memref<128xi32, #tpu.memory_space<vmem>>) semaphore(%arg10 : memref<!tpu.dma_semaphore, #tpu.memory_space<semaphore_mem>>)
    %scan3A = arith.constant 0 : i32
    %scan3A_16 = arith.constant 0 : i32
    %scan3A_17 = arith.constant 32 : i32
    %scan3A_18 = arith.addi %scan3A_16, %scan3A_17 : i32
    %scan3A_19 = arith.constant 1 : i32
    %scan3A_20 = scf.for %scan3A_65 = %scan3A_16 to %scan3A_18 step %scan3A_19 iter_args(%scan3A_66 = %scan3A) -> (i32)  : i32 {
      %mul3A_67 = arith.constant 2 : i32
      %mul3A_68 = arith.muli %scan3A_65, %mul3A_67 : i32
      %add3A_69 = arith.constant 0 : i32
      %add3A_70 = arith.addi %mul3A_68, %add3A_69 : i32
      %dma_wait3A = arith.constant 0 : i32
      %dma_wait3A_71 = tpu.memref_slice %arg5[%add3A_70, %dma_wait3A] : memref<64x128xi32, #tpu.memory_space<vmem>> -> memref<1x128xi32, #tpu.memory_space<vmem>>
      %dma_wait3A_72 = tpu.memref_squeeze %dma_wait3A_71 : memref<1x128xi32, #tpu.memory_space<vmem>> -> memref<128xi32, #tpu.memory_space<vmem>>
      %dma_wait3A_73 = arith.constant 0 : i32
      %dma_wait3A_74 = arith.constant 0 : i32
      %dma_wait3A_75 = tpu.memref_slice %arg2[%dma_wait3A_73, %dma_wait3A_74] : memref<8192x128xf32, #tpu.memory_space<hbm>> -> memref<8192x128xf32, #tpu.memory_space<hbm>>
      tpu.wait_indirect_dma semaphore(%arg9 : memref<!tpu.dma_semaphore, #tpu.memory_space<semaphore_mem>>) src(%dma_wait3A_75 : memref<8192x128xf32, #tpu.memory_space<hbm>>) dst(%arg6 : memref<128x128xf32, #tpu.memory_space<vmem>>)
      %scan3A_76 = arith.constant 0 : i32
      %scan3A_77 = arith.constant 0 : i32
      %scan3A_78 = arith.constant 8 : i32
      %scan3A_79 = arith.addi %scan3A_77, %scan3A_78 : i32
      %scan3A_80 = arith.constant 1 : i32
      %scan3A_81 = scf.for %scan3A_113 = %scan3A_77 to %scan3A_79 step %scan3A_80 iter_args(%scan3A_114 = %scan3A_76) -> (i32)  : i32 {
        %mul3A_115 = arith.constant 16 : i32
        %mul3A_116 = arith.muli %scan3A_113, %mul3A_115 : i32
        %multiple_of3A = tpu.assume_multiple %mul3A_116, 16 : i32
        %get3A = arith.constant 0 : i32
        %get3A_117 = arith.index_cast %get3A : i32 to index
        %get3A_118 = arith.index_cast %multiple_of3A : i32 to index
        %get3A_119 = tpu.vector_load %arg6[%get3A_117, %get3A_118] {strides = array<i32>} : memref<128x128xf32, #tpu.memory_space<vmem>>, vector<1x16xf32>,
        %get3A_120 = vector.shape_cast %get3A_119 : vector<1x16xf32> to vector<16xf32>
        %get3A_121 = arith.constant 1 : i32
        %get3A_122 = arith.index_cast %get3A_121 : i32 to index
        %get3A_123 = arith.index_cast %multiple_of3A : i32 to index
        %get3A_124 = tpu.vector_load %arg6[%get3A_122, %get3A_123] {strides = array<i32>} : memref<128x128xf32, #tpu.memory_space<vmem>>, vector<1x16xf32>,
        %get3A_125 = vector.shape_cast %get3A_124 : vector<1x16xf32> to vector<16xf32>
        %get3A_126 = arith.constant 2 : i32
        %get3A_127 = arith.index_cast %get3A_126 : i32 to index
        %get3A_128 = arith.index_cast %multiple_of3A : i32 to index
        %get3A_129 = tpu.vector_load %arg6[%get3A_127, %get3A_128] {strides = array<i32>} : memref<128x128xf32, #tpu.memory_space<vmem>>, vector<1x16xf32>,
        %get3A_130 = vector.shape_cast %get3A_129 : vector<1x16xf32> to vector<16xf32>
        %get3A_131 = arith.constant 3 : i32
        %get3A_132 = arith.index_cast %get3A_131 : i32 to index
        %get3A_133 = arith.index_cast %multiple_of3A : i32 to index
        %get3A_134 = tpu.vector_load %arg6[%get3A_132, %get3A_133] {strides = array<i32>} : memref<128x128xf32, #tpu.memory_space<vmem>>, vector<1x16xf32>,
        %get3A_135 = vector.shape_cast %get3A_134 : vector<1x16xf32> to vector<16xf32>
        %get3A_136 = arith.constant 4 : i32
        %get3A_137 = arith.index_cast %get3A_136 : i32 to index
        %get3A_138 = arith.index_cast %multiple_of3A : i32 to index
        %get3A_139 = tpu.vector_load %arg6[%get3A_137, %get3A_138] {strides = array<i32>} : memref<128x128xf32, #tpu.memory_space<vmem>>, vector<1x16xf32>,
        %get3A_140 = vector.shape_cast %get3A_139 : vector<1x16xf32> to vector<16xf32>
        %get3A_141 = arith.constant 5 : i32
        %get3A_142 = arith.index_cast %get3A_141 : i32 to index
        %get3A_143 = arith.index_cast %multiple_of3A : i32 to index
        %get3A_144 = tpu.vector_load %arg6[%get3A_142, %get3A_143] {strides = array<i32>} : memref<128x128xf32, #tpu.memory_space<vmem>>, vector<1x16xf32>,
        %get3A_145 = vector.shape_cast %get3A_144 : vector<1x16xf32> to vector<16xf32>
        %get3A_146 = arith.constant 6 : i32
        %get3A_147 = arith.index_cast %get3A_146 : i32 to index
        %get3A_148 = arith.index_cast %multiple_of3A : i32 to index
        %get3A_149 = tpu.vector_load %arg6[%get3A_147, %get3A_148] {strides = array<i32>} : memref<128x128xf32, #tpu.memory_space<vmem>>, vector<1x16xf32>,
        %get3A_150 = vector.shape_cast %get3A_149 : vector<1x16xf32> to vector<16xf32>
        %get3A_151 = arith.constant 7 : i32
        %get3A_152 = arith.index_cast %get3A_151 : i32 to index
        %get3A_153 = arith.index_cast %multiple_of3A : i32 to index
        %get3A_154 = tpu.vector_load %arg6[%get3A_152, %get3A_153] {strides = array<i32>} : memref<128x128xf32, #tpu.memory_space<vmem>>, vector<1x16xf32>,
        %get3A_155 = vector.shape_cast %get3A_154 : vector<1x16xf32> to vector<16xf32>
        %get3A_156 = arith.constant 8 : i32
        %get3A_157 = arith.index_cast %get3A_156 : i32 to index
        %get3A_158 = arith.index_cast %multiple_of3A : i32 to index
        %get3A_159 = tpu.vector_load %arg6[%get3A_157, %get3A_158] {strides = array<i32>} : memref<128x128xf32, #tpu.memory_space<vmem>>, vector<1x16xf32>,
        %get3A_160 = vector.shape_cast %get3A_159 : vector<1x16xf32> to vector<16xf32>
        %get3A_161 = arith.constant 9 : i32
        %get3A_162 = arith.index_cast %get3A_161 : i32 to index
        %get3A_163 = arith.index_cast %multiple_of3A : i32 to index
        %get3A_164 = tpu.vector_load %arg6[%get3A_162, %get3A_163] {strides = array<i32>} : memref<128x128xf32, #tpu.memory_space<vmem>>, vector<1x16xf32>,
        %get3A_165 = vector.shape_cast %get3A_164 : vector<1x16xf32> to vector<16xf32>
        %get3A_166 = arith.constant 10 : i32
        %get3A_167 = arith.index_cast %get3A_166 : i32 to index
        %get3A_168 = arith.index_cast %multiple_of3A : i32 to index
        %get3A_169 = tpu.vector_load %arg6[%get3A_167, %get3A_168] {strides = array<i32>} : memref<128x128xf32, #tpu.memory_space<vmem>>, vector<1x16xf32>,
        %get3A_170 = vector.shape_cast %get3A_169 : vector<1x16xf32> to vector<16xf32>
        %get3A_171 = arith.constant 11 : i32
        %get3A_172 = arith.index_cast %get3A_171 : i32 to index
        %get3A_173 = arith.index_cast %multiple_of3A : i32 to index
        %get3A_174 = tpu.vector_load %arg6[%get3A_172, %get3A_173] {strides = array<i32>} : memref<128x128xf32, #tpu.memory_space<vmem>>, vector<1x16xf32>,
        %get3A_175 = vector.shape_cast %get3A_174 : vector<1x16xf32> to vector<16xf32>
        %get3A_176 = arith.constant 12 : i32
        %get3A_177 = arith.index_cast %get3A_176 : i32 to index
        %get3A_178 = arith.index_cast %multiple_of3A : i32 to index
        %get3A_179 = tpu.vector_load %arg6[%get3A_177, %get3A_178] {strides = array<i32>} : memref<128x128xf32, #tpu.memory_space<vmem>>, vector<1x16xf32>,
        %get3A_180 = vector.shape_cast %get3A_179 : vector<1x16xf32> to vector<16xf32>
        %get3A_181 = arith.constant 13 : i32
        %get3A_182 = arith.index_cast %get3A_181 : i32 to index
        %get3A_183 = arith.index_cast %multiple_of3A : i32 to index
        %get3A_184 = tpu.vector_load %arg6[%get3A_182, %get3A_183] {strides = array<i32>} : memref<128x128xf32, #tpu.memory_space<vmem>>, vector<1x16xf32>,
        %get3A_185 = vector.shape_cast %get3A_184 : vector<1x16xf32> to vector<16xf32>
        %get3A_186 = arith.constant 14 : i32
        %get3A_187 = arith.index_cast %get3A_186 : i32 to index
        %get3A_188 = arith.index_cast %multiple_of3A : i32 to index
        %get3A_189 = tpu.vector_load %arg6[%get3A_187, %get3A_188] {strides = array<i32>} : memref<128x128xf32, #tpu.memory_space<vmem>>, vector<1x16xf32>,
        %get3A_190 = vector.shape_cast %get3A_189 : vector<1x16xf32> to vector<16xf32>
        %get3A_191 = arith.constant 15 : i32
        %get3A_192 = arith.index_cast %get3A_191 : i32 to index
        %get3A_193 = arith.index_cast %multiple_of3A : i32 to index
        %get3A_194 = tpu.vector_load %arg6[%get3A_192, %get3A_193] {strides = array<i32>} : memref<128x128xf32, #tpu.memory_space<vmem>>, vector<1x16xf32>,
        %get3A_195 = vector.shape_cast %get3A_194 : vector<1x16xf32> to vector<16xf32>
        %get3A_196 = arith.constant 16 : i32
        %get3A_197 = arith.index_cast %get3A_196 : i32 to index
        %get3A_198 = arith.index_cast %multiple_of3A : i32 to index
        %get3A_199 = tpu.vector_load %arg6[%get3A_197, %get3A_198] {strides = array<i32>} : memref<128x128xf32, #tpu.memory_space<vmem>>, vector<1x16xf32>,
        %get3A_200 = vector.shape_cast %get3A_199 : vector<1x16xf32> to vector<16xf32>
        %get3A_201 = arith.constant 17 : i32
        %get3A_202 = arith.index_cast %get3A_201 : i32 to index
        %get3A_203 = arith.index_cast %multiple_of3A : i32 to index
        %get3A_204 = tpu.vector_load %arg6[%get3A_202, %get3A_203] {strides = array<i32>} : memref<128x128xf32, #tpu.memory_space<vmem>>, vector<1x16xf32>,
        %get3A_205 = vector.shape_cast %get3A_204 : vector<1x16xf32> to vector<16xf32>
        %get3A_206 = arith.constant 18 : i32
        %get3A_207 = arith.index_cast %get3A_206 : i32 to index
        %get3A_208 = arith.index_cast %multiple_of3A : i32 to index
        %get3A_209 = tpu.vector_load %arg6[%get3A_207, %get3A_208] {strides = array<i32>} : memref<128x128xf32, #tpu.memory_space<vmem>>, vector<1x16xf32>,
        %get3A_210 = vector.shape_cast %get3A_209 : vector<1x16xf32> to vector<16xf32>
        %get3A_211 = arith.constant 19 : i32
        %get3A_212 = arith.index_cast %get3A_211 : i32 to index
        %get3A_213 = arith.index_cast %multiple_of3A : i32 to index
        %get3A_214 = tpu.vector_load %arg6[%get3A_212, %get3A_213] {strides = array<i32>} : memref<128x128xf32, #tpu.memory_space<vmem>>, vector<1x16xf32>,
        %get3A_215 = vector.shape_cast %get3A_214 : vector<1x16xf32> to vector<16xf32>
        %get3A_216 = arith.constant 20 : i32
        %get3A_217 = arith.index_cast %get3A_216 : i32 to index
        %get3A_218 = arith.index_cast %multiple_of3A : i32 to index
        %get3A_219 = tpu.vector_load %arg6[%get3A_217, %get3A_218] {strides = array<i32>} : memref<128x128xf32, #tpu.memory_space<vmem>>, vector<1x16xf32>,
        %get3A_220 = vector.shape_cast %get3A_219 : vector<1x16xf32> to vector<16xf32>
        %get3A_221 = arith.constant 21 : i32
        %get3A_222 = arith.index_cast %get3A_221 : i32 to index
        %get3A_223 = arith.index_cast %multiple_of3A : i32 to index
        %get3A_224 = tpu.vector_load %arg6[%get3A_222, %get3A_223] {strides = array<i32>} : memref<128x128xf32, #tpu.memory_space<vmem>>, vector<1x16xf32>,
        %get3A_225 = vector.shape_cast %get3A_224 : vector<1x16xf32> to vector<16xf32>
        %get3A_226 = arith.constant 22 : i32
        %get3A_227 = arith.index_cast %get3A_226 : i32 to index
        %get3A_228 = arith.index_cast %multiple_of3A : i32 to index
        %get3A_229 = tpu.vector_load %arg6[%get3A_227, %get3A_228] {strides = array<i32>} : memref<128x128xf32, #tpu.memory_space<vmem>>, vector<1x16xf32>,
        %get3A_230 = vector.shape_cast %get3A_229 : vector<1x16xf32> to vector<16xf32>
        %get3A_231 = arith.constant 23 : i32
        %get3A_232 = arith.index_cast %get3A_231 : i32 to index
        %get3A_233 = arith.index_cast %multiple_of3A : i32 to index
        %get3A_234 = tpu.vector_load %arg6[%get3A_232, %get3A_233] {strides = array<i32>} : memref<128x128xf32, #tpu.memory_space<vmem>>, vector<1x16xf32>,
        %get3A_235 = vector.shape_cast %get3A_234 : vector<1x16xf32> to vector<16xf32>
        %get3A_236 = arith.constant 24 : i32
        %get3A_237 = arith.index_cast %get3A_236 : i32 to index
        %get3A_238 = arith.index_cast %multiple_of3A : i32 to index
        %get3A_239 = tpu.vector_load %arg6[%get3A_237, %get3A_238] {strides = array<i32>} : memref<128x128xf32, #tpu.memory_space<vmem>>, vector<1x16xf32>,
        %get3A_240 = vector.shape_cast %get3A_239 : vector<1x16xf32> to vector<16xf32>
        %get3A_241 = arith.constant 25 : i32
        %get3A_242 = arith.index_cast %get3A_241 : i32 to index
        %get3A_243 = arith.index_cast %multiple_of3A : i32 to index
        %get3A_244 = tpu.vector_load %arg6[%get3A_242, %get3A_243] {strides = array<i32>} : memref<128x128xf32, #tpu.memory_space<vmem>>, vector<1x16xf32>,
        %get3A_245 = vector.shape_cast %get3A_244 : vector<1x16xf32> to vector<16xf32>
        %get3A_246 = arith.constant 26 : i32
        %get3A_247 = arith.index_cast %get3A_246 : i32 to index
        %get3A_248 = arith.index_cast %multiple_of3A : i32 to index
        %get3A_249 = tpu.vector_load %arg6[%get3A_247, %get3A_248] {strides = array<i32>} : memref<128x128xf32, #tpu.memory_space<vmem>>, vector<1x16xf32>,
        %get3A_250 = vector.shape_cast %get3A_249 : vector<1x16xf32> to vector<16xf32>
        %get3A_251 = arith.constant 27 : i32
        %get3A_252 = arith.index_cast %get3A_251 : i32 to index
        %get3A_253 = arith.index_cast %multiple_of3A : i32 to index
        %get3A_254 = tpu.vector_load %arg6[%get3A_252, %get3A_253] {strides = array<i32>} : memref<128x128xf32, #tpu.memory_space<vmem>>, vector<1x16xf32>,
        %get3A_255 = vector.shape_cast %get3A_254 : vector<1x16xf32> to vector<16xf32>
        %get3A_256 = arith.constant 28 : i32
        %get3A_257 = arith.index_cast %get3A_256 : i32 to index
        %get3A_258 = arith.index_cast %multiple_of3A : i32 to index
        %get3A_259 = tpu.vector_load %arg6[%get3A_257, %get3A_258] {strides = array<i32>} : memref<128x128xf32, #tpu.memory_space<vmem>>, vector<1x16xf32>,
        %get3A_260 = vector.shape_cast %get3A_259 : vector<1x16xf32> to vector<16xf32>
        %get3A_261 = arith.constant 29 : i32
        %get3A_262 = arith.index_cast %get3A_261 : i32 to index
        %get3A_263 = arith.index_cast %multiple_of3A : i32 to index
        %get3A_264 = tpu.vector_load %arg6[%get3A_262, %get3A_263] {strides = array<i32>} : memref<128x128xf32, #tpu.memory_space<vmem>>, vector<1x16xf32>,
        %get3A_265 = vector.shape_cast %get3A_264 : vector<1x16xf32> to vector<16xf32>
        %get3A_266 = arith.constant 30 : i32
        %get3A_267 = arith.index_cast %get3A_266 : i32 to index
        %get3A_268 = arith.index_cast %multiple_of3A : i32 to index
        %get3A_269 = tpu.vector_load %arg6[%get3A_267, %get3A_268] {strides = array<i32>} : memref<128x128xf32, #tpu.memory_space<vmem>>, vector<1x16xf32>,
        %get3A_270 = vector.shape_cast %get3A_269 : vector<1x16xf32> to vector<16xf32>
        %get3A_271 = arith.constant 31 : i32
        %get3A_272 = arith.index_cast %get3A_271 : i32 to index
        %get3A_273 = arith.index_cast %multiple_of3A : i32 to index
        %get3A_274 = tpu.vector_load %arg6[%get3A_272, %get3A_273] {strides = array<i32>} : memref<128x128xf32, #tpu.memory_space<vmem>>, vector<1x16xf32>,
        %get3A_275 = vector.shape_cast %get3A_274 : vector<1x16xf32> to vector<16xf32>
        %max3A = arith.maximumf %get3A_120, %get3A_125 : vector<16xf32>
        %max3A_276 = arith.maximumf %get3A_130, %get3A_135 : vector<16xf32>
        %max3A_277 = arith.maximumf %get3A_140, %get3A_145 : vector<16xf32>
        %max3A_278 = arith.maximumf %get3A_150, %get3A_155 : vector<16xf32>
        %max3A_279 = arith.maximumf %get3A_160, %get3A_165 : vector<16xf32>
        %max3A_280 = arith.maximumf %get3A_170, %get3A_175 : vector<16xf32>
        %max3A_281 = arith.maximumf %get3A_180, %get3A_185 : vector<16xf32>
        %max3A_282 = arith.maximumf %get3A_190, %get3A_195 : vector<16xf32>
        %max3A_283 = arith.maximumf %get3A_200, %get3A_205 : vector<16xf32>
        %max3A_284 = arith.maximumf %get3A_210, %get3A_215 : vector<16xf32>
        %max3A_285 = arith.maximumf %get3A_220, %get3A_225 : vector<16xf32>
        %max3A_286 = arith.maximumf %get3A_230, %get3A_235 : vector<16xf32>
        %max3A_287 = arith.maximumf %get3A_240, %get3A_245 : vector<16xf32>
        %max3A_288 = arith.maximumf %get3A_250, %get3A_255 : vector<16xf32>
        %max3A_289 = arith.maximumf %get3A_260, %get3A_265 : vector<16xf32>
        %max3A_290 = arith.maximumf %get3A_270, %get3A_275 : vector<16xf32>
        %max3A_291 = arith.maximumf %max3A, %max3A_276 : vector<16xf32>
        %max3A_292 = arith.maximumf %max3A_277, %max3A_278 : vector<16xf32>
        %max3A_293 = arith.maximumf %max3A_279, %max3A_280 : vector<16xf32>
        %max3A_294 = arith.maximumf %max3A_281, %max3A_282 : vector<16xf32>
        %max3A_295 = arith.maximumf %max3A_283, %max3A_284 : vector<16xf32>
        %max3A_296 = arith.maximumf %max3A_285, %max3A_286 : vector<16xf32>
        %max3A_297 = arith.maximumf %max3A_287, %max3A_288 : vector<16xf32>
        %max3A_298 = arith.maximumf %max3A_289, %max3A_290 : vector<16xf32>
        %max3A_299 = arith.maximumf %max3A_291, %max3A_292 : vector<16xf32>
        %max3A_300 = arith.maximumf %max3A_293, %max3A_294 : vector<16xf32>
        %max3A_301 = arith.maximumf %max3A_295, %max3A_296 : vector<16xf32>
        %max3A_302 = arith.maximumf %max3A_297, %max3A_298 : vector<16xf32>
        %max3A_303 = arith.maximumf %max3A_299, %max3A_300 : vector<16xf32>
        %max3A_304 = arith.maximumf %max3A_301, %max3A_302 : vector<16xf32>
        %max3A_305 = arith.maximumf %max3A_303, %max3A_304 : vector<16xf32>
        %add3A_306 = arith.constant 0 : i32
        %add3A_307 = arith.addi %add3A_306, %add3A_70 : i32
        %swap3A = arith.index_cast %add3A_307 : i32 to index
        %swap3A_308 = arith.index_cast %multiple_of3A : i32 to index
        %swap3A_309 = tpu.vector_load %arg8[%swap3A, %swap3A_308] {strides = array<i32>} : memref<256x128xf32, #tpu.memory_space<vmem>>, vector<1x16xf32>,
        %swap3A_310 = vector.shape_cast %swap3A_309 : vector<1x16xf32> to vector<16xf32>
        %swap3A_311 = vector.shape_cast %max3A_305 : vector<16xf32> to vector<1x16xf32>
        tpu.vector_store %arg8[%swap3A, %swap3A_308], %swap3A_311 {strides = array<i32>} : memref<256x128xf32, #tpu.memory_space<vmem>>, vector<1x16xf32>,
        %get3A_312 = arith.constant 32 : i32
        %get3A_313 = arith.index_cast %get3A_312 : i32 to index
        %get3A_314 = arith.index_cast %multiple_of3A : i32 to index
        %get3A_315 = tpu.vector_load %arg6[%get3A_313, %get3A_314] {strides = array<i32>} : memref<128x128xf32, #tpu.memory_space<vmem>>, vector<1x16xf32>,
        %get3A_316 = vector.shape_cast %get3A_315 : vector<1x16xf32> to vector<16xf32>
        %get3A_317 = arith.constant 33 : i32
        %get3A_318 = arith.index_cast %get3A_317 : i32 to index
        %get3A_319 = arith.index_cast %multiple_of3A : i32 to index
        %get3A_320 = tpu.vector_load %arg6[%get3A_318, %get3A_319] {strides = array<i32>} : memref<128x128xf32, #tpu.memory_space<vmem>>, vector<1x16xf32>,
        %get3A_321 = vector.shape_cast %get3A_320 : vector<1x16xf32> to vector<16xf32>
        %get3A_322 = arith.constant 34 : i32
        %get3A_323 = arith.index_cast %get3A_322 : i32 to index
        %get3A_324 = arith.index_cast %multiple_of3A : i32 to index
        %get3A_325 = tpu.vector_load %arg6[%get3A_323, %get3A_324] {strides = array<i32>} : memref<128x128xf32, #tpu.memory_space<vmem>>, vector<1x16xf32>,
        %get3A_326 = vector.shape_cast %get3A_325 : vector<1x16xf32> to vector<16xf32>
        %get3A_327 = arith.constant 35 : i32
        %get3A_328 = arith.index_cast %get3A_327 : i32 to index
        %get3A_329 = arith.index_cast %multiple_of3A : i32 to index
        %get3A_330 = tpu.vector_load %arg6[%get3A_328, %get3A_329] {strides = array<i32>} : memref<128x128xf32, #tpu.memory_space<vmem>>, vector<1x16xf32>,
        %get3A_331 = vector.shape_cast %get3A_330 : vector<1x16xf32> to vector<16xf32>
        %get3A_332 = arith.constant 36 : i32
        %get3A_333 = arith.index_cast %get3A_332 : i32 to index
        %get3A_334 = arith.index_cast %multiple_of3A : i32 to index
        %get3A_335 = tpu.vector_load %arg6[%get3A_333, %get3A_334] {strides = array<i32>} : memref<128x128xf32, #tpu.memory_space<vmem>>, vector<1x16xf32>,
        %get3A_336 = vector.shape_cast %get3A_335 : vector<1x16xf32> to vector<16xf32>
        %get3A_337 = arith.constant 37 : i32
        %get3A_338 = arith.index_cast %get3A_337 : i32 to index
        %get3A_339 = arith.index_cast %multiple_of3A : i32 to index
        %get3A_340 = tpu.vector_load %arg6[%get3A_338, %get3A_339] {strides = array<i32>} : memref<128x128xf32, #tpu.memory_space<vmem>>, vector<1x16xf32>,
        %get3A_341 = vector.shape_cast %get3A_340 : vector<1x16xf32> to vector<16xf32>
        %get3A_342 = arith.constant 38 : i32
        %get3A_343 = arith.index_cast %get3A_342 : i32 to index
        %get3A_344 = arith.index_cast %multiple_of3A : i32 to index
        %get3A_345 = tpu.vector_load %arg6[%get3A_343, %get3A_344] {strides = array<i32>} : memref<128x128xf32, #tpu.memory_space<vmem>>, vector<1x16xf32>,
        %get3A_346 = vector.shape_cast %get3A_345 : vector<1x16xf32> to vector<16xf32>
        %get3A_347 = arith.constant 39 : i32
        %get3A_348 = arith.index_cast %get3A_347 : i32 to index
        %get3A_349 = arith.index_cast %multiple_of3A : i32 to index
        %get3A_350 = tpu.vector_load %arg6[%get3A_348, %get3A_349] {strides = array<i32>} : memref<128x128xf32, #tpu.memory_space<vmem>>, vector<1x16xf32>,
        %get3A_351 = vector.shape_cast %get3A_350 : vector<1x16xf32> to vector<16xf32>
        %get3A_352 = arith.constant 40 : i32
        %get3A_353 = arith.index_cast %get3A_352 : i32 to index
        %get3A_354 = arith.index_cast %multiple_of3A : i32 to index
        %get3A_355 = tpu.vector_load %arg6[%get3A_353, %get3A_354] {strides = array<i32>} : memref<128x128xf32, #tpu.memory_space<vmem>>, vector<1x16xf32>,
        %get3A_356 = vector.shape_cast %get3A_355 : vector<1x16xf32> to vector<16xf32>
        %get3A_357 = arith.constant 41 : i32
        %get3A_358 = arith.index_cast %get3A_357 : i32 to index
        %get3A_359 = arith.index_cast %multiple_of3A : i32 to index
        %get3A_360 = tpu.vector_load %arg6[%get3A_358, %get3A_359] {strides = array<i32>} : memref<128x128xf32, #tpu.memory_space<vmem>>, vector<1x16xf32>,
        %get3A_361 = vector.shape_cast %get3A_360 : vector<1x16xf32> to vector<16xf32>
        %get3A_362 = arith.constant 42 : i32
        %get3A_363 = arith.index_cast %get3A_362 : i32 to index
        %get3A_364 = arith.index_cast %multiple_of3A : i32 to index
        %get3A_365 = tpu.vector_load %arg6[%get3A_363, %get3A_364] {strides = array<i32>} : memref<128x128xf32, #tpu.memory_space<vmem>>, vector<1x16xf32>,
        %get3A_366 = vector.shape_cast %get3A_365 : vector<1x16xf32> to vector<16xf32>
        %get3A_367 = arith.constant 43 : i32
        %get3A_368 = arith.index_cast %get3A_367 : i32 to index
        %get3A_369 = arith.index_cast %multiple_of3A : i32 to index
        %get3A_370 = tpu.vector_load %arg6[%get3A_368, %get3A_369] {strides = array<i32>} : memref<128x128xf32, #tpu.memory_space<vmem>>, vector<1x16xf32>,
        %get3A_371 = vector.shape_cast %get3A_370 : vector<1x16xf32> to vector<16xf32>
        %get3A_372 = arith.constant 44 : i32
        %get3A_373 = arith.index_cast %get3A_372 : i32 to index
        %get3A_374 = arith.index_cast %multiple_of3A : i32 to index
        %get3A_375 = tpu.vector_load %arg6[%get3A_373, %get3A_374] {strides = array<i32>} : memref<128x128xf32, #tpu.memory_space<vmem>>, vector<1x16xf32>,
        %get3A_376 = vector.shape_cast %get3A_375 : vector<1x16xf32> to vector<16xf32>
        %get3A_377 = arith.constant 45 : i32
        %get3A_378 = arith.index_cast %get3A_377 : i32 to index
        %get3A_379 = arith.index_cast %multiple_of3A : i32 to index
        %get3A_380 = tpu.vector_load %arg6[%get3A_378, %get3A_379] {strides = array<i32>} : memref<128x128xf32, #tpu.memory_space<vmem>>, vector<1x16xf32>,
        %get3A_381 = vector.shape_cast %get3A_380 : vector<1x16xf32> to vector<16xf32>
        %get3A_382 = arith.constant 46 : i32
        %get3A_383 = arith.index_cast %get3A_382 : i32 to index
        %get3A_384 = arith.index_cast %multiple_of3A : i32 to index
        %get3A_385 = tpu.vector_load %arg6[%get3A_383, %get3A_384] {strides = array<i32>} : memref<128x128xf32, #tpu.memory_space<vmem>>, vector<1x16xf32>,
        %get3A_386 = vector.shape_cast %get3A_385 : vector<1x16xf32> to vector<16xf32>
        %get3A_387 = arith.constant 47 : i32
        %get3A_388 = arith.index_cast %get3A_387 : i32 to index
        %get3A_389 = arith.index_cast %multiple_of3A : i32 to index
        %get3A_390 = tpu.vector_load %arg6[%get3A_388, %get3A_389] {strides = array<i32>} : memref<128x128xf32, #tpu.memory_space<vmem>>, vector<1x16xf32>,
        %get3A_391 = vector.shape_cast %get3A_390 : vector<1x16xf32> to vector<16xf32>
        %get3A_392 = arith.constant 48 : i32
        %get3A_393 = arith.index_cast %get3A_392 : i32 to index
        %get3A_394 = arith.index_cast %multiple_of3A : i32 to index
        %get3A_395 = tpu.vector_load %arg6[%get3A_393, %get3A_394] {strides = array<i32>} : memref<128x128xf32, #tpu.memory_space<vmem>>, vector<1x16xf32>,
        %get3A_396 = vector.shape_cast %get3A_395 : vector<1x16xf32> to vector<16xf32>
        %get3A_397 = arith.constant 49 : i32
        %get3A_398 = arith.index_cast %get3A_397 : i32 to index
        %get3A_399 = arith.index_cast %multiple_of3A : i32 to index
        %get3A_400 = tpu.vector_load %arg6[%get3A_398, %get3A_399] {strides = array<i32>} : memref<128x128xf32, #tpu.memory_space<vmem>>, vector<1x16xf32>,
        %get3A_401 = vector.shape_cast %get3A_400 : vector<1x16xf32> to vector<16xf32>
        %get3A_402 = arith.constant 50 : i32
        %get3A_403 = arith.index_cast %get3A_402 : i32 to index
        %get3A_404 = arith.index_cast %multiple_of3A : i32 to index
        %get3A_405 = tpu.vector_load %arg6[%get3A_403, %get3A_404] {strides = array<i32>} : memref<128x128xf32, #tpu.memory_space<vmem>>, vector<1x16xf32>,
        %get3A_406 = vector.shape_cast %get3A_405 : vector<1x16xf32> to vector<16xf32>
        %get3A_407 = arith.constant 51 : i32
        %get3A_408 = arith.index_cast %get3A_407 : i32 to index
        %get3A_409 = arith.index_cast %multiple_of3A : i32 to index
        %get3A_410 = tpu.vector_load %arg6[%get3A_408, %get3A_409] {strides = array<i32>} : memref<128x128xf32, #tpu.memory_space<vmem>>, vector<1x16xf32>,
        %get3A_411 = vector.shape_cast %get3A_410 : vector<1x16xf32> to vector<16xf32>
        %get3A_412 = arith.constant 52 : i32
        %get3A_413 = arith.index_cast %get3A_412 : i32 to index
        %get3A_414 = arith.index_cast %multiple_of3A : i32 to index
        %get3A_415 = tpu.vector_load %arg6[%get3A_413, %get3A_414] {strides = array<i32>} : memref<128x128xf32, #tpu.memory_space<vmem>>, vector<1x16xf32>,
        %get3A_416 = vector.shape_cast %get3A_415 : vector<1x16xf32> to vector<16xf32>
        %get3A_417 = arith.constant 53 : i32
        %get3A_418 = arith.index_cast %get3A_417 : i32 to index
        %get3A_419 = arith.index_cast %multiple_of3A : i32 to index
        %get3A_420 = tpu.vector_load %arg6[%get3A_418, %get3A_419] {strides = array<i32>} : memref<128x128xf32, #tpu.memory_space<vmem>>, vector<1x16xf32>,
        %get3A_421 = vector.shape_cast %get3A_420 : vector<1x16xf32> to vector<16xf32>
        %get3A_422 = arith.constant 54 : i32
        %get3A_423 = arith.index_cast %get3A_422 : i32 to index
        %get3A_424 = arith.index_cast %multiple_of3A : i32 to index
        %get3A_425 = tpu.vector_load %arg6[%get3A_423, %get3A_424] {strides = array<i32>} : memref<128x128xf32, #tpu.memory_space<vmem>>, vector<1x16xf32>,
        %get3A_426 = vector.shape_cast %get3A_425 : vector<1x16xf32> to vector<16xf32>
        %get3A_427 = arith.constant 55 : i32
        %get3A_428 = arith.index_cast %get3A_427 : i32 to index
        %get3A_429 = arith.index_cast %multiple_of3A : i32 to index
        %get3A_430 = tpu.vector_load %arg6[%get3A_428, %get3A_429] {strides = array<i32>} : memref<128x128xf32, #tpu.memory_space<vmem>>, vector<1x16xf32>,
        %get3A_431 = vector.shape_cast %get3A_430 : vector<1x16xf32> to vector<16xf32>
        %get3A_432 = arith.constant 56 : i32
        %get3A_433 = arith.index_cast %get3A_432 : i32 to index
        %get3A_434 = arith.index_cast %multiple_of3A : i32 to index
        %get3A_435 = tpu.vector_load %arg6[%get3A_433, %get3A_434] {strides = array<i32>} : memref<128x128xf32, #tpu.memory_space<vmem>>, vector<1x16xf32>,
        %get3A_436 = vector.shape_cast %get3A_435 : vector<1x16xf32> to vector<16xf32>
        %get3A_437 = arith.constant 57 : i32
        %get3A_438 = arith.index_cast %get3A_437 : i32 to index
        %get3A_439 = arith.index_cast %multiple_of3A : i32 to index
        %get3A_440 = tpu.vector_load %arg6[%get3A_438, %get3A_439] {strides = array<i32>} : memref<128x128xf32, #tpu.memory_space<vmem>>, vector<1x16xf32>,
        %get3A_441 = vector.shape_cast %get3A_440 : vector<1x16xf32> to vector<16xf32>
        %get3A_442 = arith.constant 58 : i32
        %get3A_443 = arith.index_cast %get3A_442 : i32 to index
        %get3A_444 = arith.index_cast %multiple_of3A : i32 to index
        %get3A_445 = tpu.vector_load %arg6[%get3A_443, %get3A_444] {strides = array<i32>} : memref<128x128xf32, #tpu.memory_space<vmem>>, vector<1x16xf32>,
        %get3A_446 = vector.shape_cast %get3A_445 : vector<1x16xf32> to vector<16xf32>
        %get3A_447 = arith.constant 59 : i32
        %get3A_448 = arith.index_cast %get3A_447 : i32 to index
        %get3A_449 = arith.index_cast %multiple_of3A : i32 to index
        %get3A_450 = tpu.vector_load %arg6[%get3A_448, %get3A_449] {strides = array<i32>} : memref<128x128xf32, #tpu.memory_space<vmem>>, vector<1x16xf32>,
        %get3A_451 = vector.shape_cast %get3A_450 : vector<1x16xf32> to vector<16xf32>
        %get3A_452 = arith.constant 60 : i32
        %get3A_453 = arith.index_cast %get3A_452 : i32 to index
        %get3A_454 = arith.index_cast %multiple_of3A : i32 to index
        %get3A_455 = tpu.vector_load %arg6[%get3A_453, %get3A_454] {strides = array<i32>} : memref<128x128xf32, #tpu.memory_space<vmem>>, vector<1x16xf32>,
        %get3A_456 = vector.shape_cast %get3A_455 : vector<1x16xf32> to vector<16xf32>
        %get3A_457 = arith.constant 61 : i32
        %get3A_458 = arith.index_cast %get3A_457 : i32 to index
        %get3A_459 = arith.index_cast %multiple_of3A : i32 to index
        %get3A_460 = tpu.vector_load %arg6[%get3A_458, %get3A_459] {strides = array<i32>} : memref<128x128xf32, #tpu.memory_space<vmem>>, vector<1x16xf32>,
        %get3A_461 = vector.shape_cast %get3A_460 : vector<1x16xf32> to vector<16xf32>
        %get3A_462 = arith.constant 62 : i32
        %get3A_463 = arith.index_cast %get3A_462 : i32 to index
        %get3A_464 = arith.index_cast %multiple_of3A : i32 to index
        %get3A_465 = tpu.vector_load %arg6[%get3A_463, %get3A_464] {strides = array<i32>} : memref<128x128xf32, #tpu.memory_space<vmem>>, vector<1x16xf32>,
        %get3A_466 = vector.shape_cast %get3A_465 : vector<1x16xf32> to vector<16xf32>
        %get3A_467 = arith.constant 63 : i32
        %get3A_468 = arith.index_cast %get3A_467 : i32 to index
        %get3A_469 = arith.index_cast %multiple_of3A : i32 to index
        %get3A_470 = tpu.vector_load %arg6[%get3A_468, %get3A_469] {strides = array<i32>} : memref<128x128xf32, #tpu.memory_space<vmem>>, vector<1x16xf32>,
        %get3A_471 = vector.shape_cast %get3A_470 : vector<1x16xf32> to vector<16xf32>
        %max3A_472 = arith.maximumf %get3A_316, %get3A_321 : vector<16xf32>
        %max3A_473 = arith.maximumf %get3A_326, %get3A_331 : vector<16xf32>
        %max3A_474 = arith.maximumf %get3A_336, %get3A_341 : vector<16xf32>
        %max3A_475 = arith.maximumf %get3A_346, %get3A_351 : vector<16xf32>
        %max3A_476 = arith.maximumf %get3A_356, %get3A_361 : vector<16xf32>
        %max3A_477 = arith.maximumf %get3A_366, %get3A_371 : vector<16xf32>
        %max3A_478 = arith.maximumf %get3A_376, %get3A_381 : vector<16xf32>
        %max3A_479 = arith.maximumf %get3A_386, %get3A_391 : vector<16xf32>
        %max3A_480 = arith.maximumf %get3A_396, %get3A_401 : vector<16xf32>
        %max3A_481 = arith.maximumf %get3A_406, %get3A_411 : vector<16xf32>
        %max3A_482 = arith.maximumf %get3A_416, %get3A_421 : vector<16xf32>
        %max3A_483 = arith.maximumf %get3A_426, %get3A_431 : vector<16xf32>
        %max3A_484 = arith.maximumf %get3A_436, %get3A_441 : vector<16xf32>
        %max3A_485 = arith.maximumf %get3A_446, %get3A_451 : vector<16xf32>
        %max3A_486 = arith.maximumf %get3A_456, %get3A_461 : vector<16xf32>
        %max3A_487 = arith.maximumf %get3A_466, %get3A_471 : vector<16xf32>
        %max3A_488 = arith.maximumf %max3A_472, %max3A_473 : vector<16xf32>
        %max3A_489 = arith.maximumf %max3A_474, %max3A_475 : vector<16xf32>
        %max3A_490 = arith.maximumf %max3A_476, %max3A_477 : vector<16xf32>
        %max3A_491 = arith.maximumf %max3A_478, %max3A_479 : vector<16xf32>
        %max3A_492 = arith.maximumf %max3A_480, %max3A_481 : vector<16xf32>
        %max3A_493 = arith.maximumf %max3A_482, %max3A_483 : vector<16xf32>
        %max3A_494 = arith.maximumf %max3A_484, %max3A_485 : vector<16xf32>
        %max3A_495 = arith.maximumf %max3A_486, %max3A_487 : vector<16xf32>
        %max3A_496 = arith.maximumf %max3A_488, %max3A_489 : vector<16xf32>
        %max3A_497 = arith.maximumf %max3A_490, %max3A_491 : vector<16xf32>
        %max3A_498 = arith.maximumf %max3A_492, %max3A_493 : vector<16xf32>
        %max3A_499 = arith.maximumf %max3A_494, %max3A_495 : vector<16xf32>
        %max3A_500 = arith.maximumf %max3A_496, %max3A_497 : vector<16xf32>
        %max3A_501 = arith.maximumf %max3A_498, %max3A_499 : vector<16xf32>
        %max3A_502 = arith.maximumf %max3A_500, %max3A_501 : vector<16xf32>
        %add3A_503 = arith.constant 64 : i32
        %add3A_504 = arith.addi %add3A_503, %add3A_70 : i32
        %swap3A_505 = arith.index_cast %add3A_504 : i32 to index
        %swap3A_506 = arith.index_cast %multiple_of3A : i32 to index
        %swap3A_507 = tpu.vector_load %arg8[%swap3A_505, %swap3A_506] {strides = array<i32>} : memref<256x128xf32, #tpu.memory_space<vmem>>, vector<1x16xf32>,
        %swap3A_508 = vector.shape_cast %swap3A_507 : vector<1x16xf32> to vector<16xf32>
        %swap3A_509 = vector.shape_cast %max3A_502 : vector<16xf32> to vector<1x16xf32>
        tpu.vector_store %arg8[%swap3A_505, %swap3A_506], %swap3A_509 {strides = array<i32>} : memref<256x128xf32, #tpu.memory_space<vmem>>, vector<1x16xf32>,
        %get3A_510 = arith.constant 64 : i32
        %get3A_511 = arith.index_cast %get3A_510 : i32 to index
        %get3A_512 = arith.index_cast %multiple_of3A : i32 to index
        %get3A_513 = tpu.vector_load %arg6[%get3A_511, %get3A_512] {strides = array<i32>} : memref<128x128xf32, #tpu.memory_space<vmem>>, vector<1x16xf32>,
        %get3A_514 = vector.shape_cast %get3A_513 : vector<1x16xf32> to vector<16xf32>
        %get3A_515 = arith.constant 65 : i32
        %get3A_516 = arith.index_cast %get3A_515 : i32 to index
        %get3A_517 = arith.index_cast %multiple_of3A : i32 to index
        %get3A_518 = tpu.vector_load %arg6[%get3A_516, %get3A_517] {strides = array<i32>} : memref<128x128xf32, #tpu.memory_space<vmem>>, vector<1x16xf32>,
        %get3A_519 = vector.shape_cast %get3A_518 : vector<1x16xf32> to vector<16xf32>
        %get3A_520 = arith.constant 66 : i32
        %get3A_521 = arith.index_cast %get3A_520 : i32 to index
        %get3A_522 = arith.index_cast %multiple_of3A : i32 to index
        %get3A_523 = tpu.vector_load %arg6[%get3A_521, %get3A_522] {strides = array<i32>} : memref<128x128xf32, #tpu.memory_space<vmem>>, vector<1x16xf32>,
        %get3A_524 = vector.shape_cast %get3A_523 : vector<1x16xf32> to vector<16xf32>
        %get3A_525 = arith.constant 67 : i32
        %get3A_526 = arith.index_cast %get3A_525 : i32 to index
        %get3A_527 = arith.index_cast %multiple_of3A : i32 to index
        %get3A_528 = tpu.vector_load %arg6[%get3A_526, %get3A_527] {strides = array<i32>} : memref<128x128xf32, #tpu.memory_space<vmem>>, vector<1x16xf32>,
        %get3A_529 = vector.shape_cast %get3A_528 : vector<1x16xf32> to vector<16xf32>
        %get3A_530 = arith.constant 68 : i32
        %get3A_531 = arith.index_cast %get3A_530 : i32 to index
        %get3A_532 = arith.index_cast %multiple_of3A : i32 to index
        %get3A_533 = tpu.vector_load %arg6[%get3A_531, %get3A_532] {strides = array<i32>} : memref<128x128xf32, #tpu.memory_space<vmem>>, vector<1x16xf32>,
        %get3A_534 = vector.shape_cast %get3A_533 : vector<1x16xf32> to vector<16xf32>
        %get3A_535 = arith.constant 69 : i32
        %get3A_536 = arith.index_cast %get3A_535 : i32 to index
        %get3A_537 = arith.index_cast %multiple_of3A : i32 to index
        %get3A_538 = tpu.vector_load %arg6[%get3A_536, %get3A_537] {strides = array<i32>} : memref<128x128xf32, #tpu.memory_space<vmem>>, vector<1x16xf32>,
        %get3A_539 = vector.shape_cast %get3A_538 : vector<1x16xf32> to vector<16xf32>
        %get3A_540 = arith.constant 70 : i32
        %get3A_541 = arith.index_cast %get3A_540 : i32 to index
        %get3A_542 = arith.index_cast %multiple_of3A : i32 to index
        %get3A_543 = tpu.vector_load %arg6[%get3A_541, %get3A_542] {strides = array<i32>} : memref<128x128xf32, #tpu.memory_space<vmem>>, vector<1x16xf32>,
        %get3A_544 = vector.shape_cast %get3A_543 : vector<1x16xf32> to vector<16xf32>
        %get3A_545 = arith.constant 71 : i32
        %get3A_546 = arith.index_cast %get3A_545 : i32 to index
        %get3A_547 = arith.index_cast %multiple_of3A : i32 to index
        %get3A_548 = tpu.vector_load %arg6[%get3A_546, %get3A_547] {strides = array<i32>} : memref<128x128xf32, #tpu.memory_space<vmem>>, vector<1x16xf32>,
        %get3A_549 = vector.shape_cast %get3A_548 : vector<1x16xf32> to vector<16xf32>
        %get3A_550 = arith.constant 72 : i32
        %get3A_551 = arith.index_cast %get3A_550 : i32 to index
        %get3A_552 = arith.index_cast %multiple_of3A : i32 to index
        %get3A_553 = tpu.vector_load %arg6[%get3A_551, %get3A_552] {strides = array<i32>} : memref<128x128xf32, #tpu.memory_space<vmem>>, vector<1x16xf32>,
        %get3A_554 = vector.shape_cast %get3A_553 : vector<1x16xf32> to vector<16xf32>
        %get3A_555 = arith.constant 73 : i32
        %get3A_556 = arith.index_cast %get3A_555 : i32 to index
        %get3A_557 = arith.index_cast %multiple_of3A : i32 to index
        %get3A_558 = tpu.vector_load %arg6[%get3A_556, %get3A_557] {strides = array<i32>} : memref<128x128xf32, #tpu.memory_space<vmem>>, vector<1x16xf32>,
        %get3A_559 = vector.shape_cast %get3A_558 : vector<1x16xf32> to vector<16xf32>
        %get3A_560 = arith.constant 74 : i32
        %get3A_561 = arith.index_cast %get3A_560 : i32 to index
        %get3A_562 = arith.index_cast %multiple_of3A : i32 to index
        %get3A_563 = tpu.vector_load %arg6[%get3A_561, %get3A_562] {strides = array<i32>} : memref<128x128xf32, #tpu.memory_space<vmem>>, vector<1x16xf32>,
        %get3A_564 = vector.shape_cast %get3A_563 : vector<1x16xf32> to vector<16xf32>
        %get3A_565 = arith.constant 75 : i32
        %get3A_566 = arith.index_cast %get3A_565 : i32 to index
        %get3A_567 = arith.index_cast %multiple_of3A : i32 to index
        %get3A_568 = tpu.vector_load %arg6[%get3A_566, %get3A_567] {strides = array<i32>} : memref<128x128xf32, #tpu.memory_space<vmem>>, vector<1x16xf32>,
        %get3A_569 = vector.shape_cast %get3A_568 : vector<1x16xf32> to vector<16xf32>
        %get3A_570 = arith.constant 76 : i32
        %get3A_571 = arith.index_cast %get3A_570 : i32 to index
        %get3A_572 = arith.index_cast %multiple_of3A : i32 to index
        %get3A_573 = tpu.vector_load %arg6[%get3A_571, %get3A_572] {strides = array<i32>} : memref<128x128xf32, #tpu.memory_space<vmem>>, vector<1x16xf32>,
        %get3A_574 = vector.shape_cast %get3A_573 : vector<1x16xf32> to vector<16xf32>
        %get3A_575 = arith.constant 77 : i32
        %get3A_576 = arith.index_cast %get3A_575 : i32 to index
        %get3A_577 = arith.index_cast %multiple_of3A : i32 to index
        %get3A_578 = tpu.vector_load %arg6[%get3A_576, %get3A_577] {strides = array<i32>} : memref<128x128xf32, #tpu.memory_space<vmem>>, vector<1x16xf32>,
        %get3A_579 = vector.shape_cast %get3A_578 : vector<1x16xf32> to vector<16xf32>
        %get3A_580 = arith.constant 78 : i32
        %get3A_581 = arith.index_cast %get3A_580 : i32 to index
        %get3A_582 = arith.index_cast %multiple_of3A : i32 to index
        %get3A_583 = tpu.vector_load %arg6[%get3A_581, %get3A_582] {strides = array<i32>} : memref<128x128xf32, #tpu.memory_space<vmem>>, vector<1x16xf32>,
        %get3A_584 = vector.shape_cast %get3A_583 : vector<1x16xf32> to vector<16xf32>
        %get3A_585 = arith.constant 79 : i32
        %get3A_586 = arith.index_cast %get3A_585 : i32 to index
        %get3A_587 = arith.index_cast %multiple_of3A : i32 to index
        %get3A_588 = tpu.vector_load %arg6[%get3A_586, %get3A_587] {strides = array<i32>} : memref<128x128xf32, #tpu.memory_space<vmem>>, vector<1x16xf32>,
        %get3A_589 = vector.shape_cast %get3A_588 : vector<1x16xf32> to vector<16xf32>
        %get3A_590 = arith.constant 80 : i32
        %get3A_591 = arith.index_cast %get3A_590 : i32 to index
        %get3A_592 = arith.index_cast %multiple_of3A : i32 to index
        %get3A_593 = tpu.vector_load %arg6[%get3A_591, %get3A_592] {strides = array<i32>} : memref<128x128xf32, #tpu.memory_space<vmem>>, vector<1x16xf32>,
        %get3A_594 = vector.shape_cast %get3A_593 : vector<1x16xf32> to vector<16xf32>
        %get3A_595 = arith.constant 81 : i32
        %get3A_596 = arith.index_cast %get3A_595 : i32 to index
        %get3A_597 = arith.index_cast %multiple_of3A : i32 to index
        %get3A_598 = tpu.vector_load %arg6[%get3A_596, %get3A_597] {strides = array<i32>} : memref<128x128xf32, #tpu.memory_space<vmem>>, vector<1x16xf32>,
        %get3A_599 = vector.shape_cast %get3A_598 : vector<1x16xf32> to vector<16xf32>
        %get3A_600 = arith.constant 82 : i32
        %get3A_601 = arith.index_cast %get3A_600 : i32 to index
        %get3A_602 = arith.index_cast %multiple_of3A : i32 to index
        %get3A_603 = tpu.vector_load %arg6[%get3A_601, %get3A_602] {strides = array<i32>} : memref<128x128xf32, #tpu.memory_space<vmem>>, vector<1x16xf32>,
        %get3A_604 = vector.shape_cast %get3A_603 : vector<1x16xf32> to vector<16xf32>
        %get3A_605 = arith.constant 83 : i32
        %get3A_606 = arith.index_cast %get3A_605 : i32 to index
        %get3A_607 = arith.index_cast %multiple_of3A : i32 to index
        %get3A_608 = tpu.vector_load %arg6[%get3A_606, %get3A_607] {strides = array<i32>} : memref<128x128xf32, #tpu.memory_space<vmem>>, vector<1x16xf32>,
        %get3A_609 = vector.shape_cast %get3A_608 : vector<1x16xf32> to vector<16xf32>
        %get3A_610 = arith.constant 84 : i32
        %get3A_611 = arith.index_cast %get3A_610 : i32 to index
        %get3A_612 = arith.index_cast %multiple_of3A : i32 to index
        %get3A_613 = tpu.vector_load %arg6[%get3A_611, %get3A_612] {strides = array<i32>} : memref<128x128xf32, #tpu.memory_space<vmem>>, vector<1x16xf32>,
        %get3A_614 = vector.shape_cast %get3A_613 : vector<1x16xf32> to vector<16xf32>
        %get3A_615 = arith.constant 85 : i32
        %get3A_616 = arith.index_cast %get3A_615 : i32 to index
        %get3A_617 = arith.index_cast %multiple_of3A : i32 to index
        %get3A_618 = tpu.vector_load %arg6[%get3A_616, %get3A_617] {strides = array<i32>} : memref<128x128xf32, #tpu.memory_space<vmem>>, vector<1x16xf32>,
        %get3A_619 = vector.shape_cast %get3A_618 : vector<1x16xf32> to vector<16xf32>
        %get3A_620 = arith.constant 86 : i32
        %get3A_621 = arith.index_cast %get3A_620 : i32 to index
        %get3A_622 = arith.index_cast %multiple_of3A : i32 to index
        %get3A_623 = tpu.vector_load %arg6[%get3A_621, %get3A_622] {strides = array<i32>} : memref<128x128xf32, #tpu.memory_space<vmem>>, vector<1x16xf32>,
        %get3A_624 = vector.shape_cast %get3A_623 : vector<1x16xf32> to vector<16xf32>
        %get3A_625 = arith.constant 87 : i32
        %get3A_626 = arith.index_cast %get3A_625 : i32 to index
        %get3A_627 = arith.index_cast %multiple_of3A : i32 to index
        %get3A_628 = tpu.vector_load %arg6[%get3A_626, %get3A_627] {strides = array<i32>} : memref<128x128xf32, #tpu.memory_space<vmem>>, vector<1x16xf32>,
        %get3A_629 = vector.shape_cast %get3A_628 : vector<1x16xf32> to vector<16xf32>
        %get3A_630 = arith.constant 88 : i32
        %get3A_631 = arith.index_cast %get3A_630 : i32 to index
        %get3A_632 = arith.index_cast %multiple_of3A : i32 to index
        %get3A_633 = tpu.vector_load %arg6[%get3A_631, %get3A_632] {strides = array<i32>} : memref<128x128xf32, #tpu.memory_space<vmem>>, vector<1x16xf32>,
        %get3A_634 = vector.shape_cast %get3A_633 : vector<1x16xf32> to vector<16xf32>
        %get3A_635 = arith.constant 89 : i32
        %get3A_636 = arith.index_cast %get3A_635 : i32 to index
        %get3A_637 = arith.index_cast %multiple_of3A : i32 to index
        %get3A_638 = tpu.vector_load %arg6[%get3A_636, %get3A_637] {strides = array<i32>} : memref<128x128xf32, #tpu.memory_space<vmem>>, vector<1x16xf32>,
        %get3A_639 = vector.shape_cast %get3A_638 : vector<1x16xf32> to vector<16xf32>
        %get3A_640 = arith.constant 90 : i32
        %get3A_641 = arith.index_cast %get3A_640 : i32 to index
        %get3A_642 = arith.index_cast %multiple_of3A : i32 to index
        %get3A_643 = tpu.vector_load %arg6[%get3A_641, %get3A_642] {strides = array<i32>} : memref<128x128xf32, #tpu.memory_space<vmem>>, vector<1x16xf32>,
        %get3A_644 = vector.shape_cast %get3A_643 : vector<1x16xf32> to vector<16xf32>
        %get3A_645 = arith.constant 91 : i32
        %get3A_646 = arith.index_cast %get3A_645 : i32 to index
        %get3A_647 = arith.index_cast %multiple_of3A : i32 to index
        %get3A_648 = tpu.vector_load %arg6[%get3A_646, %get3A_647] {strides = array<i32>} : memref<128x128xf32, #tpu.memory_space<vmem>>, vector<1x16xf32>,
        %get3A_649 = vector.shape_cast %get3A_648 : vector<1x16xf32> to vector<16xf32>
        %get3A_650 = arith.constant 92 : i32
        %get3A_651 = arith.index_cast %get3A_650 : i32 to index
        %get3A_652 = arith.index_cast %multiple_of3A : i32 to index
        %get3A_653 = tpu.vector_load %arg6[%get3A_651, %get3A_652] {strides = array<i32>} : memref<128x128xf32, #tpu.memory_space<vmem>>, vector<1x16xf32>,
        %get3A_654 = vector.shape_cast %get3A_653 : vector<1x16xf32> to vector<16xf32>
        %get3A_655 = arith.constant 93 : i32
        %get3A_656 = arith.index_cast %get3A_655 : i32 to index
        %get3A_657 = arith.index_cast %multiple_of3A : i32 to index
        %get3A_658 = tpu.vector_load %arg6[%get3A_656, %get3A_657] {strides = array<i32>} : memref<128x128xf32, #tpu.memory_space<vmem>>, vector<1x16xf32>,
        %get3A_659 = vector.shape_cast %get3A_658 : vector<1x16xf32> to vector<16xf32>
        %get3A_660 = arith.constant 94 : i32
        %get3A_661 = arith.index_cast %get3A_660 : i32 to index
        %get3A_662 = arith.index_cast %multiple_of3A : i32 to index
        %get3A_663 = tpu.vector_load %arg6[%get3A_661, %get3A_662] {strides = array<i32>} : memref<128x128xf32, #tpu.memory_space<vmem>>, vector<1x16xf32>,
        %get3A_664 = vector.shape_cast %get3A_663 : vector<1x16xf32> to vector<16xf32>
        %get3A_665 = arith.constant 95 : i32
        %get3A_666 = arith.index_cast %get3A_665 : i32 to index
        %get3A_667 = arith.index_cast %multiple_of3A : i32 to index
        %get3A_668 = tpu.vector_load %arg6[%get3A_666, %get3A_667] {strides = array<i32>} : memref<128x128xf32, #tpu.memory_space<vmem>>, vector<1x16xf32>,
        %get3A_669 = vector.shape_cast %get3A_668 : vector<1x16xf32> to vector<16xf32>
        %max3A_670 = arith.maximumf %get3A_514, %get3A_519 : vector<16xf32>
        %max3A_671 = arith.maximumf %get3A_524, %get3A_529 : vector<16xf32>
        %max3A_672 = arith.maximumf %get3A_534, %get3A_539 : vector<16xf32>
        %max3A_673 = arith.maximumf %get3A_544, %get3A_549 : vector<16xf32>
        %max3A_674 = arith.maximumf %get3A_554, %get3A_559 : vector<16xf32>
        %max3A_675 = arith.maximumf %get3A_564, %get3A_569 : vector<16xf32>
        %max3A_676 = arith.maximumf %get3A_574, %get3A_579 : vector<16xf32>
        %max3A_677 = arith.maximumf %get3A_584, %get3A_589 : vector<16xf32>
        %max3A_678 = arith.maximumf %get3A_594, %get3A_599 : vector<16xf32>
        %max3A_679 = arith.maximumf %get3A_604, %get3A_609 : vector<16xf32>
        %max3A_680 = arith.maximumf %get3A_614, %get3A_619 : vector<16xf32>
        %max3A_681 = arith.maximumf %get3A_624, %get3A_629 : vector<16xf32>
        %max3A_682 = arith.maximumf %get3A_634, %get3A_639 : vector<16xf32>
        %max3A_683 = arith.maximumf %get3A_644, %get3A_649 : vector<16xf32>
        %max3A_684 = arith.maximumf %get3A_654, %get3A_659 : vector<16xf32>
        %max3A_685 = arith.maximumf %get3A_664, %get3A_669 : vector<16xf32>
        %max3A_686 = arith.maximumf %max3A_670, %max3A_671 : vector<16xf32>
        %max3A_687 = arith.maximumf %max3A_672, %max3A_673 : vector<16xf32>
        %max3A_688 = arith.maximumf %max3A_674, %max3A_675 : vector<16xf32>
        %max3A_689 = arith.maximumf %max3A_676, %max3A_677 : vector<16xf32>
        %max3A_690 = arith.maximumf %max3A_678, %max3A_679 : vector<16xf32>
        %max3A_691 = arith.maximumf %max3A_680, %max3A_681 : vector<16xf32>
        %max3A_692 = arith.maximumf %max3A_682, %max3A_683 : vector<16xf32>
        %max3A_693 = arith.maximumf %max3A_684, %max3A_685 : vector<16xf32>
        %max3A_694 = arith.maximumf %max3A_686, %max3A_687 : vector<16xf32>
        %max3A_695 = arith.maximumf %max3A_688, %max3A_689 : vector<16xf32>
        %max3A_696 = arith.maximumf %max3A_690, %max3A_691 : vector<16xf32>
        %max3A_697 = arith.maximumf %max3A_692, %max3A_693 : vector<16xf32>
        %max3A_698 = arith.maximumf %max3A_694, %max3A_695 : vector<16xf32>
        %max3A_699 = arith.maximumf %max3A_696, %max3A_697 : vector<16xf32>
        %max3A_700 = arith.maximumf %max3A_698, %max3A_699 : vector<16xf32>
        %add3A_701 = arith.constant 128 : i32
        %add3A_702 = arith.addi %add3A_701, %add3A_70 : i32
        %swap3A_703 = arith.index_cast %add3A_702 : i32 to index
        %swap3A_704 = arith.index_cast %multiple_of3A : i32 to index
        %swap3A_705 = tpu.vector_load %arg8[%swap3A_703, %swap3A_704] {strides = array<i32>} : memref<256x128xf32, #tpu.memory_space<vmem>>, vector<1x16xf32>,
        %swap3A_706 = vector.shape_cast %swap3A_705 : vector<1x16xf32> to vector<16xf32>
        %swap3A_707 = vector.shape_cast %max3A_700 : vector<16xf32> to vector<1x16xf32>
        tpu.vector_store %arg8[%swap3A_703, %swap3A_704], %swap3A_707 {strides = array<i32>} : memref<256x128xf32, #tpu.memory_space<vmem>>, vector<1x16xf32>,
        %get3A_708 = arith.constant 96 : i32
        %get3A_709 = arith.index_cast %get3A_708 : i32 to index
        %get3A_710 = arith.index_cast %multiple_of3A : i32 to index
        %get3A_711 = tpu.vector_load %arg6[%get3A_709, %get3A_710] {strides = array<i32>} : memref<128x128xf32, #tpu.memory_space<vmem>>, vector<1x16xf32>,
        %get3A_712 = vector.shape_cast %get3A_711 : vector<1x16xf32> to vector<16xf32>
        %get3A_713 = arith.constant 97 : i32
        %get3A_714 = arith.index_cast %get3A_713 : i32 to index
        %get3A_715 = arith.index_cast %multiple_of3A : i32 to index
        %get3A_716 = tpu.vector_load %arg6[%get3A_714, %get3A_715] {strides = array<i32>} : memref<128x128xf32, #tpu.memory_space<vmem>>, vector<1x16xf32>,
        %get3A_717 = vector.shape_cast %get3A_716 : vector<1x16xf32> to vector<16xf32>
        %get3A_718 = arith.constant 98 : i32
        %get3A_719 = arith.index_cast %get3A_718 : i32 to index
        %get3A_720 = arith.index_cast %multiple_of3A : i32 to index
        %get3A_721 = tpu.vector_load %arg6[%get3A_719, %get3A_720] {strides = array<i32>} : memref<128x128xf32, #tpu.memory_space<vmem>>, vector<1x16xf32>,
        %get3A_722 = vector.shape_cast %get3A_721 : vector<1x16xf32> to vector<16xf32>
        %get3A_723 = arith.constant 99 : i32
        %get3A_724 = arith.index_cast %get3A_723 : i32 to index
        %get3A_725 = arith.index_cast %multiple_of3A : i32 to index
        %get3A_726 = tpu.vector_load %arg6[%get3A_724, %get3A_725] {strides = array<i32>} : memref<128x128xf32, #tpu.memory_space<vmem>>, vector<1x16xf32>,
        %get3A_727 = vector.shape_cast %get3A_726 : vector<1x16xf32> to vector<16xf32>
        %get3A_728 = arith.constant 100 : i32
        %get3A_729 = arith.index_cast %get3A_728 : i32 to index
        %get3A_730 = arith.index_cast %multiple_of3A : i32 to index
        %get3A_731 = tpu.vector_load %arg6[%get3A_729, %get3A_730] {strides = array<i32>} : memref<128x128xf32, #tpu.memory_space<vmem>>, vector<1x16xf32>,
        %get3A_732 = vector.shape_cast %get3A_731 : vector<1x16xf32> to vector<16xf32>
        %get3A_733 = arith.constant 101 : i32
        %get3A_734 = arith.index_cast %get3A_733 : i32 to index
        %get3A_735 = arith.index_cast %multiple_of3A : i32 to index
        %get3A_736 = tpu.vector_load %arg6[%get3A_734, %get3A_735] {strides = array<i32>} : memref<128x128xf32, #tpu.memory_space<vmem>>, vector<1x16xf32>,
        %get3A_737 = vector.shape_cast %get3A_736 : vector<1x16xf32> to vector<16xf32>
        %get3A_738 = arith.constant 102 : i32
        %get3A_739 = arith.index_cast %get3A_738 : i32 to index
        %get3A_740 = arith.index_cast %multiple_of3A : i32 to index
        %get3A_741 = tpu.vector_load %arg6[%get3A_739, %get3A_740] {strides = array<i32>} : memref<128x128xf32, #tpu.memory_space<vmem>>, vector<1x16xf32>,
        %get3A_742 = vector.shape_cast %get3A_741 : vector<1x16xf32> to vector<16xf32>
        %get3A_743 = arith.constant 103 : i32
        %get3A_744 = arith.index_cast %get3A_743 : i32 to index
        %get3A_745 = arith.index_cast %multiple_of3A : i32 to index
        %get3A_746 = tpu.vector_load %arg6[%get3A_744, %get3A_745] {strides = array<i32>} : memref<128x128xf32, #tpu.memory_space<vmem>>, vector<1x16xf32>,
        %get3A_747 = vector.shape_cast %get3A_746 : vector<1x16xf32> to vector<16xf32>
        %get3A_748 = arith.constant 104 : i32
        %get3A_749 = arith.index_cast %get3A_748 : i32 to index
        %get3A_750 = arith.index_cast %multiple_of3A : i32 to index
        %get3A_751 = tpu.vector_load %arg6[%get3A_749, %get3A_750] {strides = array<i32>} : memref<128x128xf32, #tpu.memory_space<vmem>>, vector<1x16xf32>,
        %get3A_752 = vector.shape_cast %get3A_751 : vector<1x16xf32> to vector<16xf32>
        %get3A_753 = arith.constant 105 : i32
        %get3A_754 = arith.index_cast %get3A_753 : i32 to index
        %get3A_755 = arith.index_cast %multiple_of3A : i32 to index
        %get3A_756 = tpu.vector_load %arg6[%get3A_754, %get3A_755] {strides = array<i32>} : memref<128x128xf32, #tpu.memory_space<vmem>>, vector<1x16xf32>,
        %get3A_757 = vector.shape_cast %get3A_756 : vector<1x16xf32> to vector<16xf32>
        %get3A_758 = arith.constant 106 : i32
        %get3A_759 = arith.index_cast %get3A_758 : i32 to index
        %get3A_760 = arith.index_cast %multiple_of3A : i32 to index
        %get3A_761 = tpu.vector_load %arg6[%get3A_759, %get3A_760] {strides = array<i32>} : memref<128x128xf32, #tpu.memory_space<vmem>>, vector<1x16xf32>,
        %get3A_762 = vector.shape_cast %get3A_761 : vector<1x16xf32> to vector<16xf32>
        %get3A_763 = arith.constant 107 : i32
        %get3A_764 = arith.index_cast %get3A_763 : i32 to index
        %get3A_765 = arith.index_cast %multiple_of3A : i32 to index
        %get3A_766 = tpu.vector_load %arg6[%get3A_764, %get3A_765] {strides = array<i32>} : memref<128x128xf32, #tpu.memory_space<vmem>>, vector<1x16xf32>,
        %get3A_767 = vector.shape_cast %get3A_766 : vector<1x16xf32> to vector<16xf32>
        %get3A_768 = arith.constant 108 : i32
        %get3A_769 = arith.index_cast %get3A_768 : i32 to index
        %get3A_770 = arith.index_cast %multiple_of3A : i32 to index
        %get3A_771 = tpu.vector_load %arg6[%get3A_769, %get3A_770] {strides = array<i32>} : memref<128x128xf32, #tpu.memory_space<vmem>>, vector<1x16xf32>,
        %get3A_772 = vector.shape_cast %get3A_771 : vector<1x16xf32> to vector<16xf32>
        %get3A_773 = arith.constant 109 : i32
        %get3A_774 = arith.index_cast %get3A_773 : i32 to index
        %get3A_775 = arith.index_cast %multiple_of3A : i32 to index
        %get3A_776 = tpu.vector_load %arg6[%get3A_774, %get3A_775] {strides = array<i32>} : memref<128x128xf32, #tpu.memory_space<vmem>>, vector<1x16xf32>,
        %get3A_777 = vector.shape_cast %get3A_776 : vector<1x16xf32> to vector<16xf32>
        %get3A_778 = arith.constant 110 : i32
        %get3A_779 = arith.index_cast %get3A_778 : i32 to index
        %get3A_780 = arith.index_cast %multiple_of3A : i32 to index
        %get3A_781 = tpu.vector_load %arg6[%get3A_779, %get3A_780] {strides = array<i32>} : memref<128x128xf32, #tpu.memory_space<vmem>>, vector<1x16xf32>,
        %get3A_782 = vector.shape_cast %get3A_781 : vector<1x16xf32> to vector<16xf32>
        %get3A_783 = arith.constant 111 : i32
        %get3A_784 = arith.index_cast %get3A_783 : i32 to index
        %get3A_785 = arith.index_cast %multiple_of3A : i32 to index
        %get3A_786 = tpu.vector_load %arg6[%get3A_784, %get3A_785] {strides = array<i32>} : memref<128x128xf32, #tpu.memory_space<vmem>>, vector<1x16xf32>,
        %get3A_787 = vector.shape_cast %get3A_786 : vector<1x16xf32> to vector<16xf32>
        %get3A_788 = arith.constant 112 : i32
        %get3A_789 = arith.index_cast %get3A_788 : i32 to index
        %get3A_790 = arith.index_cast %multiple_of3A : i32 to index
        %get3A_791 = tpu.vector_load %arg6[%get3A_789, %get3A_790] {strides = array<i32>} : memref<128x128xf32, #tpu.memory_space<vmem>>, vector<1x16xf32>,
        %get3A_792 = vector.shape_cast %get3A_791 : vector<1x16xf32> to vector<16xf32>
        %get3A_793 = arith.constant 113 : i32
        %get3A_794 = arith.index_cast %get3A_793 : i32 to index
        %get3A_795 = arith.index_cast %multiple_of3A : i32 to index
        %get3A_796 = tpu.vector_load %arg6[%get3A_794, %get3A_795] {strides = array<i32>} : memref<128x128xf32, #tpu.memory_space<vmem>>, vector<1x16xf32>,
        %get3A_797 = vector.shape_cast %get3A_796 : vector<1x16xf32> to vector<16xf32>
        %get3A_798 = arith.constant 114 : i32
        %get3A_799 = arith.index_cast %get3A_798 : i32 to index
        %get3A_800 = arith.index_cast %multiple_of3A : i32 to index
        %get3A_801 = tpu.vector_load %arg6[%get3A_799, %get3A_800] {strides = array<i32>} : memref<128x128xf32, #tpu.memory_space<vmem>>, vector<1x16xf32>,
        %get3A_802 = vector.shape_cast %get3A_801 : vector<1x16xf32> to vector<16xf32>
        %get3A_803 = arith.constant 115 : i32
        %get3A_804 = arith.index_cast %get3A_803 : i32 to index
        %get3A_805 = arith.index_cast %multiple_of3A : i32 to index
        %get3A_806 = tpu.vector_load %arg6[%get3A_804, %get3A_805] {strides = array<i32>} : memref<128x128xf32, #tpu.memory_space<vmem>>, vector<1x16xf32>,
        %get3A_807 = vector.shape_cast %get3A_806 : vector<1x16xf32> to vector<16xf32>
        %get3A_808 = arith.constant 116 : i32
        %get3A_809 = arith.index_cast %get3A_808 : i32 to index
        %get3A_810 = arith.index_cast %multiple_of3A : i32 to index
        %get3A_811 = tpu.vector_load %arg6[%get3A_809, %get3A_810] {strides = array<i32>} : memref<128x128xf32, #tpu.memory_space<vmem>>, vector<1x16xf32>,
        %get3A_812 = vector.shape_cast %get3A_811 : vector<1x16xf32> to vector<16xf32>
        %get3A_813 = arith.constant 117 : i32
        %get3A_814 = arith.index_cast %get3A_813 : i32 to index
        %get3A_815 = arith.index_cast %multiple_of3A : i32 to index
        %get3A_816 = tpu.vector_load %arg6[%get3A_814, %get3A_815] {strides = array<i32>} : memref<128x128xf32, #tpu.memory_space<vmem>>, vector<1x16xf32>,
        %get3A_817 = vector.shape_cast %get3A_816 : vector<1x16xf32> to vector<16xf32>
        %get3A_818 = arith.constant 118 : i32
        %get3A_819 = arith.index_cast %get3A_818 : i32 to index
        %get3A_820 = arith.index_cast %multiple_of3A : i32 to index
        %get3A_821 = tpu.vector_load %arg6[%get3A_819, %get3A_820] {strides = array<i32>} : memref<128x128xf32, #tpu.memory_space<vmem>>, vector<1x16xf32>,
        %get3A_822 = vector.shape_cast %get3A_821 : vector<1x16xf32> to vector<16xf32>
        %get3A_823 = arith.constant 119 : i32
        %get3A_824 = arith.index_cast %get3A_823 : i32 to index
        %get3A_825 = arith.index_cast %multiple_of3A : i32 to index
        %get3A_826 = tpu.vector_load %arg6[%get3A_824, %get3A_825] {strides = array<i32>} : memref<128x128xf32, #tpu.memory_space<vmem>>, vector<1x16xf32>,
        %get3A_827 = vector.shape_cast %get3A_826 : vector<1x16xf32> to vector<16xf32>
        %get3A_828 = arith.constant 120 : i32
        %get3A_829 = arith.index_cast %get3A_828 : i32 to index
        %get3A_830 = arith.index_cast %multiple_of3A : i32 to index
        %get3A_831 = tpu.vector_load %arg6[%get3A_829, %get3A_830] {strides = array<i32>} : memref<128x128xf32, #tpu.memory_space<vmem>>, vector<1x16xf32>,
        %get3A_832 = vector.shape_cast %get3A_831 : vector<1x16xf32> to vector<16xf32>
        %get3A_833 = arith.constant 121 : i32
        %get3A_834 = arith.index_cast %get3A_833 : i32 to index
        %get3A_835 = arith.index_cast %multiple_of3A : i32 to index
        %get3A_836 = tpu.vector_load %arg6[%get3A_834, %get3A_835] {strides = array<i32>} : memref<128x128xf32, #tpu.memory_space<vmem>>, vector<1x16xf32>,
        %get3A_837 = vector.shape_cast %get3A_836 : vector<1x16xf32> to vector<16xf32>
        %get3A_838 = arith.constant 122 : i32
        %get3A_839 = arith.index_cast %get3A_838 : i32 to index
        %get3A_840 = arith.index_cast %multiple_of3A : i32 to index
        %get3A_841 = tpu.vector_load %arg6[%get3A_839, %get3A_840] {strides = array<i32>} : memref<128x128xf32, #tpu.memory_space<vmem>>, vector<1x16xf32>,
        %get3A_842 = vector.shape_cast %get3A_841 : vector<1x16xf32> to vector<16xf32>
        %get3A_843 = arith.constant 123 : i32
        %get3A_844 = arith.index_cast %get3A_843 : i32 to index
        %get3A_845 = arith.index_cast %multiple_of3A : i32 to index
        %get3A_846 = tpu.vector_load %arg6[%get3A_844, %get3A_845] {strides = array<i32>} : memref<128x128xf32, #tpu.memory_space<vmem>>, vector<1x16xf32>,
        %get3A_847 = vector.shape_cast %get3A_846 : vector<1x16xf32> to vector<16xf32>
        %get3A_848 = arith.constant 124 : i32
        %get3A_849 = arith.index_cast %get3A_848 : i32 to index
        %get3A_850 = arith.index_cast %multiple_of3A : i32 to index
        %get3A_851 = tpu.vector_load %arg6[%get3A_849, %get3A_850] {strides = array<i32>} : memref<128x128xf32, #tpu.memory_space<vmem>>, vector<1x16xf32>,
        %get3A_852 = vector.shape_cast %get3A_851 : vector<1x16xf32> to vector<16xf32>
        %get3A_853 = arith.constant 125 : i32
        %get3A_854 = arith.index_cast %get3A_853 : i32 to index
        %get3A_855 = arith.index_cast %multiple_of3A : i32 to index
        %get3A_856 = tpu.vector_load %arg6[%get3A_854, %get3A_855] {strides = array<i32>} : memref<128x128xf32, #tpu.memory_space<vmem>>, vector<1x16xf32>,
        %get3A_857 = vector.shape_cast %get3A_856 : vector<1x16xf32> to vector<16xf32>
        %get3A_858 = arith.constant 126 : i32
        %get3A_859 = arith.index_cast %get3A_858 : i32 to index
        %get3A_860 = arith.index_cast %multiple_of3A : i32 to index
        %get3A_861 = tpu.vector_load %arg6[%get3A_859, %get3A_860] {strides = array<i32>} : memref<128x128xf32, #tpu.memory_space<vmem>>, vector<1x16xf32>,
        %get3A_862 = vector.shape_cast %get3A_861 : vector<1x16xf32> to vector<16xf32>
        %get3A_863 = arith.constant 127 : i32
        %get3A_864 = arith.index_cast %get3A_863 : i32 to index
        %get3A_865 = arith.index_cast %multiple_of3A : i32 to index
        %get3A_866 = tpu.vector_load %arg6[%get3A_864, %get3A_865] {strides = array<i32>} : memref<128x128xf32, #tpu.memory_space<vmem>>, vector<1x16xf32>,
        %get3A_867 = vector.shape_cast %get3A_866 : vector<1x16xf32> to vector<16xf32>
        %max3A_868 = arith.maximumf %get3A_712, %get3A_717 : vector<16xf32>
        %max3A_869 = arith.maximumf %get3A_722, %get3A_727 : vector<16xf32>
        %max3A_870 = arith.maximumf %get3A_732, %get3A_737 : vector<16xf32>
        %max3A_871 = arith.maximumf %get3A_742, %get3A_747 : vector<16xf32>
        %max3A_872 = arith.maximumf %get3A_752, %get3A_757 : vector<16xf32>
        %max3A_873 = arith.maximumf %get3A_762, %get3A_767 : vector<16xf32>
        %max3A_874 = arith.maximumf %get3A_772, %get3A_777 : vector<16xf32>
        %max3A_875 = arith.maximumf %get3A_782, %get3A_787 : vector<16xf32>
        %max3A_876 = arith.maximumf %get3A_792, %get3A_797 : vector<16xf32>
        %max3A_877 = arith.maximumf %get3A_802, %get3A_807 : vector<16xf32>
        %max3A_878 = arith.maximumf %get3A_812, %get3A_817 : vector<16xf32>
        %max3A_879 = arith.maximumf %get3A_822, %get3A_827 : vector<16xf32>
        %max3A_880 = arith.maximumf %get3A_832, %get3A_837 : vector<16xf32>
        %max3A_881 = arith.maximumf %get3A_842, %get3A_847 : vector<16xf32>
        %max3A_882 = arith.maximumf %get3A_852, %get3A_857 : vector<16xf32>
        %max3A_883 = arith.maximumf %get3A_862, %get3A_867 : vector<16xf32>
        %max3A_884 = arith.maximumf %max3A_868, %max3A_869 : vector<16xf32>
        %max3A_885 = arith.maximumf %max3A_870, %max3A_871 : vector<16xf32>
        %max3A_886 = arith.maximumf %max3A_872, %max3A_873 : vector<16xf32>
        %max3A_887 = arith.maximumf %max3A_874, %max3A_875 : vector<16xf32>
        %max3A_888 = arith.maximumf %max3A_876, %max3A_877 : vector<16xf32>
        %max3A_889 = arith.maximumf %max3A_878, %max3A_879 : vector<16xf32>
        %max3A_890 = arith.maximumf %max3A_880, %max3A_881 : vector<16xf32>
        %max3A_891 = arith.maximumf %max3A_882, %max3A_883 : vector<16xf32>
        %max3A_892 = arith.maximumf %max3A_884, %max3A_885 : vector<16xf32>
        %max3A_893 = arith.maximumf %max3A_886, %max3A_887 : vector<16xf32>
        %max3A_894 = arith.maximumf %max3A_888, %max3A_889 : vector<16xf32>
        %max3A_895 = arith.maximumf %max3A_890, %max3A_891 : vector<16xf32>
        %max3A_896 = arith.maximumf %max3A_892, %max3A_893 : vector<16xf32>
        %max3A_897 = arith.maximumf %max3A_894, %max3A_895 : vector<16xf32>
        %max3A_898 = arith.maximumf %max3A_896, %max3A_897 : vector<16xf32>
        %add3A_899 = arith.constant 192 : i32
        %add3A_900 = arith.addi %add3A_899, %add3A_70 : i32
        %swap3A_901 = arith.index_cast %add3A_900 : i32 to index
        %swap3A_902 = arith.index_cast %multiple_of3A : i32 to index
        %swap3A_903 = tpu.vector_load %arg8[%swap3A_901, %swap3A_902] {strides = array<i32>} : memref<256x128xf32, #tpu.memory_space<vmem>>, vector<1x16xf32>,
        %swap3A_904 = vector.shape_cast %swap3A_903 : vector<1x16xf32> to vector<16xf32>
        %swap3A_905 = vector.shape_cast %max3A_898 : vector<16xf32> to vector<1x16xf32>
        tpu.vector_store %arg8[%swap3A_901, %swap3A_902], %swap3A_905 {strides = array<i32>} : memref<256x128xf32, #tpu.memory_space<vmem>>, vector<1x16xf32>,
        %scan3A_906 = arith.constant 0 : i32
        scf.yield %scan3A_906 : i32
      }
      %scan3A_82 = arith.constant 8 : i32
      %add3A_83 = arith.constant 2 : i32
      %add3A_84 = arith.addi %add3A_70, %add3A_83 : i32
      %lt3A_85 = arith.constant 64 : i32
      %lt3A_86 = arith.cmpi slt, %add3A_84, %lt3A_85 : i32
      %convert_element_type3A = arith.extui %lt3A_86 : i1 to i32
      %cond3A = arith.constant 0 : i32
      %cond3A_87 = arith.cmpi ne, %convert_element_type3A, %cond3A : i32
      scf.if %cond3A_87 {
        %add3A_113 = arith.constant 2 : i32
        %add3A_114 = arith.addi %add3A_70, %add3A_113 : i32
        %dma_start3A_115 = arith.constant 0 : i32
        %dma_start3A_116 = tpu.memref_slice %arg5[%add3A_114, %dma_start3A_115] : memref<64x128xi32, #tpu.memory_space<vmem>> -> memref<1x128xi32, #tpu.memory_space<vmem>>
        %dma_start3A_117 = tpu.memref_squeeze %dma_start3A_116 : memref<1x128xi32, #tpu.memory_space<vmem>> -> memref<128xi32, #tpu.memory_space<vmem>>
        %dma_start3A_118 = arith.constant 0 : i32
        %dma_start3A_119 = arith.constant 0 : i32
        %dma_start3A_120 = tpu.memref_slice %arg2[%dma_start3A_118, %dma_start3A_119] : memref<8192x128xf32, #tpu.memory_space<hbm>> -> memref<8192x128xf32, #tpu.memory_space<hbm>>
        tpu.enqueue_indirect_dma source(%dma_start3A_120 : memref<8192x128xf32, #tpu.memory_space<hbm>>) target(%arg6 : memref<128x128xf32, #tpu.memory_space<vmem>>) offsets(%dma_start3A_117 : memref<128xi32, #tpu.memory_space<vmem>>) semaphore(%arg9 : memref<!tpu.dma_semaphore, #tpu.memory_space<semaphore_mem>>)
      } else {
      }
      %mul3A_88 = arith.constant 2 : i32
      %mul3A_89 = arith.muli %scan3A_65, %mul3A_88 : i32
      %add3A_90 = arith.constant 1 : i32
      %add3A_91 = arith.addi %mul3A_89, %add3A_90 : i32
      %dma_wait3A_92 = arith.constant 0 : i32
      %dma_wait3A_93 = tpu.memref_slice %arg5[%add3A_91, %dma_wait3A_92] : memref<64x128xi32, #tpu.memory_space<vmem>> -> memref<1x128xi32, #tpu.memory_space<vmem>>
      %dma_wait3A_94 = tpu.memref_squeeze %dma_wait3A_93 : memref<1x128xi32, #tpu.memory_space<vmem>> -> memref<128xi32, #tpu.memory_space<vmem>>
      %dma_wait3A_95 = arith.constant 0 : i32
      %dma_wait3A_96 = arith.constant 0 : i32
      %dma_wait3A_97 = tpu.memref_slice %arg2[%dma_wait3A_95, %dma_wait3A_96] : memref<8192x128xf32, #tpu.memory_space<hbm>> -> memref<8192x128xf32, #tpu.memory_space<hbm>>
      tpu.wait_indirect_dma semaphore(%arg10 : memref<!tpu.dma_semaphore, #tpu.memory_space<semaphore_mem>>) src(%dma_wait3A_97 : memref<8192x128xf32, #tpu.memory_space<hbm>>) dst(%arg7 : memref<128x128xf32, #tpu.memory_space<vmem>>)
      %scan3A_98 = arith.constant 0 : i32
      %scan3A_99 = arith.constant 0 : i32
      %scan3A_100 = arith.constant 8 : i32
      %scan3A_101 = arith.addi %scan3A_99, %scan3A_100 : i32
      %scan3A_102 = arith.constant 1 : i32
      %scan3A_103 = scf.for %scan3A_113 = %scan3A_99 to %scan3A_101 step %scan3A_102 iter_args(%scan3A_114 = %scan3A_98) -> (i32)  : i32 {
        %mul3A_115 = arith.constant 16 : i32
        %mul3A_116 = arith.muli %scan3A_113, %mul3A_115 : i32
        %multiple_of3A = tpu.assume_multiple %mul3A_116, 16 : i32
        %get3A = arith.constant 0 : i32
        %get3A_117 = arith.index_cast %get3A : i32 to index
        %get3A_118 = arith.index_cast %multiple_of3A : i32 to index
        %get3A_119 = tpu.vector_load %arg7[%get3A_117, %get3A_118] {strides = array<i32>} : memref<128x128xf32, #tpu.memory_space<vmem>>, vector<1x16xf32>,
        %get3A_120 = vector.shape_cast %get3A_119 : vector<1x16xf32> to vector<16xf32>
        %get3A_121 = arith.constant 1 : i32
        %get3A_122 = arith.index_cast %get3A_121 : i32 to index
        %get3A_123 = arith.index_cast %multiple_of3A : i32 to index
        %get3A_124 = tpu.vector_load %arg7[%get3A_122, %get3A_123] {strides = array<i32>} : memref<128x128xf32, #tpu.memory_space<vmem>>, vector<1x16xf32>,
        %get3A_125 = vector.shape_cast %get3A_124 : vector<1x16xf32> to vector<16xf32>
        %get3A_126 = arith.constant 2 : i32
        %get3A_127 = arith.index_cast %get3A_126 : i32 to index
        %get3A_128 = arith.index_cast %multiple_of3A : i32 to index
        %get3A_129 = tpu.vector_load %arg7[%get3A_127, %get3A_128] {strides = array<i32>} : memref<128x128xf32, #tpu.memory_space<vmem>>, vector<1x16xf32>,
        %get3A_130 = vector.shape_cast %get3A_129 : vector<1x16xf32> to vector<16xf32>
        %get3A_131 = arith.constant 3 : i32
        %get3A_132 = arith.index_cast %get3A_131 : i32 to index
        %get3A_133 = arith.index_cast %multiple_of3A : i32 to index
        %get3A_134 = tpu.vector_load %arg7[%get3A_132, %get3A_133] {strides = array<i32>} : memref<128x128xf32, #tpu.memory_space<vmem>>, vector<1x16xf32>,
        %get3A_135 = vector.shape_cast %get3A_134 : vector<1x16xf32> to vector<16xf32>
        %get3A_136 = arith.constant 4 : i32
        %get3A_137 = arith.index_cast %get3A_136 : i32 to index
        %get3A_138 = arith.index_cast %multiple_of3A : i32 to index
        %get3A_139 = tpu.vector_load %arg7[%get3A_137, %get3A_138] {strides = array<i32>} : memref<128x128xf32, #tpu.memory_space<vmem>>, vector<1x16xf32>,
        %get3A_140 = vector.shape_cast %get3A_139 : vector<1x16xf32> to vector<16xf32>
        %get3A_141 = arith.constant 5 : i32
        %get3A_142 = arith.index_cast %get3A_141 : i32 to index
        %get3A_143 = arith.index_cast %multiple_of3A : i32 to index
        %get3A_144 = tpu.vector_load %arg7[%get3A_142, %get3A_143] {strides = array<i32>} : memref<128x128xf32, #tpu.memory_space<vmem>>, vector<1x16xf32>,
        %get3A_145 = vector.shape_cast %get3A_144 : vector<1x16xf32> to vector<16xf32>
        %get3A_146 = arith.constant 6 : i32
        %get3A_147 = arith.index_cast %get3A_146 : i32 to index
        %get3A_148 = arith.index_cast %multiple_of3A : i32 to index
        %get3A_149 = tpu.vector_load %arg7[%get3A_147, %get3A_148] {strides = array<i32>} : memref<128x128xf32, #tpu.memory_space<vmem>>, vector<1x16xf32>,
        %get3A_150 = vector.shape_cast %get3A_149 : vector<1x16xf32> to vector<16xf32>
        %get3A_151 = arith.constant 7 : i32
        %get3A_152 = arith.index_cast %get3A_151 : i32 to index
        %get3A_153 = arith.index_cast %multiple_of3A : i32 to index
        %get3A_154 = tpu.vector_load %arg7[%get3A_152, %get3A_153] {strides = array<i32>} : memref<128x128xf32, #tpu.memory_space<vmem>>, vector<1x16xf32>,
        %get3A_155 = vector.shape_cast %get3A_154 : vector<1x16xf32> to vector<16xf32>
        %get3A_156 = arith.constant 8 : i32
        %get3A_157 = arith.index_cast %get3A_156 : i32 to index
        %get3A_158 = arith.index_cast %multiple_of3A : i32 to index
        %get3A_159 = tpu.vector_load %arg7[%get3A_157, %get3A_158] {strides = array<i32>} : memref<128x128xf32, #tpu.memory_space<vmem>>, vector<1x16xf32>,
        %get3A_160 = vector.shape_cast %get3A_159 : vector<1x16xf32> to vector<16xf32>
        %get3A_161 = arith.constant 9 : i32
        %get3A_162 = arith.index_cast %get3A_161 : i32 to index
        %get3A_163 = arith.index_cast %multiple_of3A : i32 to index
        %get3A_164 = tpu.vector_load %arg7[%get3A_162, %get3A_163] {strides = array<i32>} : memref<128x128xf32, #tpu.memory_space<vmem>>, vector<1x16xf32>,
        %get3A_165 = vector.shape_cast %get3A_164 : vector<1x16xf32> to vector<16xf32>
        %get3A_166 = arith.constant 10 : i32
        %get3A_167 = arith.index_cast %get3A_166 : i32 to index
        %get3A_168 = arith.index_cast %multiple_of3A : i32 to index
        %get3A_169 = tpu.vector_load %arg7[%get3A_167, %get3A_168] {strides = array<i32>} : memref<128x128xf32, #tpu.memory_space<vmem>>, vector<1x16xf32>,
        %get3A_170 = vector.shape_cast %get3A_169 : vector<1x16xf32> to vector<16xf32>
        %get3A_171 = arith.constant 11 : i32
        %get3A_172 = arith.index_cast %get3A_171 : i32 to index
        %get3A_173 = arith.index_cast %multiple_of3A : i32 to index
        %get3A_174 = tpu.vector_load %arg7[%get3A_172, %get3A_173] {strides = array<i32>} : memref<128x128xf32, #tpu.memory_space<vmem>>, vector<1x16xf32>,
        %get3A_175 = vector.shape_cast %get3A_174 : vector<1x16xf32> to vector<16xf32>
        %get3A_176 = arith.constant 12 : i32
        %get3A_177 = arith.index_cast %get3A_176 : i32 to index
        %get3A_178 = arith.index_cast %multiple_of3A : i32 to index
        %get3A_179 = tpu.vector_load %arg7[%get3A_177, %get3A_178] {strides = array<i32>} : memref<128x128xf32, #tpu.memory_space<vmem>>, vector<1x16xf32>,
        %get3A_180 = vector.shape_cast %get3A_179 : vector<1x16xf32> to vector<16xf32>
        %get3A_181 = arith.constant 13 : i32
        %get3A_182 = arith.index_cast %get3A_181 : i32 to index
        %get3A_183 = arith.index_cast %multiple_of3A : i32 to index
        %get3A_184 = tpu.vector_load %arg7[%get3A_182, %get3A_183] {strides = array<i32>} : memref<128x128xf32, #tpu.memory_space<vmem>>, vector<1x16xf32>,
        %get3A_185 = vector.shape_cast %get3A_184 : vector<1x16xf32> to vector<16xf32>
        %get3A_186 = arith.constant 14 : i32
        %get3A_187 = arith.index_cast %get3A_186 : i32 to index
        %get3A_188 = arith.index_cast %multiple_of3A : i32 to index
        %get3A_189 = tpu.vector_load %arg7[%get3A_187, %get3A_188] {strides = array<i32>} : memref<128x128xf32, #tpu.memory_space<vmem>>, vector<1x16xf32>,
        %get3A_190 = vector.shape_cast %get3A_189 : vector<1x16xf32> to vector<16xf32>
        %get3A_191 = arith.constant 15 : i32
        %get3A_192 = arith.index_cast %get3A_191 : i32 to index
        %get3A_193 = arith.index_cast %multiple_of3A : i32 to index
        %get3A_194 = tpu.vector_load %arg7[%get3A_192, %get3A_193] {strides = array<i32>} : memref<128x128xf32, #tpu.memory_space<vmem>>, vector<1x16xf32>,
        %get3A_195 = vector.shape_cast %get3A_194 : vector<1x16xf32> to vector<16xf32>
        %get3A_196 = arith.constant 16 : i32
        %get3A_197 = arith.index_cast %get3A_196 : i32 to index
        %get3A_198 = arith.index_cast %multiple_of3A : i32 to index
        %get3A_199 = tpu.vector_load %arg7[%get3A_197, %get3A_198] {strides = array<i32>} : memref<128x128xf32, #tpu.memory_space<vmem>>, vector<1x16xf32>,
        %get3A_200 = vector.shape_cast %get3A_199 : vector<1x16xf32> to vector<16xf32>
        %get3A_201 = arith.constant 17 : i32
        %get3A_202 = arith.index_cast %get3A_201 : i32 to index
        %get3A_203 = arith.index_cast %multiple_of3A : i32 to index
        %get3A_204 = tpu.vector_load %arg7[%get3A_202, %get3A_203] {strides = array<i32>} : memref<128x128xf32, #tpu.memory_space<vmem>>, vector<1x16xf32>,
        %get3A_205 = vector.shape_cast %get3A_204 : vector<1x16xf32> to vector<16xf32>
        %get3A_206 = arith.constant 18 : i32
        %get3A_207 = arith.index_cast %get3A_206 : i32 to index
        %get3A_208 = arith.index_cast %multiple_of3A : i32 to index
        %get3A_209 = tpu.vector_load %arg7[%get3A_207, %get3A_208] {strides = array<i32>} : memref<128x128xf32, #tpu.memory_space<vmem>>, vector<1x16xf32>,
        %get3A_210 = vector.shape_cast %get3A_209 : vector<1x16xf32> to vector<16xf32>
        %get3A_211 = arith.constant 19 : i32
        %get3A_212 = arith.index_cast %get3A_211 : i32 to index
        %get3A_213 = arith.index_cast %multiple_of3A : i32 to index
        %get3A_214 = tpu.vector_load %arg7[%get3A_212, %get3A_213] {strides = array<i32>} : memref<128x128xf32, #tpu.memory_space<vmem>>, vector<1x16xf32>,
        %get3A_215 = vector.shape_cast %get3A_214 : vector<1x16xf32> to vector<16xf32>
        %get3A_216 = arith.constant 20 : i32
        %get3A_217 = arith.index_cast %get3A_216 : i32 to index
        %get3A_218 = arith.index_cast %multiple_of3A : i32 to index
        %get3A_219 = tpu.vector_load %arg7[%get3A_217, %get3A_218] {strides = array<i32>} : memref<128x128xf32, #tpu.memory_space<vmem>>, vector<1x16xf32>,
        %get3A_220 = vector.shape_cast %get3A_219 : vector<1x16xf32> to vector<16xf32>
        %get3A_221 = arith.constant 21 : i32
        %get3A_222 = arith.index_cast %get3A_221 : i32 to index
        %get3A_223 = arith.index_cast %multiple_of3A : i32 to index
        %get3A_224 = tpu.vector_load %arg7[%get3A_222, %get3A_223] {strides = array<i32>} : memref<128x128xf32, #tpu.memory_space<vmem>>, vector<1x16xf32>,
        %get3A_225 = vector.shape_cast %get3A_224 : vector<1x16xf32> to vector<16xf32>
        %get3A_226 = arith.constant 22 : i32
        %get3A_227 = arith.index_cast %get3A_226 : i32 to index
        %get3A_228 = arith.index_cast %multiple_of3A : i32 to index
        %get3A_229 = tpu.vector_load %arg7[%get3A_227, %get3A_228] {strides = array<i32>} : memref<128x128xf32, #tpu.memory_space<vmem>>, vector<1x16xf32>,
        %get3A_230 = vector.shape_cast %get3A_229 : vector<1x16xf32> to vector<16xf32>
        %get3A_231 = arith.constant 23 : i32
        %get3A_232 = arith.index_cast %get3A_231 : i32 to index
        %get3A_233 = arith.index_cast %multiple_of3A : i32 to index
        %get3A_234 = tpu.vector_load %arg7[%get3A_232, %get3A_233] {strides = array<i32>} : memref<128x128xf32, #tpu.memory_space<vmem>>, vector<1x16xf32>,
        %get3A_235 = vector.shape_cast %get3A_234 : vector<1x16xf32> to vector<16xf32>
        %get3A_236 = arith.constant 24 : i32
        %get3A_237 = arith.index_cast %get3A_236 : i32 to index
        %get3A_238 = arith.index_cast %multiple_of3A : i32 to index
        %get3A_239 = tpu.vector_load %arg7[%get3A_237, %get3A_238] {strides = array<i32>} : memref<128x128xf32, #tpu.memory_space<vmem>>, vector<1x16xf32>,
        %get3A_240 = vector.shape_cast %get3A_239 : vector<1x16xf32> to vector<16xf32>
        %get3A_241 = arith.constant 25 : i32
        %get3A_242 = arith.index_cast %get3A_241 : i32 to index
        %get3A_243 = arith.index_cast %multiple_of3A : i32 to index
        %get3A_244 = tpu.vector_load %arg7[%get3A_242, %get3A_243] {strides = array<i32>} : memref<128x128xf32, #tpu.memory_space<vmem>>, vector<1x16xf32>,
        %get3A_245 = vector.shape_cast %get3A_244 : vector<1x16xf32> to vector<16xf32>
        %get3A_246 = arith.constant 26 : i32
        %get3A_247 = arith.index_cast %get3A_246 : i32 to index
        %get3A_248 = arith.index_cast %multiple_of3A : i32 to index
        %get3A_249 = tpu.vector_load %arg7[%get3A_247, %get3A_248] {strides = array<i32>} : memref<128x128xf32, #tpu.memory_space<vmem>>, vector<1x16xf32>,
        %get3A_250 = vector.shape_cast %get3A_249 : vector<1x16xf32> to vector<16xf32>
        %get3A_251 = arith.constant 27 : i32
        %get3A_252 = arith.index_cast %get3A_251 : i32 to index
        %get3A_253 = arith.index_cast %multiple_of3A : i32 to index
        %get3A_254 = tpu.vector_load %arg7[%get3A_252, %get3A_253] {strides = array<i32>} : memref<128x128xf32, #tpu.memory_space<vmem>>, vector<1x16xf32>,
        %get3A_255 = vector.shape_cast %get3A_254 : vector<1x16xf32> to vector<16xf32>
        %get3A_256 = arith.constant 28 : i32
        %get3A_257 = arith.index_cast %get3A_256 : i32 to index
        %get3A_258 = arith.index_cast %multiple_of3A : i32 to index
        %get3A_259 = tpu.vector_load %arg7[%get3A_257, %get3A_258] {strides = array<i32>} : memref<128x128xf32, #tpu.memory_space<vmem>>, vector<1x16xf32>,
        %get3A_260 = vector.shape_cast %get3A_259 : vector<1x16xf32> to vector<16xf32>
        %get3A_261 = arith.constant 29 : i32
        %get3A_262 = arith.index_cast %get3A_261 : i32 to index
        %get3A_263 = arith.index_cast %multiple_of3A : i32 to index
        %get3A_264 = tpu.vector_load %arg7[%get3A_262, %get3A_263] {strides = array<i32>} : memref<128x128xf32, #tpu.memory_space<vmem>>, vector<1x16xf32>,
        %get3A_265 = vector.shape_cast %get3A_264 : vector<1x16xf32> to vector<16xf32>
        %get3A_266 = arith.constant 30 : i32
        %get3A_267 = arith.index_cast %get3A_266 : i32 to index
        %get3A_268 = arith.index_cast %multiple_of3A : i32 to index
        %get3A_269 = tpu.vector_load %arg7[%get3A_267, %get3A_268] {strides = array<i32>} : memref<128x128xf32, #tpu.memory_space<vmem>>, vector<1x16xf32>,
        %get3A_270 = vector.shape_cast %get3A_269 : vector<1x16xf32> to vector<16xf32>
        %get3A_271 = arith.constant 31 : i32
        %get3A_272 = arith.index_cast %get3A_271 : i32 to index
        %get3A_273 = arith.index_cast %multiple_of3A : i32 to index
        %get3A_274 = tpu.vector_load %arg7[%get3A_272, %get3A_273] {strides = array<i32>} : memref<128x128xf32, #tpu.memory_space<vmem>>, vector<1x16xf32>,
        %get3A_275 = vector.shape_cast %get3A_274 : vector<1x16xf32> to vector<16xf32>
        %max3A = arith.maximumf %get3A_120, %get3A_125 : vector<16xf32>
        %max3A_276 = arith.maximumf %get3A_130, %get3A_135 : vector<16xf32>
        %max3A_277 = arith.maximumf %get3A_140, %get3A_145 : vector<16xf32>
        %max3A_278 = arith.maximumf %get3A_150, %get3A_155 : vector<16xf32>
        %max3A_279 = arith.maximumf %get3A_160, %get3A_165 : vector<16xf32>
        %max3A_280 = arith.maximumf %get3A_170, %get3A_175 : vector<16xf32>
        %max3A_281 = arith.maximumf %get3A_180, %get3A_185 : vector<16xf32>
        %max3A_282 = arith.maximumf %get3A_190, %get3A_195 : vector<16xf32>
        %max3A_283 = arith.maximumf %get3A_200, %get3A_205 : vector<16xf32>
        %max3A_284 = arith.maximumf %get3A_210, %get3A_215 : vector<16xf32>
        %max3A_285 = arith.maximumf %get3A_220, %get3A_225 : vector<16xf32>
        %max3A_286 = arith.maximumf %get3A_230, %get3A_235 : vector<16xf32>
        %max3A_287 = arith.maximumf %get3A_240, %get3A_245 : vector<16xf32>
        %max3A_288 = arith.maximumf %get3A_250, %get3A_255 : vector<16xf32>
        %max3A_289 = arith.maximumf %get3A_260, %get3A_265 : vector<16xf32>
        %max3A_290 = arith.maximumf %get3A_270, %get3A_275 : vector<16xf32>
        %max3A_291 = arith.maximumf %max3A, %max3A_276 : vector<16xf32>
        %max3A_292 = arith.maximumf %max3A_277, %max3A_278 : vector<16xf32>
        %max3A_293 = arith.maximumf %max3A_279, %max3A_280 : vector<16xf32>
        %max3A_294 = arith.maximumf %max3A_281, %max3A_282 : vector<16xf32>
        %max3A_295 = arith.maximumf %max3A_283, %max3A_284 : vector<16xf32>
        %max3A_296 = arith.maximumf %max3A_285, %max3A_286 : vector<16xf32>
        %max3A_297 = arith.maximumf %max3A_287, %max3A_288 : vector<16xf32>
        %max3A_298 = arith.maximumf %max3A_289, %max3A_290 : vector<16xf32>
        %max3A_299 = arith.maximumf %max3A_291, %max3A_292 : vector<16xf32>
        %max3A_300 = arith.maximumf %max3A_293, %max3A_294 : vector<16xf32>
        %max3A_301 = arith.maximumf %max3A_295, %max3A_296 : vector<16xf32>
        %max3A_302 = arith.maximumf %max3A_297, %max3A_298 : vector<16xf32>
        %max3A_303 = arith.maximumf %max3A_299, %max3A_300 : vector<16xf32>
        %max3A_304 = arith.maximumf %max3A_301, %max3A_302 : vector<16xf32>
        %max3A_305 = arith.maximumf %max3A_303, %max3A_304 : vector<16xf32>
        %add3A_306 = arith.constant 0 : i32
        %add3A_307 = arith.addi %add3A_306, %add3A_91 : i32
        %swap3A = arith.index_cast %add3A_307 : i32 to index
        %swap3A_308 = arith.index_cast %multiple_of3A : i32 to index
        %swap3A_309 = tpu.vector_load %arg8[%swap3A, %swap3A_308] {strides = array<i32>} : memref<256x128xf32, #tpu.memory_space<vmem>>, vector<1x16xf32>,
        %swap3A_310 = vector.shape_cast %swap3A_309 : vector<1x16xf32> to vector<16xf32>
        %swap3A_311 = vector.shape_cast %max3A_305 : vector<16xf32> to vector<1x16xf32>
        tpu.vector_store %arg8[%swap3A, %swap3A_308], %swap3A_311 {strides = array<i32>} : memref<256x128xf32, #tpu.memory_space<vmem>>, vector<1x16xf32>,
        %get3A_312 = arith.constant 32 : i32
        %get3A_313 = arith.index_cast %get3A_312 : i32 to index
        %get3A_314 = arith.index_cast %multiple_of3A : i32 to index
        %get3A_315 = tpu.vector_load %arg7[%get3A_313, %get3A_314] {strides = array<i32>} : memref<128x128xf32, #tpu.memory_space<vmem>>, vector<1x16xf32>,
        %get3A_316 = vector.shape_cast %get3A_315 : vector<1x16xf32> to vector<16xf32>
        %get3A_317 = arith.constant 33 : i32
        %get3A_318 = arith.index_cast %get3A_317 : i32 to index
        %get3A_319 = arith.index_cast %multiple_of3A : i32 to index
        %get3A_320 = tpu.vector_load %arg7[%get3A_318, %get3A_319] {strides = array<i32>} : memref<128x128xf32, #tpu.memory_space<vmem>>, vector<1x16xf32>,
        %get3A_321 = vector.shape_cast %get3A_320 : vector<1x16xf32> to vector<16xf32>
        %get3A_322 = arith.constant 34 : i32
        %get3A_323 = arith.index_cast %get3A_322 : i32 to index
        %get3A_324 = arith.index_cast %multiple_of3A : i32 to index
        %get3A_325 = tpu.vector_load %arg7[%get3A_323, %get3A_324] {strides = array<i32>} : memref<128x128xf32, #tpu.memory_space<vmem>>, vector<1x16xf32>,
        %get3A_326 = vector.shape_cast %get3A_325 : vector<1x16xf32> to vector<16xf32>
        %get3A_327 = arith.constant 35 : i32
        %get3A_328 = arith.index_cast %get3A_327 : i32 to index
        %get3A_329 = arith.index_cast %multiple_of3A : i32 to index
        %get3A_330 = tpu.vector_load %arg7[%get3A_328, %get3A_329] {strides = array<i32>} : memref<128x128xf32, #tpu.memory_space<vmem>>, vector<1x16xf32>,
        %get3A_331 = vector.shape_cast %get3A_330 : vector<1x16xf32> to vector<16xf32>
        %get3A_332 = arith.constant 36 : i32
        %get3A_333 = arith.index_cast %get3A_332 : i32 to index
        %get3A_334 = arith.index_cast %multiple_of3A : i32 to index
        %get3A_335 = tpu.vector_load %arg7[%get3A_333, %get3A_334] {strides = array<i32>} : memref<128x128xf32, #tpu.memory_space<vmem>>, vector<1x16xf32>,
        %get3A_336 = vector.shape_cast %get3A_335 : vector<1x16xf32> to vector<16xf32>
        %get3A_337 = arith.constant 37 : i32
        %get3A_338 = arith.index_cast %get3A_337 : i32 to index
        %get3A_339 = arith.index_cast %multiple_of3A : i32 to index
        %get3A_340 = tpu.vector_load %arg7[%get3A_338, %get3A_339] {strides = array<i32>} : memref<128x128xf32, #tpu.memory_space<vmem>>, vector<1x16xf32>,
        %get3A_341 = vector.shape_cast %get3A_340 : vector<1x16xf32> to vector<16xf32>
        %get3A_342 = arith.constant 38 : i32
        %get3A_343 = arith.index_cast %get3A_342 : i32 to index
        %get3A_344 = arith.index_cast %multiple_of3A : i32 to index
        %get3A_345 = tpu.vector_load %arg7[%get3A_343, %get3A_344] {strides = array<i32>} : memref<128x128xf32, #tpu.memory_space<vmem>>, vector<1x16xf32>,
        %get3A_346 = vector.shape_cast %get3A_345 : vector<1x16xf32> to vector<16xf32>
        %get3A_347 = arith.constant 39 : i32
        %get3A_348 = arith.index_cast %get3A_347 : i32 to index
        %get3A_349 = arith.index_cast %multiple_of3A : i32 to index
        %get3A_350 = tpu.vector_load %arg7[%get3A_348, %get3A_349] {strides = array<i32>} : memref<128x128xf32, #tpu.memory_space<vmem>>, vector<1x16xf32>,
        %get3A_351 = vector.shape_cast %get3A_350 : vector<1x16xf32> to vector<16xf32>
        %get3A_352 = arith.constant 40 : i32
        %get3A_353 = arith.index_cast %get3A_352 : i32 to index
        %get3A_354 = arith.index_cast %multiple_of3A : i32 to index
        %get3A_355 = tpu.vector_load %arg7[%get3A_353, %get3A_354] {strides = array<i32>} : memref<128x128xf32, #tpu.memory_space<vmem>>, vector<1x16xf32>,
        %get3A_356 = vector.shape_cast %get3A_355 : vector<1x16xf32> to vector<16xf32>
        %get3A_357 = arith.constant 41 : i32
        %get3A_358 = arith.index_cast %get3A_357 : i32 to index
        %get3A_359 = arith.index_cast %multiple_of3A : i32 to index
        %get3A_360 = tpu.vector_load %arg7[%get3A_358, %get3A_359] {strides = array<i32>} : memref<128x128xf32, #tpu.memory_space<vmem>>, vector<1x16xf32>,
        %get3A_361 = vector.shape_cast %get3A_360 : vector<1x16xf32> to vector<16xf32>
        %get3A_362 = arith.constant 42 : i32
        %get3A_363 = arith.index_cast %get3A_362 : i32 to index
        %get3A_364 = arith.index_cast %multiple_of3A : i32 to index
        %get3A_365 = tpu.vector_load %arg7[%get3A_363, %get3A_364] {strides = array<i32>} : memref<128x128xf32, #tpu.memory_space<vmem>>, vector<1x16xf32>,
        %get3A_366 = vector.shape_cast %get3A_365 : vector<1x16xf32> to vector<16xf32>
        %get3A_367 = arith.constant 43 : i32
        %get3A_368 = arith.index_cast %get3A_367 : i32 to index
        %get3A_369 = arith.index_cast %multiple_of3A : i32 to index
        %get3A_370 = tpu.vector_load %arg7[%get3A_368, %get3A_369] {strides = array<i32>} : memref<128x128xf32, #tpu.memory_space<vmem>>, vector<1x16xf32>,
        %get3A_371 = vector.shape_cast %get3A_370 : vector<1x16xf32> to vector<16xf32>
        %get3A_372 = arith.constant 44 : i32
        %get3A_373 = arith.index_cast %get3A_372 : i32 to index
        %get3A_374 = arith.index_cast %multiple_of3A : i32 to index
        %get3A_375 = tpu.vector_load %arg7[%get3A_373, %get3A_374] {strides = array<i32>} : memref<128x128xf32, #tpu.memory_space<vmem>>, vector<1x16xf32>,
        %get3A_376 = vector.shape_cast %get3A_375 : vector<1x16xf32> to vector<16xf32>
        %get3A_377 = arith.constant 45 : i32
        %get3A_378 = arith.index_cast %get3A_377 : i32 to index
        %get3A_379 = arith.index_cast %multiple_of3A : i32 to index
        %get3A_380 = tpu.vector_load %arg7[%get3A_378, %get3A_379] {strides = array<i32>} : memref<128x128xf32, #tpu.memory_space<vmem>>, vector<1x16xf32>,
        %get3A_381 = vector.shape_cast %get3A_380 : vector<1x16xf32> to vector<16xf32>
        %get3A_382 = arith.constant 46 : i32
        %get3A_383 = arith.index_cast %get3A_382 : i32 to index
        %get3A_384 = arith.index_cast %multiple_of3A : i32 to index
        %get3A_385 = tpu.vector_load %arg7[%get3A_383, %get3A_384] {strides = array<i32>} : memref<128x128xf32, #tpu.memory_space<vmem>>, vector<1x16xf32>,
        %get3A_386 = vector.shape_cast %get3A_385 : vector<1x16xf32> to vector<16xf32>
        %get3A_387 = arith.constant 47 : i32
        %get3A_388 = arith.index_cast %get3A_387 : i32 to index
        %get3A_389 = arith.index_cast %multiple_of3A : i32 to index
        %get3A_390 = tpu.vector_load %arg7[%get3A_388, %get3A_389] {strides = array<i32>} : memref<128x128xf32, #tpu.memory_space<vmem>>, vector<1x16xf32>,
        %get3A_391 = vector.shape_cast %get3A_390 : vector<1x16xf32> to vector<16xf32>
        %get3A_392 = arith.constant 48 : i32
        %get3A_393 = arith.index_cast %get3A_392 : i32 to index
        %get3A_394 = arith.index_cast %multiple_of3A : i32 to index
        %get3A_395 = tpu.vector_load %arg7[%get3A_393, %get3A_394] {strides = array<i32>} : memref<128x128xf32, #tpu.memory_space<vmem>>, vector<1x16xf32>,
        %get3A_396 = vector.shape_cast %get3A_395 : vector<1x16xf32> to vector<16xf32>
        %get3A_397 = arith.constant 49 : i32
        %get3A_398 = arith.index_cast %get3A_397 : i32 to index
        %get3A_399 = arith.index_cast %multiple_of3A : i32 to index
        %get3A_400 = tpu.vector_load %arg7[%get3A_398, %get3A_399] {strides = array<i32>} : memref<128x128xf32, #tpu.memory_space<vmem>>, vector<1x16xf32>,
        %get3A_401 = vector.shape_cast %get3A_400 : vector<1x16xf32> to vector<16xf32>
        %get3A_402 = arith.constant 50 : i32
        %get3A_403 = arith.index_cast %get3A_402 : i32 to index
        %get3A_404 = arith.index_cast %multiple_of3A : i32 to index
        %get3A_405 = tpu.vector_load %arg7[%get3A_403, %get3A_404] {strides = array<i32>} : memref<128x128xf32, #tpu.memory_space<vmem>>, vector<1x16xf32>,
        %get3A_406 = vector.shape_cast %get3A_405 : vector<1x16xf32> to vector<16xf32>
        %get3A_407 = arith.constant 51 : i32
        %get3A_408 = arith.index_cast %get3A_407 : i32 to index
        %get3A_409 = arith.index_cast %multiple_of3A : i32 to index
        %get3A_410 = tpu.vector_load %arg7[%get3A_408, %get3A_409] {strides = array<i32>} : memref<128x128xf32, #tpu.memory_space<vmem>>, vector<1x16xf32>,
        %get3A_411 = vector.shape_cast %get3A_410 : vector<1x16xf32> to vector<16xf32>
        %get3A_412 = arith.constant 52 : i32
        %get3A_413 = arith.index_cast %get3A_412 : i32 to index
        %get3A_414 = arith.index_cast %multiple_of3A : i32 to index
        %get3A_415 = tpu.vector_load %arg7[%get3A_413, %get3A_414] {strides = array<i32>} : memref<128x128xf32, #tpu.memory_space<vmem>>, vector<1x16xf32>,
        %get3A_416 = vector.shape_cast %get3A_415 : vector<1x16xf32> to vector<16xf32>
        %get3A_417 = arith.constant 53 : i32
        %get3A_418 = arith.index_cast %get3A_417 : i32 to index
        %get3A_419 = arith.index_cast %multiple_of3A : i32 to index
        %get3A_420 = tpu.vector_load %arg7[%get3A_418, %get3A_419] {strides = array<i32>} : memref<128x128xf32, #tpu.memory_space<vmem>>, vector<1x16xf32>,
        %get3A_421 = vector.shape_cast %get3A_420 : vector<1x16xf32> to vector<16xf32>
        %get3A_422 = arith.constant 54 : i32
        %get3A_423 = arith.index_cast %get3A_422 : i32 to index
        %get3A_424 = arith.index_cast %multiple_of3A : i32 to index
        %get3A_425 = tpu.vector_load %arg7[%get3A_423, %get3A_424] {strides = array<i32>} : memref<128x128xf32, #tpu.memory_space<vmem>>, vector<1x16xf32>,
        %get3A_426 = vector.shape_cast %get3A_425 : vector<1x16xf32> to vector<16xf32>
        %get3A_427 = arith.constant 55 : i32
        %get3A_428 = arith.index_cast %get3A_427 : i32 to index
        %get3A_429 = arith.index_cast %multiple_of3A : i32 to index
        %get3A_430 = tpu.vector_load %arg7[%get3A_428, %get3A_429] {strides = array<i32>} : memref<128x128xf32, #tpu.memory_space<vmem>>, vector<1x16xf32>,
        %get3A_431 = vector.shape_cast %get3A_430 : vector<1x16xf32> to vector<16xf32>
        %get3A_432 = arith.constant 56 : i32
        %get3A_433 = arith.index_cast %get3A_432 : i32 to index
        %get3A_434 = arith.index_cast %multiple_of3A : i32 to index
        %get3A_435 = tpu.vector_load %arg7[%get3A_433, %get3A_434] {strides = array<i32>} : memref<128x128xf32, #tpu.memory_space<vmem>>, vector<1x16xf32>,
        %get3A_436 = vector.shape_cast %get3A_435 : vector<1x16xf32> to vector<16xf32>
        %get3A_437 = arith.constant 57 : i32
        %get3A_438 = arith.index_cast %get3A_437 : i32 to index
        %get3A_439 = arith.index_cast %multiple_of3A : i32 to index
        %get3A_440 = tpu.vector_load %arg7[%get3A_438, %get3A_439] {strides = array<i32>} : memref<128x128xf32, #tpu.memory_space<vmem>>, vector<1x16xf32>,
        %get3A_441 = vector.shape_cast %get3A_440 : vector<1x16xf32> to vector<16xf32>
        %get3A_442 = arith.constant 58 : i32
        %get3A_443 = arith.index_cast %get3A_442 : i32 to index
        %get3A_444 = arith.index_cast %multiple_of3A : i32 to index
        %get3A_445 = tpu.vector_load %arg7[%get3A_443, %get3A_444] {strides = array<i32>} : memref<128x128xf32, #tpu.memory_space<vmem>>, vector<1x16xf32>,
        %get3A_446 = vector.shape_cast %get3A_445 : vector<1x16xf32> to vector<16xf32>
        %get3A_447 = arith.constant 59 : i32
        %get3A_448 = arith.index_cast %get3A_447 : i32 to index
        %get3A_449 = arith.index_cast %multiple_of3A : i32 to index
        %get3A_450 = tpu.vector_load %arg7[%get3A_448, %get3A_449] {strides = array<i32>} : memref<128x128xf32, #tpu.memory_space<vmem>>, vector<1x16xf32>,
        %get3A_451 = vector.shape_cast %get3A_450 : vector<1x16xf32> to vector<16xf32>
        %get3A_452 = arith.constant 60 : i32
        %get3A_453 = arith.index_cast %get3A_452 : i32 to index
        %get3A_454 = arith.index_cast %multiple_of3A : i32 to index
        %get3A_455 = tpu.vector_load %arg7[%get3A_453, %get3A_454] {strides = array<i32>} : memref<128x128xf32, #tpu.memory_space<vmem>>, vector<1x16xf32>,
        %get3A_456 = vector.shape_cast %get3A_455 : vector<1x16xf32> to vector<16xf32>
        %get3A_457 = arith.constant 61 : i32
        %get3A_458 = arith.index_cast %get3A_457 : i32 to index
        %get3A_459 = arith.index_cast %multiple_of3A : i32 to index
        %get3A_460 = tpu.vector_load %arg7[%get3A_458, %get3A_459] {strides = array<i32>} : memref<128x128xf32, #tpu.memory_space<vmem>>, vector<1x16xf32>,
        %get3A_461 = vector.shape_cast %get3A_460 : vector<1x16xf32> to vector<16xf32>
        %get3A_462 = arith.constant 62 : i32
        %get3A_463 = arith.index_cast %get3A_462 : i32 to index
        %get3A_464 = arith.index_cast %multiple_of3A : i32 to index
        %get3A_465 = tpu.vector_load %arg7[%get3A_463, %get3A_464] {strides = array<i32>} : memref<128x128xf32, #tpu.memory_space<vmem>>, vector<1x16xf32>,
        %get3A_466 = vector.shape_cast %get3A_465 : vector<1x16xf32> to vector<16xf32>
        %get3A_467 = arith.constant 63 : i32
        %get3A_468 = arith.index_cast %get3A_467 : i32 to index
        %get3A_469 = arith.index_cast %multiple_of3A : i32 to index
        %get3A_470 = tpu.vector_load %arg7[%get3A_468, %get3A_469] {strides = array<i32>} : memref<128x128xf32, #tpu.memory_space<vmem>>, vector<1x16xf32>,
        %get3A_471 = vector.shape_cast %get3A_470 : vector<1x16xf32> to vector<16xf32>
        %max3A_472 = arith.maximumf %get3A_316, %get3A_321 : vector<16xf32>
        %max3A_473 = arith.maximumf %get3A_326, %get3A_331 : vector<16xf32>
        %max3A_474 = arith.maximumf %get3A_336, %get3A_341 : vector<16xf32>
        %max3A_475 = arith.maximumf %get3A_346, %get3A_351 : vector<16xf32>
        %max3A_476 = arith.maximumf %get3A_356, %get3A_361 : vector<16xf32>
        %max3A_477 = arith.maximumf %get3A_366, %get3A_371 : vector<16xf32>
        %max3A_478 = arith.maximumf %get3A_376, %get3A_381 : vector<16xf32>
        %max3A_479 = arith.maximumf %get3A_386, %get3A_391 : vector<16xf32>
        %max3A_480 = arith.maximumf %get3A_396, %get3A_401 : vector<16xf32>
        %max3A_481 = arith.maximumf %get3A_406, %get3A_411 : vector<16xf32>
        %max3A_482 = arith.maximumf %get3A_416, %get3A_421 : vector<16xf32>
        %max3A_483 = arith.maximumf %get3A_426, %get3A_431 : vector<16xf32>
        %max3A_484 = arith.maximumf %get3A_436, %get3A_441 : vector<16xf32>
        %max3A_485 = arith.maximumf %get3A_446, %get3A_451 : vector<16xf32>
        %max3A_486 = arith.maximumf %get3A_456, %get3A_461 : vector<16xf32>
        %max3A_487 = arith.maximumf %get3A_466, %get3A_471 : vector<16xf32>
        %max3A_488 = arith.maximumf %max3A_472, %max3A_473 : vector<16xf32>
        %max3A_489 = arith.maximumf %max3A_474, %max3A_475 : vector<16xf32>
        %max3A_490 = arith.maximumf %max3A_476, %max3A_477 : vector<16xf32>
        %max3A_491 = arith.maximumf %max3A_478, %max3A_479 : vector<16xf32>
        %max3A_492 = arith.maximumf %max3A_480, %max3A_481 : vector<16xf32>
        %max3A_493 = arith.maximumf %max3A_482, %max3A_483 : vector<16xf32>
        %max3A_494 = arith.maximumf %max3A_484, %max3A_485 : vector<16xf32>
        %max3A_495 = arith.maximumf %max3A_486, %max3A_487 : vector<16xf32>
        %max3A_496 = arith.maximumf %max3A_488, %max3A_489 : vector<16xf32>
        %max3A_497 = arith.maximumf %max3A_490, %max3A_491 : vector<16xf32>
        %max3A_498 = arith.maximumf %max3A_492, %max3A_493 : vector<16xf32>
        %max3A_499 = arith.maximumf %max3A_494, %max3A_495 : vector<16xf32>
        %max3A_500 = arith.maximumf %max3A_496, %max3A_497 : vector<16xf32>
        %max3A_501 = arith.maximumf %max3A_498, %max3A_499 : vector<16xf32>
        %max3A_502 = arith.maximumf %max3A_500, %max3A_501 : vector<16xf32>
        %add3A_503 = arith.constant 64 : i32
        %add3A_504 = arith.addi %add3A_503, %add3A_91 : i32
        %swap3A_505 = arith.index_cast %add3A_504 : i32 to index
        %swap3A_506 = arith.index_cast %multiple_of3A : i32 to index
        %swap3A_507 = tpu.vector_load %arg8[%swap3A_505, %swap3A_506] {strides = array<i32>} : memref<256x128xf32, #tpu.memory_space<vmem>>, vector<1x16xf32>,
        %swap3A_508 = vector.shape_cast %swap3A_507 : vector<1x16xf32> to vector<16xf32>
        %swap3A_509 = vector.shape_cast %max3A_502 : vector<16xf32> to vector<1x16xf32>
        tpu.vector_store %arg8[%swap3A_505, %swap3A_506], %swap3A_509 {strides = array<i32>} : memref<256x128xf32, #tpu.memory_space<vmem>>, vector<1x16xf32>,
        %get3A_510 = arith.constant 64 : i32
        %get3A_511 = arith.index_cast %get3A_510 : i32 to index
        %get3A_512 = arith.index_cast %multiple_of3A : i32 to index
        %get3A_513 = tpu.vector_load %arg7[%get3A_511, %get3A_512] {strides = array<i32>} : memref<128x128xf32, #tpu.memory_space<vmem>>, vector<1x16xf32>,
        %get3A_514 = vector.shape_cast %get3A_513 : vector<1x16xf32> to vector<16xf32>
        %get3A_515 = arith.constant 65 : i32
        %get3A_516 = arith.index_cast %get3A_515 : i32 to index
        %get3A_517 = arith.index_cast %multiple_of3A : i32 to index
        %get3A_518 = tpu.vector_load %arg7[%get3A_516, %get3A_517] {strides = array<i32>} : memref<128x128xf32, #tpu.memory_space<vmem>>, vector<1x16xf32>,
        %get3A_519 = vector.shape_cast %get3A_518 : vector<1x16xf32> to vector<16xf32>
        %get3A_520 = arith.constant 66 : i32
        %get3A_521 = arith.index_cast %get3A_520 : i32 to index
        %get3A_522 = arith.index_cast %multiple_of3A : i32 to index
        %get3A_523 = tpu.vector_load %arg7[%get3A_521, %get3A_522] {strides = array<i32>} : memref<128x128xf32, #tpu.memory_space<vmem>>, vector<1x16xf32>,
        %get3A_524 = vector.shape_cast %get3A_523 : vector<1x16xf32> to vector<16xf32>
        %get3A_525 = arith.constant 67 : i32
        %get3A_526 = arith.index_cast %get3A_525 : i32 to index
        %get3A_527 = arith.index_cast %multiple_of3A : i32 to index
        %get3A_528 = tpu.vector_load %arg7[%get3A_526, %get3A_527] {strides = array<i32>} : memref<128x128xf32, #tpu.memory_space<vmem>>, vector<1x16xf32>,
        %get3A_529 = vector.shape_cast %get3A_528 : vector<1x16xf32> to vector<16xf32>
        %get3A_530 = arith.constant 68 : i32
        %get3A_531 = arith.index_cast %get3A_530 : i32 to index
        %get3A_532 = arith.index_cast %multiple_of3A : i32 to index
        %get3A_533 = tpu.vector_load %arg7[%get3A_531, %get3A_532] {strides = array<i32>} : memref<128x128xf32, #tpu.memory_space<vmem>>, vector<1x16xf32>,
        %get3A_534 = vector.shape_cast %get3A_533 : vector<1x16xf32> to vector<16xf32>
        %get3A_535 = arith.constant 69 : i32
        %get3A_536 = arith.index_cast %get3A_535 : i32 to index
        %get3A_537 = arith.index_cast %multiple_of3A : i32 to index
        %get3A_538 = tpu.vector_load %arg7[%get3A_536, %get3A_537] {strides = array<i32>} : memref<128x128xf32, #tpu.memory_space<vmem>>, vector<1x16xf32>,
        %get3A_539 = vector.shape_cast %get3A_538 : vector<1x16xf32> to vector<16xf32>
        %get3A_540 = arith.constant 70 : i32
        %get3A_541 = arith.index_cast %get3A_540 : i32 to index
        %get3A_542 = arith.index_cast %multiple_of3A : i32 to index
        %get3A_543 = tpu.vector_load %arg7[%get3A_541, %get3A_542] {strides = array<i32>} : memref<128x128xf32, #tpu.memory_space<vmem>>, vector<1x16xf32>,
        %get3A_544 = vector.shape_cast %get3A_543 : vector<1x16xf32> to vector<16xf32>
        %get3A_545 = arith.constant 71 : i32
        %get3A_546 = arith.index_cast %get3A_545 : i32 to index
        %get3A_547 = arith.index_cast %multiple_of3A : i32 to index
        %get3A_548 = tpu.vector_load %arg7[%get3A_546, %get3A_547] {strides = array<i32>} : memref<128x128xf32, #tpu.memory_space<vmem>>, vector<1x16xf32>,
        %get3A_549 = vector.shape_cast %get3A_548 : vector<1x16xf32> to vector<16xf32>
        %get3A_550 = arith.constant 72 : i32
        %get3A_551 = arith.index_cast %get3A_550 : i32 to index
        %get3A_552 = arith.index_cast %multiple_of3A : i32 to index
        %get3A_553 = tpu.vector_load %arg7[%get3A_551, %get3A_552] {strides = array<i32>} : memref<128x128xf32, #tpu.memory_space<vmem>>, vector<1x16xf32>,
        %get3A_554 = vector.shape_cast %get3A_553 : vector<1x16xf32> to vector<16xf32>
        %get3A_555 = arith.constant 73 : i32
        %get3A_556 = arith.index_cast %get3A_555 : i32 to index
        %get3A_557 = arith.index_cast %multiple_of3A : i32 to index
        %get3A_558 = tpu.vector_load %arg7[%get3A_556, %get3A_557] {strides = array<i32>} : memref<128x128xf32, #tpu.memory_space<vmem>>, vector<1x16xf32>,
        %get3A_559 = vector.shape_cast %get3A_558 : vector<1x16xf32> to vector<16xf32>
        %get3A_560 = arith.constant 74 : i32
        %get3A_561 = arith.index_cast %get3A_560 : i32 to index
        %get3A_562 = arith.index_cast %multiple_of3A : i32 to index
        %get3A_563 = tpu.vector_load %arg7[%get3A_561, %get3A_562] {strides = array<i32>} : memref<128x128xf32, #tpu.memory_space<vmem>>, vector<1x16xf32>,
        %get3A_564 = vector.shape_cast %get3A_563 : vector<1x16xf32> to vector<16xf32>
        %get3A_565 = arith.constant 75 : i32
        %get3A_566 = arith.index_cast %get3A_565 : i32 to index
        %get3A_567 = arith.index_cast %multiple_of3A : i32 to index
        %get3A_568 = tpu.vector_load %arg7[%get3A_566, %get3A_567] {strides = array<i32>} : memref<128x128xf32, #tpu.memory_space<vmem>>, vector<1x16xf32>,
        %get3A_569 = vector.shape_cast %get3A_568 : vector<1x16xf32> to vector<16xf32>
        %get3A_570 = arith.constant 76 : i32
        %get3A_571 = arith.index_cast %get3A_570 : i32 to index
        %get3A_572 = arith.index_cast %multiple_of3A : i32 to index
        %get3A_573 = tpu.vector_load %arg7[%get3A_571, %get3A_572] {strides = array<i32>} : memref<128x128xf32, #tpu.memory_space<vmem>>, vector<1x16xf32>,
        %get3A_574 = vector.shape_cast %get3A_573 : vector<1x16xf32> to vector<16xf32>
        %get3A_575 = arith.constant 77 : i32
        %get3A_576 = arith.index_cast %get3A_575 : i32 to index
        %get3A_577 = arith.index_cast %multiple_of3A : i32 to index
        %get3A_578 = tpu.vector_load %arg7[%get3A_576, %get3A_577] {strides = array<i32>} : memref<128x128xf32, #tpu.memory_space<vmem>>, vector<1x16xf32>,
        %get3A_579 = vector.shape_cast %get3A_578 : vector<1x16xf32> to vector<16xf32>
        %get3A_580 = arith.constant 78 : i32
        %get3A_581 = arith.index_cast %get3A_580 : i32 to index
        %get3A_582 = arith.index_cast %multiple_of3A : i32 to index
        %get3A_583 = tpu.vector_load %arg7[%get3A_581, %get3A_582] {strides = array<i32>} : memref<128x128xf32, #tpu.memory_space<vmem>>, vector<1x16xf32>,
        %get3A_584 = vector.shape_cast %get3A_583 : vector<1x16xf32> to vector<16xf32>
        %get3A_585 = arith.constant 79 : i32
        %get3A_586 = arith.index_cast %get3A_585 : i32 to index
        %get3A_587 = arith.index_cast %multiple_of3A : i32 to index
        %get3A_588 = tpu.vector_load %arg7[%get3A_586, %get3A_587] {strides = array<i32>} : memref<128x128xf32, #tpu.memory_space<vmem>>, vector<1x16xf32>,
        %get3A_589 = vector.shape_cast %get3A_588 : vector<1x16xf32> to vector<16xf32>
        %get3A_590 = arith.constant 80 : i32
        %get3A_591 = arith.index_cast %get3A_590 : i32 to index
        %get3A_592 = arith.index_cast %multiple_of3A : i32 to index
        %get3A_593 = tpu.vector_load %arg7[%get3A_591, %get3A_592] {strides = array<i32>} : memref<128x128xf32, #tpu.memory_space<vmem>>, vector<1x16xf32>,
        %get3A_594 = vector.shape_cast %get3A_593 : vector<1x16xf32> to vector<16xf32>
        %get3A_595 = arith.constant 81 : i32
        %get3A_596 = arith.index_cast %get3A_595 : i32 to index
        %get3A_597 = arith.index_cast %multiple_of3A : i32 to index
        %get3A_598 = tpu.vector_load %arg7[%get3A_596, %get3A_597] {strides = array<i32>} : memref<128x128xf32, #tpu.memory_space<vmem>>, vector<1x16xf32>,
        %get3A_599 = vector.shape_cast %get3A_598 : vector<1x16xf32> to vector<16xf32>
        %get3A_600 = arith.constant 82 : i32
        %get3A_601 = arith.index_cast %get3A_600 : i32 to index
        %get3A_602 = arith.index_cast %multiple_of3A : i32 to index
        %get3A_603 = tpu.vector_load %arg7[%get3A_601, %get3A_602] {strides = array<i32>} : memref<128x128xf32, #tpu.memory_space<vmem>>, vector<1x16xf32>,
        %get3A_604 = vector.shape_cast %get3A_603 : vector<1x16xf32> to vector<16xf32>
        %get3A_605 = arith.constant 83 : i32
        %get3A_606 = arith.index_cast %get3A_605 : i32 to index
        %get3A_607 = arith.index_cast %multiple_of3A : i32 to index
        %get3A_608 = tpu.vector_load %arg7[%get3A_606, %get3A_607] {strides = array<i32>} : memref<128x128xf32, #tpu.memory_space<vmem>>, vector<1x16xf32>,
        %get3A_609 = vector.shape_cast %get3A_608 : vector<1x16xf32> to vector<16xf32>
        %get3A_610 = arith.constant 84 : i32
        %get3A_611 = arith.index_cast %get3A_610 : i32 to index
        %get3A_612 = arith.index_cast %multiple_of3A : i32 to index
        %get3A_613 = tpu.vector_load %arg7[%get3A_611, %get3A_612] {strides = array<i32>} : memref<128x128xf32, #tpu.memory_space<vmem>>, vector<1x16xf32>,
        %get3A_614 = vector.shape_cast %get3A_613 : vector<1x16xf32> to vector<16xf32>
        %get3A_615 = arith.constant 85 : i32
        %get3A_616 = arith.index_cast %get3A_615 : i32 to index
        %get3A_617 = arith.index_cast %multiple_of3A : i32 to index
        %get3A_618 = tpu.vector_load %arg7[%get3A_616, %get3A_617] {strides = array<i32>} : memref<128x128xf32, #tpu.memory_space<vmem>>, vector<1x16xf32>,
        %get3A_619 = vector.shape_cast %get3A_618 : vector<1x16xf32> to vector<16xf32>
        %get3A_620 = arith.constant 86 : i32
        %get3A_621 = arith.index_cast %get3A_620 : i32 to index
        %get3A_622 = arith.index_cast %multiple_of3A : i32 to index
        %get3A_623 = tpu.vector_load %arg7[%get3A_621, %get3A_622] {strides = array<i32>} : memref<128x128xf32, #tpu.memory_space<vmem>>, vector<1x16xf32>,
        %get3A_624 = vector.shape_cast %get3A_623 : vector<1x16xf32> to vector<16xf32>
        %get3A_625 = arith.constant 87 : i32
        %get3A_626 = arith.index_cast %get3A_625 : i32 to index
        %get3A_627 = arith.index_cast %multiple_of3A : i32 to index
        %get3A_628 = tpu.vector_load %arg7[%get3A_626, %get3A_627] {strides = array<i32>} : memref<128x128xf32, #tpu.memory_space<vmem>>, vector<1x16xf32>,
        %get3A_629 = vector.shape_cast %get3A_628 : vector<1x16xf32> to vector<16xf32>
        %get3A_630 = arith.constant 88 : i32
        %get3A_631 = arith.index_cast %get3A_630 : i32 to index
        %get3A_632 = arith.index_cast %multiple_of3A : i32 to index
        %get3A_633 = tpu.vector_load %arg7[%get3A_631, %get3A_632] {strides = array<i32>} : memref<128x128xf32, #tpu.memory_space<vmem>>, vector<1x16xf32>,
        %get3A_634 = vector.shape_cast %get3A_633 : vector<1x16xf32> to vector<16xf32>
        %get3A_635 = arith.constant 89 : i32
        %get3A_636 = arith.index_cast %get3A_635 : i32 to index
        %get3A_637 = arith.index_cast %multiple_of3A : i32 to index
        %get3A_638 = tpu.vector_load %arg7[%get3A_636, %get3A_637] {strides = array<i32>} : memref<128x128xf32, #tpu.memory_space<vmem>>, vector<1x16xf32>,
        %get3A_639 = vector.shape_cast %get3A_638 : vector<1x16xf32> to vector<16xf32>
        %get3A_640 = arith.constant 90 : i32
        %get3A_641 = arith.index_cast %get3A_640 : i32 to index
        %get3A_642 = arith.index_cast %multiple_of3A : i32 to index
        %get3A_643 = tpu.vector_load %arg7[%get3A_641, %get3A_642] {strides = array<i32>} : memref<128x128xf32, #tpu.memory_space<vmem>>, vector<1x16xf32>,
        %get3A_644 = vector.shape_cast %get3A_643 : vector<1x16xf32> to vector<16xf32>
        %get3A_645 = arith.constant 91 : i32
        %get3A_646 = arith.index_cast %get3A_645 : i32 to index
        %get3A_647 = arith.index_cast %multiple_of3A : i32 to index
        %get3A_648 = tpu.vector_load %arg7[%get3A_646, %get3A_647] {strides = array<i32>} : memref<128x128xf32, #tpu.memory_space<vmem>>, vector<1x16xf32>,
        %get3A_649 = vector.shape_cast %get3A_648 : vector<1x16xf32> to vector<16xf32>
        %get3A_650 = arith.constant 92 : i32
        %get3A_651 = arith.index_cast %get3A_650 : i32 to index
        %get3A_652 = arith.index_cast %multiple_of3A : i32 to index
        %get3A_653 = tpu.vector_load %arg7[%get3A_651, %get3A_652] {strides = array<i32>} : memref<128x128xf32, #tpu.memory_space<vmem>>, vector<1x16xf32>,
        %get3A_654 = vector.shape_cast %get3A_653 : vector<1x16xf32> to vector<16xf32>
        %get3A_655 = arith.constant 93 : i32
        %get3A_656 = arith.index_cast %get3A_655 : i32 to index
        %get3A_657 = arith.index_cast %multiple_of3A : i32 to index
        %get3A_658 = tpu.vector_load %arg7[%get3A_656, %get3A_657] {strides = array<i32>} : memref<128x128xf32, #tpu.memory_space<vmem>>, vector<1x16xf32>,
        %get3A_659 = vector.shape_cast %get3A_658 : vector<1x16xf32> to vector<16xf32>
        %get3A_660 = arith.constant 94 : i32
        %get3A_661 = arith.index_cast %get3A_660 : i32 to index
        %get3A_662 = arith.index_cast %multiple_of3A : i32 to index
        %get3A_663 = tpu.vector_load %arg7[%get3A_661, %get3A_662] {strides = array<i32>} : memref<128x128xf32, #tpu.memory_space<vmem>>, vector<1x16xf32>,
        %get3A_664 = vector.shape_cast %get3A_663 : vector<1x16xf32> to vector<16xf32>
        %get3A_665 = arith.constant 95 : i32
        %get3A_666 = arith.index_cast %get3A_665 : i32 to index
        %get3A_667 = arith.index_cast %multiple_of3A : i32 to index
        %get3A_668 = tpu.vector_load %arg7[%get3A_666, %get3A_667] {strides = array<i32>} : memref<128x128xf32, #tpu.memory_space<vmem>>, vector<1x16xf32>,
        %get3A_669 = vector.shape_cast %get3A_668 : vector<1x16xf32> to vector<16xf32>
        %max3A_670 = arith.maximumf %get3A_514, %get3A_519 : vector<16xf32>
        %max3A_671 = arith.maximumf %get3A_524, %get3A_529 : vector<16xf32>
        %max3A_672 = arith.maximumf %get3A_534, %get3A_539 : vector<16xf32>
        %max3A_673 = arith.maximumf %get3A_544, %get3A_549 : vector<16xf32>
        %max3A_674 = arith.maximumf %get3A_554, %get3A_559 : vector<16xf32>
        %max3A_675 = arith.maximumf %get3A_564, %get3A_569 : vector<16xf32>
        %max3A_676 = arith.maximumf %get3A_574, %get3A_579 : vector<16xf32>
        %max3A_677 = arith.maximumf %get3A_584, %get3A_589 : vector<16xf32>
        %max3A_678 = arith.maximumf %get3A_594, %get3A_599 : vector<16xf32>
        %max3A_679 = arith.maximumf %get3A_604, %get3A_609 : vector<16xf32>
        %max3A_680 = arith.maximumf %get3A_614, %get3A_619 : vector<16xf32>
        %max3A_681 = arith.maximumf %get3A_624, %get3A_629 : vector<16xf32>
        %max3A_682 = arith.maximumf %get3A_634, %get3A_639 : vector<16xf32>
        %max3A_683 = arith.maximumf %get3A_644, %get3A_649 : vector<16xf32>
        %max3A_684 = arith.maximumf %get3A_654, %get3A_659 : vector<16xf32>
        %max3A_685 = arith.maximumf %get3A_664, %get3A_669 : vector<16xf32>
        %max3A_686 = arith.maximumf %max3A_670, %max3A_671 : vector<16xf32>
        %max3A_687 = arith.maximumf %max3A_672, %max3A_673 : vector<16xf32>
        %max3A_688 = arith.maximumf %max3A_674, %max3A_675 : vector<16xf32>
        %max3A_689 = arith.maximumf %max3A_676, %max3A_677 : vector<16xf32>
        %max3A_690 = arith.maximumf %max3A_678, %max3A_679 : vector<16xf32>
        %max3A_691 = arith.maximumf %max3A_680, %max3A_681 : vector<16xf32>
        %max3A_692 = arith.maximumf %max3A_682, %max3A_683 : vector<16xf32>
        %max3A_693 = arith.maximumf %max3A_684, %max3A_685 : vector<16xf32>
        %max3A_694 = arith.maximumf %max3A_686, %max3A_687 : vector<16xf32>
        %max3A_695 = arith.maximumf %max3A_688, %max3A_689 : vector<16xf32>
        %max3A_696 = arith.maximumf %max3A_690, %max3A_691 : vector<16xf32>
        %max3A_697 = arith.maximumf %max3A_692, %max3A_693 : vector<16xf32>
        %max3A_698 = arith.maximumf %max3A_694, %max3A_695 : vector<16xf32>
        %max3A_699 = arith.maximumf %max3A_696, %max3A_697 : vector<16xf32>
        %max3A_700 = arith.maximumf %max3A_698, %max3A_699 : vector<16xf32>
        %add3A_701 = arith.constant 128 : i32
        %add3A_702 = arith.addi %add3A_701, %add3A_91 : i32
        %swap3A_703 = arith.index_cast %add3A_702 : i32 to index
        %swap3A_704 = arith.index_cast %multiple_of3A : i32 to index
        %swap3A_705 = tpu.vector_load %arg8[%swap3A_703, %swap3A_704] {strides = array<i32>} : memref<256x128xf32, #tpu.memory_space<vmem>>, vector<1x16xf32>,
        %swap3A_706 = vector.shape_cast %swap3A_705 : vector<1x16xf32> to vector<16xf32>
        %swap3A_707 = vector.shape_cast %max3A_700 : vector<16xf32> to vector<1x16xf32>
        tpu.vector_store %arg8[%swap3A_703, %swap3A_704], %swap3A_707 {strides = array<i32>} : memref<256x128xf32, #tpu.memory_space<vmem>>, vector<1x16xf32>,
        %get3A_708 = arith.constant 96 : i32
        %get3A_709 = arith.index_cast %get3A_708 : i32 to index
        %get3A_710 = arith.index_cast %multiple_of3A : i32 to index
        %get3A_711 = tpu.vector_load %arg7[%get3A_709, %get3A_710] {strides = array<i32>} : memref<128x128xf32, #tpu.memory_space<vmem>>, vector<1x16xf32>,
        %get3A_712 = vector.shape_cast %get3A_711 : vector<1x16xf32> to vector<16xf32>
        %get3A_713 = arith.constant 97 : i32
        %get3A_714 = arith.index_cast %get3A_713 : i32 to index
        %get3A_715 = arith.index_cast %multiple_of3A : i32 to index
        %get3A_716 = tpu.vector_load %arg7[%get3A_714, %get3A_715] {strides = array<i32>} : memref<128x128xf32, #tpu.memory_space<vmem>>, vector<1x16xf32>,
        %get3A_717 = vector.shape_cast %get3A_716 : vector<1x16xf32> to vector<16xf32>
        %get3A_718 = arith.constant 98 : i32
        %get3A_719 = arith.index_cast %get3A_718 : i32 to index
        %get3A_720 = arith.index_cast %multiple_of3A : i32 to index
        %get3A_721 = tpu.vector_load %arg7[%get3A_719, %get3A_720] {strides = array<i32>} : memref<128x128xf32, #tpu.memory_space<vmem>>, vector<1x16xf32>,
        %get3A_722 = vector.shape_cast %get3A_721 : vector<1x16xf32> to vector<16xf32>
        %get3A_723 = arith.constant 99 : i32
        %get3A_724 = arith.index_cast %get3A_723 : i32 to index
        %get3A_725 = arith.index_cast %multiple_of3A : i32 to index
        %get3A_726 = tpu.vector_load %arg7[%get3A_724, %get3A_725] {strides = array<i32>} : memref<128x128xf32, #tpu.memory_space<vmem>>, vector<1x16xf32>,
        %get3A_727 = vector.shape_cast %get3A_726 : vector<1x16xf32> to vector<16xf32>
        %get3A_728 = arith.constant 100 : i32
        %get3A_729 = arith.index_cast %get3A_728 : i32 to index
        %get3A_730 = arith.index_cast %multiple_of3A : i32 to index
        %get3A_731 = tpu.vector_load %arg7[%get3A_729, %get3A_730] {strides = array<i32>} : memref<128x128xf32, #tpu.memory_space<vmem>>, vector<1x16xf32>,
        %get3A_732 = vector.shape_cast %get3A_731 : vector<1x16xf32> to vector<16xf32>
        %get3A_733 = arith.constant 101 : i32
        %get3A_734 = arith.index_cast %get3A_733 : i32 to index
        %get3A_735 = arith.index_cast %multiple_of3A : i32 to index
        %get3A_736 = tpu.vector_load %arg7[%get3A_734, %get3A_735] {strides = array<i32>} : memref<128x128xf32, #tpu.memory_space<vmem>>, vector<1x16xf32>,
        %get3A_737 = vector.shape_cast %get3A_736 : vector<1x16xf32> to vector<16xf32>
        %get3A_738 = arith.constant 102 : i32
        %get3A_739 = arith.index_cast %get3A_738 : i32 to index
        %get3A_740 = arith.index_cast %multiple_of3A : i32 to index
        %get3A_741 = tpu.vector_load %arg7[%get3A_739, %get3A_740] {strides = array<i32>} : memref<128x128xf32, #tpu.memory_space<vmem>>, vector<1x16xf32>,
        %get3A_742 = vector.shape_cast %get3A_741 : vector<1x16xf32> to vector<16xf32>
        %get3A_743 = arith.constant 103 : i32
        %get3A_744 = arith.index_cast %get3A_743 : i32 to index
        %get3A_745 = arith.index_cast %multiple_of3A : i32 to index
        %get3A_746 = tpu.vector_load %arg7[%get3A_744, %get3A_745] {strides = array<i32>} : memref<128x128xf32, #tpu.memory_space<vmem>>, vector<1x16xf32>,
        %get3A_747 = vector.shape_cast %get3A_746 : vector<1x16xf32> to vector<16xf32>
        %get3A_748 = arith.constant 104 : i32
        %get3A_749 = arith.index_cast %get3A_748 : i32 to index
        %get3A_750 = arith.index_cast %multiple_of3A : i32 to index
        %get3A_751 = tpu.vector_load %arg7[%get3A_749, %get3A_750] {strides = array<i32>} : memref<128x128xf32, #tpu.memory_space<vmem>>, vector<1x16xf32>,
        %get3A_752 = vector.shape_cast %get3A_751 : vector<1x16xf32> to vector<16xf32>
        %get3A_753 = arith.constant 105 : i32
        %get3A_754 = arith.index_cast %get3A_753 : i32 to index
        %get3A_755 = arith.index_cast %multiple_of3A : i32 to index
        %get3A_756 = tpu.vector_load %arg7[%get3A_754, %get3A_755] {strides = array<i32>} : memref<128x128xf32, #tpu.memory_space<vmem>>, vector<1x16xf32>,
        %get3A_757 = vector.shape_cast %get3A_756 : vector<1x16xf32> to vector<16xf32>
        %get3A_758 = arith.constant 106 : i32
        %get3A_759 = arith.index_cast %get3A_758 : i32 to index
        %get3A_760 = arith.index_cast %multiple_of3A : i32 to index
        %get3A_761 = tpu.vector_load %arg7[%get3A_759, %get3A_760] {strides = array<i32>} : memref<128x128xf32, #tpu.memory_space<vmem>>, vector<1x16xf32>,
        %get3A_762 = vector.shape_cast %get3A_761 : vector<1x16xf32> to vector<16xf32>
        %get3A_763 = arith.constant 107 : i32
        %get3A_764 = arith.index_cast %get3A_763 : i32 to index
        %get3A_765 = arith.index_cast %multiple_of3A : i32 to index
        %get3A_766 = tpu.vector_load %arg7[%get3A_764, %get3A_765] {strides = array<i32>} : memref<128x128xf32, #tpu.memory_space<vmem>>, vector<1x16xf32>,
        %get3A_767 = vector.shape_cast %get3A_766 : vector<1x16xf32> to vector<16xf32>
        %get3A_768 = arith.constant 108 : i32
        %get3A_769 = arith.index_cast %get3A_768 : i32 to index
        %get3A_770 = arith.index_cast %multiple_of3A : i32 to index
        %get3A_771 = tpu.vector_load %arg7[%get3A_769, %get3A_770] {strides = array<i32>} : memref<128x128xf32, #tpu.memory_space<vmem>>, vector<1x16xf32>,
        %get3A_772 = vector.shape_cast %get3A_771 : vector<1x16xf32> to vector<16xf32>
        %get3A_773 = arith.constant 109 : i32
        %get3A_774 = arith.index_cast %get3A_773 : i32 to index
        %get3A_775 = arith.index_cast %multiple_of3A : i32 to index
        %get3A_776 = tpu.vector_load %arg7[%get3A_774, %get3A_775] {strides = array<i32>} : memref<128x128xf32, #tpu.memory_space<vmem>>, vector<1x16xf32>,
        %get3A_777 = vector.shape_cast %get3A_776 : vector<1x16xf32> to vector<16xf32>
        %get3A_778 = arith.constant 110 : i32
        %get3A_779 = arith.index_cast %get3A_778 : i32 to index
        %get3A_780 = arith.index_cast %multiple_of3A : i32 to index
        %get3A_781 = tpu.vector_load %arg7[%get3A_779, %get3A_780] {strides = array<i32>} : memref<128x128xf32, #tpu.memory_space<vmem>>, vector<1x16xf32>,
        %get3A_782 = vector.shape_cast %get3A_781 : vector<1x16xf32> to vector<16xf32>
        %get3A_783 = arith.constant 111 : i32
        %get3A_784 = arith.index_cast %get3A_783 : i32 to index
        %get3A_785 = arith.index_cast %multiple_of3A : i32 to index
        %get3A_786 = tpu.vector_load %arg7[%get3A_784, %get3A_785] {strides = array<i32>} : memref<128x128xf32, #tpu.memory_space<vmem>>, vector<1x16xf32>,
        %get3A_787 = vector.shape_cast %get3A_786 : vector<1x16xf32> to vector<16xf32>
        %get3A_788 = arith.constant 112 : i32
        %get3A_789 = arith.index_cast %get3A_788 : i32 to index
        %get3A_790 = arith.index_cast %multiple_of3A : i32 to index
        %get3A_791 = tpu.vector_load %arg7[%get3A_789, %get3A_790] {strides = array<i32>} : memref<128x128xf32, #tpu.memory_space<vmem>>, vector<1x16xf32>,
        %get3A_792 = vector.shape_cast %get3A_791 : vector<1x16xf32> to vector<16xf32>
        %get3A_793 = arith.constant 113 : i32
        %get3A_794 = arith.index_cast %get3A_793 : i32 to index
        %get3A_795 = arith.index_cast %multiple_of3A : i32 to index
        %get3A_796 = tpu.vector_load %arg7[%get3A_794, %get3A_795] {strides = array<i32>} : memref<128x128xf32, #tpu.memory_space<vmem>>, vector<1x16xf32>,
        %get3A_797 = vector.shape_cast %get3A_796 : vector<1x16xf32> to vector<16xf32>
        %get3A_798 = arith.constant 114 : i32
        %get3A_799 = arith.index_cast %get3A_798 : i32 to index
        %get3A_800 = arith.index_cast %multiple_of3A : i32 to index
        %get3A_801 = tpu.vector_load %arg7[%get3A_799, %get3A_800] {strides = array<i32>} : memref<128x128xf32, #tpu.memory_space<vmem>>, vector<1x16xf32>,
        %get3A_802 = vector.shape_cast %get3A_801 : vector<1x16xf32> to vector<16xf32>
        %get3A_803 = arith.constant 115 : i32
        %get3A_804 = arith.index_cast %get3A_803 : i32 to index
        %get3A_805 = arith.index_cast %multiple_of3A : i32 to index
        %get3A_806 = tpu.vector_load %arg7[%get3A_804, %get3A_805] {strides = array<i32>} : memref<128x128xf32, #tpu.memory_space<vmem>>, vector<1x16xf32>,
        %get3A_807 = vector.shape_cast %get3A_806 : vector<1x16xf32> to vector<16xf32>
        %get3A_808 = arith.constant 116 : i32
        %get3A_809 = arith.index_cast %get3A_808 : i32 to index
        %get3A_810 = arith.index_cast %multiple_of3A : i32 to index
        %get3A_811 = tpu.vector_load %arg7[%get3A_809, %get3A_810] {strides = array<i32>} : memref<128x128xf32, #tpu.memory_space<vmem>>, vector<1x16xf32>,
        %get3A_812 = vector.shape_cast %get3A_811 : vector<1x16xf32> to vector<16xf32>
        %get3A_813 = arith.constant 117 : i32
        %get3A_814 = arith.index_cast %get3A_813 : i32 to index
        %get3A_815 = arith.index_cast %multiple_of3A : i32 to index
        %get3A_816 = tpu.vector_load %arg7[%get3A_814, %get3A_815] {strides = array<i32>} : memref<128x128xf32, #tpu.memory_space<vmem>>, vector<1x16xf32>,
        %get3A_817 = vector.shape_cast %get3A_816 : vector<1x16xf32> to vector<16xf32>
        %get3A_818 = arith.constant 118 : i32
        %get3A_819 = arith.index_cast %get3A_818 : i32 to index
        %get3A_820 = arith.index_cast %multiple_of3A : i32 to index
        %get3A_821 = tpu.vector_load %arg7[%get3A_819, %get3A_820] {strides = array<i32>} : memref<128x128xf32, #tpu.memory_space<vmem>>, vector<1x16xf32>,
        %get3A_822 = vector.shape_cast %get3A_821 : vector<1x16xf32> to vector<16xf32>
        %get3A_823 = arith.constant 119 : i32
        %get3A_824 = arith.index_cast %get3A_823 : i32 to index
        %get3A_825 = arith.index_cast %multiple_of3A : i32 to index
        %get3A_826 = tpu.vector_load %arg7[%get3A_824, %get3A_825] {strides = array<i32>} : memref<128x128xf32, #tpu.memory_space<vmem>>, vector<1x16xf32>,
        %get3A_827 = vector.shape_cast %get3A_826 : vector<1x16xf32> to vector<16xf32>
        %get3A_828 = arith.constant 120 : i32
        %get3A_829 = arith.index_cast %get3A_828 : i32 to index
        %get3A_830 = arith.index_cast %multiple_of3A : i32 to index
        %get3A_831 = tpu.vector_load %arg7[%get3A_829, %get3A_830] {strides = array<i32>} : memref<128x128xf32, #tpu.memory_space<vmem>>, vector<1x16xf32>,
        %get3A_832 = vector.shape_cast %get3A_831 : vector<1x16xf32> to vector<16xf32>
        %get3A_833 = arith.constant 121 : i32
        %get3A_834 = arith.index_cast %get3A_833 : i32 to index
        %get3A_835 = arith.index_cast %multiple_of3A : i32 to index
        %get3A_836 = tpu.vector_load %arg7[%get3A_834, %get3A_835] {strides = array<i32>} : memref<128x128xf32, #tpu.memory_space<vmem>>, vector<1x16xf32>,
        %get3A_837 = vector.shape_cast %get3A_836 : vector<1x16xf32> to vector<16xf32>
        %get3A_838 = arith.constant 122 : i32
        %get3A_839 = arith.index_cast %get3A_838 : i32 to index
        %get3A_840 = arith.index_cast %multiple_of3A : i32 to index
        %get3A_841 = tpu.vector_load %arg7[%get3A_839, %get3A_840] {strides = array<i32>} : memref<128x128xf32, #tpu.memory_space<vmem>>, vector<1x16xf32>,
        %get3A_842 = vector.shape_cast %get3A_841 : vector<1x16xf32> to vector<16xf32>
        %get3A_843 = arith.constant 123 : i32
        %get3A_844 = arith.index_cast %get3A_843 : i32 to index
        %get3A_845 = arith.index_cast %multiple_of3A : i32 to index
        %get3A_846 = tpu.vector_load %arg7[%get3A_844, %get3A_845] {strides = array<i32>} : memref<128x128xf32, #tpu.memory_space<vmem>>, vector<1x16xf32>,
        %get3A_847 = vector.shape_cast %get3A_846 : vector<1x16xf32> to vector<16xf32>
        %get3A_848 = arith.constant 124 : i32
        %get3A_849 = arith.index_cast %get3A_848 : i32 to index
        %get3A_850 = arith.index_cast %multiple_of3A : i32 to index
        %get3A_851 = tpu.vector_load %arg7[%get3A_849, %get3A_850] {strides = array<i32>} : memref<128x128xf32, #tpu.memory_space<vmem>>, vector<1x16xf32>,
        %get3A_852 = vector.shape_cast %get3A_851 : vector<1x16xf32> to vector<16xf32>
        %get3A_853 = arith.constant 125 : i32
        %get3A_854 = arith.index_cast %get3A_853 : i32 to index
        %get3A_855 = arith.index_cast %multiple_of3A : i32 to index
        %get3A_856 = tpu.vector_load %arg7[%get3A_854, %get3A_855] {strides = array<i32>} : memref<128x128xf32, #tpu.memory_space<vmem>>, vector<1x16xf32>,
        %get3A_857 = vector.shape_cast %get3A_856 : vector<1x16xf32> to vector<16xf32>
        %get3A_858 = arith.constant 126 : i32
        %get3A_859 = arith.index_cast %get3A_858 : i32 to index
        %get3A_860 = arith.index_cast %multiple_of3A : i32 to index
        %get3A_861 = tpu.vector_load %arg7[%get3A_859, %get3A_860] {strides = array<i32>} : memref<128x128xf32, #tpu.memory_space<vmem>>, vector<1x16xf32>,
        %get3A_862 = vector.shape_cast %get3A_861 : vector<1x16xf32> to vector<16xf32>
        %get3A_863 = arith.constant 127 : i32
        %get3A_864 = arith.index_cast %get3A_863 : i32 to index
        %get3A_865 = arith.index_cast %multiple_of3A : i32 to index
        %get3A_866 = tpu.vector_load %arg7[%get3A_864, %get3A_865] {strides = array<i32>} : memref<128x128xf32, #tpu.memory_space<vmem>>, vector<1x16xf32>,
        %get3A_867 = vector.shape_cast %get3A_866 : vector<1x16xf32> to vector<16xf32>
        %max3A_868 = arith.maximumf %get3A_712, %get3A_717 : vector<16xf32>
        %max3A_869 = arith.maximumf %get3A_722, %get3A_727 : vector<16xf32>
        %max3A_870 = arith.maximumf %get3A_732, %get3A_737 : vector<16xf32>
        %max3A_871 = arith.maximumf %get3A_742, %get3A_747 : vector<16xf32>
        %max3A_872 = arith.maximumf %get3A_752, %get3A_757 : vector<16xf32>
        %max3A_873 = arith.maximumf %get3A_762, %get3A_767 : vector<16xf32>
        %max3A_874 = arith.maximumf %get3A_772, %get3A_777 : vector<16xf32>
        %max3A_875 = arith.maximumf %get3A_782, %get3A_787 : vector<16xf32>
        %max3A_876 = arith.maximumf %get3A_792, %get3A_797 : vector<16xf32>
        %max3A_877 = arith.maximumf %get3A_802, %get3A_807 : vector<16xf32>
        %max3A_878 = arith.maximumf %get3A_812, %get3A_817 : vector<16xf32>
        %max3A_879 = arith.maximumf %get3A_822, %get3A_827 : vector<16xf32>
        %max3A_880 = arith.maximumf %get3A_832, %get3A_837 : vector<16xf32>
        %max3A_881 = arith.maximumf %get3A_842, %get3A_847 : vector<16xf32>
        %max3A_882 = arith.maximumf %get3A_852, %get3A_857 : vector<16xf32>
        %max3A_883 = arith.maximumf %get3A_862, %get3A_867 : vector<16xf32>
        %max3A_884 = arith.maximumf %max3A_868, %max3A_869 : vector<16xf32>
        %max3A_885 = arith.maximumf %max3A_870, %max3A_871 : vector<16xf32>
        %max3A_886 = arith.maximumf %max3A_872, %max3A_873 : vector<16xf32>
        %max3A_887 = arith.maximumf %max3A_874, %max3A_875 : vector<16xf32>
        %max3A_888 = arith.maximumf %max3A_876, %max3A_877 : vector<16xf32>
        %max3A_889 = arith.maximumf %max3A_878, %max3A_879 : vector<16xf32>
        %max3A_890 = arith.maximumf %max3A_880, %max3A_881 : vector<16xf32>
        %max3A_891 = arith.maximumf %max3A_882, %max3A_883 : vector<16xf32>
        %max3A_892 = arith.maximumf %max3A_884, %max3A_885 : vector<16xf32>
        %max3A_893 = arith.maximumf %max3A_886, %max3A_887 : vector<16xf32>
        %max3A_894 = arith.maximumf %max3A_888, %max3A_889 : vector<16xf32>
        %max3A_895 = arith.maximumf %max3A_890, %max3A_891 : vector<16xf32>
        %max3A_896 = arith.maximumf %max3A_892, %max3A_893 : vector<16xf32>
        %max3A_897 = arith.maximumf %max3A_894, %max3A_895 : vector<16xf32>
        %max3A_898 = arith.maximumf %max3A_896, %max3A_897 : vector<16xf32>
        %add3A_899 = arith.constant 192 : i32
        %add3A_900 = arith.addi %add3A_899, %add3A_91 : i32
        %swap3A_901 = arith.index_cast %add3A_900 : i32 to index
        %swap3A_902 = arith.index_cast %multiple_of3A : i32 to index
        %swap3A_903 = tpu.vector_load %arg8[%swap3A_901, %swap3A_902] {strides = array<i32>} : memref<256x128xf32, #tpu.memory_space<vmem>>, vector<1x16xf32>,
        %swap3A_904 = vector.shape_cast %swap3A_903 : vector<1x16xf32> to vector<16xf32>
        %swap3A_905 = vector.shape_cast %max3A_898 : vector<16xf32> to vector<1x16xf32>
        tpu.vector_store %arg8[%swap3A_901, %swap3A_902], %swap3A_905 {strides = array<i32>} : memref<256x128xf32, #tpu.memory_space<vmem>>, vector<1x16xf32>,
        %scan3A_906 = arith.constant 0 : i32
        scf.yield %scan3A_906 : i32
      }
      %scan3A_104 = arith.constant 8 : i32
      %add3A_105 = arith.constant 2 : i32
      %add3A_106 = arith.addi %add3A_91, %add3A_105 : i32
      %lt3A_107 = arith.constant 64 : i32
      %lt3A_108 = arith.cmpi slt, %add3A_106, %lt3A_107 : i32
      %convert_element_type3A_109 = arith.extui %lt3A_108 : i1 to i32
      %cond3A_110 = arith.constant 0 : i32
      %cond3A_111 = arith.cmpi ne, %convert_element_type3A_109, %cond3A_110 : i32
      scf.if %cond3A_111 {
        %add3A_113 = arith.constant 2 : i32
        %add3A_114 = arith.addi %add3A_91, %add3A_113 : i32
        %dma_start3A_115 = arith.constant 0 : i32
        %dma_start3A_116 = tpu.memref_slice %arg5[%add3A_114, %dma_start3A_115] : memref<64x128xi32, #tpu.memory_space<vmem>> -> memref<1x128xi32, #tpu.memory_space<vmem>>
        %dma_start3A_117 = tpu.memref_squeeze %dma_start3A_116 : memref<1x128xi32, #tpu.memory_space<vmem>> -> memref<128xi32, #tpu.memory_space<vmem>>
        %dma_start3A_118 = arith.constant 0 : i32
        %dma_start3A_119 = arith.constant 0 : i32
        %dma_start3A_120 = tpu.memref_slice %arg2[%dma_start3A_118, %dma_start3A_119] : memref<8192x128xf32, #tpu.memory_space<hbm>> -> memref<8192x128xf32, #tpu.memory_space<hbm>>
        tpu.enqueue_indirect_dma source(%dma_start3A_120 : memref<8192x128xf32, #tpu.memory_space<hbm>>) target(%arg7 : memref<128x128xf32, #tpu.memory_space<vmem>>) offsets(%dma_start3A_117 : memref<128xi32, #tpu.memory_space<vmem>>) semaphore(%arg10 : memref<!tpu.dma_semaphore, #tpu.memory_space<semaphore_mem>>)
      } else {
      }
      %scan3A_112 = arith.constant 0 : i32
      scf.yield %scan3A_112 : i32
    }
    %scan3A_21 = arith.constant 32 : i32
    %jit3A = arith.constant 16 : i32
    %div3A = arith.divsi %add3A, %jit3A : i32
    %sign3A = arith.constant 0 : i32
    %sign3A_22 = arith.cmpi sgt, %add3A, %sign3A : i32
    %sign3A_23 = arith.extui %sign3A_22 : i1 to i32
    %sign3A_24 = arith.constant 0 : i32
    %sign3A_25 = arith.cmpi slt, %add3A, %sign3A_24 : i32
    %sign3A_26 = arith.extui %sign3A_25 : i1 to i32
    %sign3A_27 = arith.subi %sign3A_23, %sign3A_26 : i32
    %sign3A_28 = arith.constant 0 : i32
    %sign3A_29 = arith.cmpi sgt, %jit3A, %sign3A_28 : i32
    %sign3A_30 = arith.extui %sign3A_29 : i1 to i32
    %sign3A_31 = arith.constant 0 : i32
    %sign3A_32 = arith.cmpi slt, %jit3A, %sign3A_31 : i32
    %sign3A_33 = arith.extui %sign3A_32 : i1 to i32
    %sign3A_34 = arith.subi %sign3A_30, %sign3A_33 : i32
    %ne3A = arith.cmpi ne, %sign3A_27, %sign3A_34 : i32
    %rem3A = arith.remsi %add3A, %jit3A : i32
    %ne3A_35 = arith.constant 0 : i32
    %ne3A_36 = arith.cmpi ne, %rem3A, %ne3A_35 : i32
    %and3A = arith.andi %ne3A, %ne3A_36 : i1
    %sub3A = arith.constant 1 : i32
    %sub3A_37 = arith.subi %div3A, %sub3A : i32
    %select_n3A = arith.select %and3A, %sub3A_37, %div3A : i32
    %mul3A_38 = arith.constant 4096 : i32
    %mul3A_39 = arith.muli %select_n3A, %mul3A_38 : i32
    %jit3A_40 = arith.constant 16 : i32
    %eq3A = arith.constant 0 : i32
    %eq3A_41 = arith.cmpi eq, %jit3A_40, %eq3A : i32
    %jit3A_42 = arith.constant 1 : i32
    %select_n3A_43 = arith.select %eq3A_41, %jit3A_42, %jit3A_40 : i32
    %rem3A_44 = arith.remsi %add3A, %select_n3A_43 : i32
    %ne3A_45 = arith.constant 0 : i32
    %ne3A_46 = arith.cmpi ne, %rem3A_44, %ne3A_45 : i32
    %lt3A = arith.constant 0 : i32
    %lt3A_47 = arith.cmpi slt, %rem3A_44, %lt3A : i32
    %lt3A_48 = arith.constant 0 : i32
    %lt3A_49 = arith.cmpi slt, %select_n3A_43, %lt3A_48 : i32
    %ne3A_50 = arith.xori %lt3A_47, %lt3A_49 : i1
    %and3A_51 = arith.andi %ne3A_50, %ne3A_46 : i1
    %add3A_52 = arith.addi %rem3A_44, %select_n3A_43 : i32
    %select_n3A_53 = arith.select %and3A_51, %add3A_52, %rem3A_44 : i32
    %mul3A_54 = arith.constant 256 : i32
    %mul3A_55 = arith.muli %select_n3A_53, %mul3A_54 : i32
    %add3A_56 = arith.addi %mul3A_39, %mul3A_55 : i32
    %add3A_57 = arith.constant 0 : i32
    %add3A_58 = arith.addi %add3A_56, %add3A_57 : i32
    "tpu.region"() ({
      %run_scoped3A = tpu.sem_alloc : memref<!tpu.dma_semaphore, #tpu.memory_space<semaphore_mem>>
      %dma_start3A_65 = arith.constant 0 : i32
      %dma_start3A_66 = arith.constant 0 : i32
      %dma_start3A_67 = tpu.memref_slice %arg8[%dma_start3A_65, %dma_start3A_66] : memref<256x128xf32, #tpu.memory_space<vmem>> -> memref<64x128xf32, #tpu.memory_space<vmem>>
      %dma_start3A_68 = arith.constant 0 : i32
      %dma_start3A_69 = tpu.memref_slice %arg4[%add3A_58, %dma_start3A_68] : memref<8192x128xf32, #tpu.memory_space<hbm>> -> memref<64x128xf32, #tpu.memory_space<hbm>>
      %dma_start3A_70 = arith.constant 0 : i32
      %dma_start3A_71 = tpu.memref_slice %arg4[%add3A_58, %dma_start3A_70] : memref<8192x128xf32, #tpu.memory_space<hbm>> -> memref<64x128xf32, #tpu.memory_space<hbm>>
      %dma_start3A_72 = arith.constant 0 : i32
      %dma_start3A_73 = arith.constant 0 : i32
      %dma_start3A_74 = tpu.memref_slice %arg8[%dma_start3A_72, %dma_start3A_73] : memref<256x128xf32, #tpu.memory_space<vmem>> -> memref<64x128xf32, #tpu.memory_space<vmem>>
      tpu.enqueue_dma source(%dma_start3A_74 : memref<64x128xf32, #tpu.memory_space<vmem>>) target(%dma_start3A_71 : memref<64x128xf32, #tpu.memory_space<hbm>>) target_semaphore(%run_scoped3A : memref<!tpu.dma_semaphore, #tpu.memory_space<semaphore_mem>>)
      %dma_wait3A = arith.constant 0 : i32
      %dma_wait3A_75 = arith.constant 0 : i32
      %dma_wait3A_76 = tpu.memref_slice %arg8[%dma_wait3A, %dma_wait3A_75] : memref<256x128xf32, #tpu.memory_space<vmem>> -> memref<64x128xf32, #tpu.memory_space<vmem>>
      %dma_wait3A_77 = arith.constant 0 : i32
      %dma_wait3A_78 = tpu.memref_slice %arg4[%add3A_58, %dma_wait3A_77] : memref<8192x128xf32, #tpu.memory_space<hbm>> -> memref<64x128xf32, #tpu.memory_space<hbm>>
      %dma_wait3A_79 = arith.constant 0 : i32
      %dma_wait3A_80 = tpu.memref_slice %arg4[%add3A_58, %dma_wait3A_79] : memref<8192x128xf32, #tpu.memory_space<hbm>> -> memref<64x128xf32, #tpu.memory_space<hbm>>
      %dma_wait3A_81 = arith.constant 0 : i32
      %dma_wait3A_82 = arith.constant 0 : i32
      %dma_wait3A_83 = tpu.memref_slice %arg8[%dma_wait3A_81, %dma_wait3A_82] : memref<256x128xf32, #tpu.memory_space<vmem>> -> memref<64x128xf32, #tpu.memory_space<vmem>>
      tpu.wait_dma2 semaphore(%run_scoped3A : memref<!tpu.dma_semaphore, #tpu.memory_space<semaphore_mem>>) src(%dma_wait3A_83 : memref<64x128xf32, #tpu.memory_space<vmem>>) dst(%dma_wait3A_80 : memref<64x128xf32, #tpu.memory_space<hbm>>)
      tpu.yield
    }) : () -> ()
    %add3A_59 = arith.constant 64 : i32
    %add3A_60 = arith.addi %add3A_56, %add3A_59 : i32
    "tpu.region"() ({
      %run_scoped3A = tpu.sem_alloc : memref<!tpu.dma_semaphore, #tpu.memory_space<semaphore_mem>>
      %dma_start3A_65 = arith.constant 64 : i32
      %dma_start3A_66 = arith.constant 0 : i32
      %dma_start3A_67 = tpu.memref_slice %arg8[%dma_start3A_65, %dma_start3A_66] : memref<256x128xf32, #tpu.memory_space<vmem>> -> memref<64x128xf32, #tpu.memory_space<vmem>>
      %dma_start3A_68 = arith.constant 0 : i32
      %dma_start3A_69 = tpu.memref_slice %arg4[%add3A_60, %dma_start3A_68] : memref<8192x128xf32, #tpu.memory_space<hbm>> -> memref<64x128xf32, #tpu.memory_space<hbm>>
      %dma_start3A_70 = arith.constant 0 : i32
      %dma_start3A_71 = tpu.memref_slice %arg4[%add3A_60, %dma_start3A_70] : memref<8192x128xf32, #tpu.memory_space<hbm>> -> memref<64x128xf32, #tpu.memory_space<hbm>>
      %dma_start3A_72 = arith.constant 64 : i32
      %dma_start3A_73 = arith.constant 0 : i32
      %dma_start3A_74 = tpu.memref_slice %arg8[%dma_start3A_72, %dma_start3A_73] : memref<256x128xf32, #tpu.memory_space<vmem>> -> memref<64x128xf32, #tpu.memory_space<vmem>>
      tpu.enqueue_dma source(%dma_start3A_74 : memref<64x128xf32, #tpu.memory_space<vmem>>) target(%dma_start3A_71 : memref<64x128xf32, #tpu.memory_space<hbm>>) target_semaphore(%run_scoped3A : memref<!tpu.dma_semaphore, #tpu.memory_space<semaphore_mem>>)
      %dma_wait3A = arith.constant 64 : i32
      %dma_wait3A_75 = arith.constant 0 : i32
      %dma_wait3A_76 = tpu.memref_slice %arg8[%dma_wait3A, %dma_wait3A_75] : memref<256x128xf32, #tpu.memory_space<vmem>> -> memref<64x128xf32, #tpu.memory_space<vmem>>
      %dma_wait3A_77 = arith.constant 0 : i32
      %dma_wait3A_78 = tpu.memref_slice %arg4[%add3A_60, %dma_wait3A_77] : memref<8192x128xf32, #tpu.memory_space<hbm>> -> memref<64x128xf32, #tpu.memory_space<hbm>>
      %dma_wait3A_79 = arith.constant 0 : i32
      %dma_wait3A_80 = tpu.memref_slice %arg4[%add3A_60, %dma_wait3A_79] : memref<8192x128xf32, #tpu.memory_space<hbm>> -> memref<64x128xf32, #tpu.memory_space<hbm>>
      %dma_wait3A_81 = arith.constant 64 : i32
      %dma_wait3A_82 = arith.constant 0 : i32
      %dma_wait3A_83 = tpu.memref_slice %arg8[%dma_wait3A_81, %dma_wait3A_82] : memref<256x128xf32, #tpu.memory_space<vmem>> -> memref<64x128xf32, #tpu.memory_space<vmem>>
      tpu.wait_dma2 semaphore(%run_scoped3A : memref<!tpu.dma_semaphore, #tpu.memory_space<semaphore_mem>>) src(%dma_wait3A_83 : memref<64x128xf32, #tpu.memory_space<vmem>>) dst(%dma_wait3A_80 : memref<64x128xf32, #tpu.memory_space<hbm>>)
      tpu.yield
    }) : () -> ()
    %add3A_61 = arith.constant 128 : i32
    %add3A_62 = arith.addi %add3A_56, %add3A_61 : i32
    "tpu.region"() ({
      %run_scoped3A = tpu.sem_alloc : memref<!tpu.dma_semaphore, #tpu.memory_space<semaphore_mem>>
      %dma_start3A_65 = arith.constant 128 : i32
      %dma_start3A_66 = arith.constant 0 : i32
      %dma_start3A_67 = tpu.memref_slice %arg8[%dma_start3A_65, %dma_start3A_66] : memref<256x128xf32, #tpu.memory_space<vmem>> -> memref<64x128xf32, #tpu.memory_space<vmem>>
      %dma_start3A_68 = arith.constant 0 : i32
      %dma_start3A_69 = tpu.memref_slice %arg4[%add3A_62, %dma_start3A_68] : memref<8192x128xf32, #tpu.memory_space<hbm>> -> memref<64x128xf32, #tpu.memory_space<hbm>>
      %dma_start3A_70 = arith.constant 0 : i32
      %dma_start3A_71 = tpu.memref_slice %arg4[%add3A_62, %dma_start3A_70] : memref<8192x128xf32, #tpu.memory_space<hbm>> -> memref<64x128xf32, #tpu.memory_space<hbm>>
      %dma_start3A_72 = arith.constant 128 : i32
      %dma_start3A_73 = arith.constant 0 : i32
      %dma_start3A_74 = tpu.memref_slice %arg8[%dma_start3A_72, %dma_start3A_73] : memref<256x128xf32, #tpu.memory_space<vmem>> -> memref<64x128xf32, #tpu.memory_space<vmem>>
      tpu.enqueue_dma source(%dma_start3A_74 : memref<64x128xf32, #tpu.memory_space<vmem>>) target(%dma_start3A_71 : memref<64x128xf32, #tpu.memory_space<hbm>>) target_semaphore(%run_scoped3A : memref<!tpu.dma_semaphore, #tpu.memory_space<semaphore_mem>>)
      %dma_wait3A = arith.constant 128 : i32
      %dma_wait3A_75 = arith.constant 0 : i32
      %dma_wait3A_76 = tpu.memref_slice %arg8[%dma_wait3A, %dma_wait3A_75] : memref<256x128xf32, #tpu.memory_space<vmem>> -> memref<64x128xf32, #tpu.memory_space<vmem>>
      %dma_wait3A_77 = arith.constant 0 : i32
      %dma_wait3A_78 = tpu.memref_slice %arg4[%add3A_62, %dma_wait3A_77] : memref<8192x128xf32, #tpu.memory_space<hbm>> -> memref<64x128xf32, #tpu.memory_space<hbm>>
      %dma_wait3A_79 = arith.constant 0 : i32
      %dma_wait3A_80 = tpu.memref_slice %arg4[%add3A_62, %dma_wait3A_79] : memref<8192x128xf32, #tpu.memory_space<hbm>> -> memref<64x128xf32, #tpu.memory_space<hbm>>
      %dma_wait3A_81 = arith.constant 128 : i32
      %dma_wait3A_82 = arith.constant 0 : i32
      %dma_wait3A_83 = tpu.memref_slice %arg8[%dma_wait3A_81, %dma_wait3A_82] : memref<256x128xf32, #tpu.memory_space<vmem>> -> memref<64x128xf32, #tpu.memory_space<vmem>>
      tpu.wait_dma2 semaphore(%run_scoped3A : memref<!tpu.dma_semaphore, #tpu.memory_space<semaphore_mem>>) src(%dma_wait3A_83 : memref<64x128xf32, #tpu.memory_space<vmem>>) dst(%dma_wait3A_80 : memref<64x128xf32, #tpu.memory_space<hbm>>)
      tpu.yield
    }) : () -> ()
    %add3A_63 = arith.constant 192 : i32
    %add3A_64 = arith.addi %add3A_56, %add3A_63 : i32
    "tpu.region"() ({
      %run_scoped3A = tpu.sem_alloc : memref<!tpu.dma_semaphore, #tpu.memory_space<semaphore_mem>>
      %dma_start3A_65 = arith.constant 192 : i32
      %dma_start3A_66 = arith.constant 0 : i32
      %dma_start3A_67 = tpu.memref_slice %arg8[%dma_start3A_65, %dma_start3A_66] : memref<256x128xf32, #tpu.memory_space<vmem>> -> memref<64x128xf32, #tpu.memory_space<vmem>>
      %dma_start3A_68 = arith.constant 0 : i32
      %dma_start3A_69 = tpu.memref_slice %arg4[%add3A_64, %dma_start3A_68] : memref<8192x128xf32, #tpu.memory_space<hbm>> -> memref<64x128xf32, #tpu.memory_space<hbm>>
      %dma_start3A_70 = arith.constant 0 : i32
      %dma_start3A_71 = tpu.memref_slice %arg4[%add3A_64, %dma_start3A_70] : memref<8192x128xf32, #tpu.memory_space<hbm>> -> memref<64x128xf32, #tpu.memory_space<hbm>>
      %dma_start3A_72 = arith.constant 192 : i32
      %dma_start3A_73 = arith.constant 0 : i32
      %dma_start3A_74 = tpu.memref_slice %arg8[%dma_start3A_72, %dma_start3A_73] : memref<256x128xf32, #tpu.memory_space<vmem>> -> memref<64x128xf32, #tpu.memory_space<vmem>>
      tpu.enqueue_dma source(%dma_start3A_74 : memref<64x128xf32, #tpu.memory_space<vmem>>) target(%dma_start3A_71 : memref<64x128xf32, #tpu.memory_space<hbm>>) target_semaphore(%run_scoped3A : memref<!tpu.dma_semaphore, #tpu.memory_space<semaphore_mem>>)
      %dma_wait3A = arith.constant 192 : i32
      %dma_wait3A_75 = arith.constant 0 : i32
      %dma_wait3A_76 = tpu.memref_slice %arg8[%dma_wait3A, %dma_wait3A_75] : memref<256x128xf32, #tpu.memory_space<vmem>> -> memref<64x128xf32, #tpu.memory_space<vmem>>
      %dma_wait3A_77 = arith.constant 0 : i32
      %dma_wait3A_78 = tpu.memref_slice %arg4[%add3A_64, %dma_wait3A_77] : memref<8192x128xf32, #tpu.memory_space<hbm>> -> memref<64x128xf32, #tpu.memory_space<hbm>>
      %dma_wait3A_79 = arith.constant 0 : i32
      %dma_wait3A_80 = tpu.memref_slice %arg4[%add3A_64, %dma_wait3A_79] : memref<8192x128xf32, #tpu.memory_space<hbm>> -> memref<64x128xf32, #tpu.memory_space<hbm>>
      %dma_wait3A_81 = arith.constant 192 : i32
      %dma_wait3A_82 = arith.constant 0 : i32
      %dma_wait3A_83 = tpu.memref_slice %arg8[%dma_wait3A_81, %dma_wait3A_82] : memref<256x128xf32, #tpu.memory_space<vmem>> -> memref<64x128xf32, #tpu.memory_space<vmem>>
      tpu.wait_dma2 semaphore(%run_scoped3A : memref<!tpu.dma_semaphore, #tpu.memory_space<semaphore_mem>>) src(%dma_wait3A_83 : memref<64x128xf32, #tpu.memory_space<vmem>>) dst(%dma_wait3A_80 : memref<64x128xf32, #tpu.memory_space<hbm>>)
      tpu.yield
    }) : () -> ()
    return
  }
}

module attributes {stable_mosaic.version = 14 : i64} {
  func.func @_stats_body(%arg0: memref<2x256x4096xf32, #tpu.memory_space<vmem>>, %arg1: memref<128x256xf32, #tpu.memory_space<vmem>>, %arg2: memref<1x256xf32, #tpu.memory_space<vmem>>, %arg3: memref<1x256xf32, #tpu.memory_space<vmem>>, %arg4: memref<128x256xf32, #tpu.memory_space<vmem>>, %arg5: memref<1x128xf32, #tpu.memory_space<vmem>>) attributes {dimension_semantics = [], scalar_prefetch = 0 : i64, scratch_operands = 0 : i64, tpu.core_type = #tpu.core_type<tc>} {
    %get3A = arith.constant 0 : index
    %get3A_0 = arith.constant 0 : index
    %get3A_1 = arith.constant 0 : index
    %get3A_2 = vector.load %arg0[%get3A, %get3A_0, %get3A_1] : memref<2x256x4096xf32, #tpu.memory_space<vmem>>, vector<2x256x4096xf32>
    %reduce_sum3A = arith.constant dense<0.000000e+00> : vector<256xf32>
    %reduce_sum3A_3 = vector.multi_reduction <add>, %get3A_2, %reduce_sum3A [0, 2] : vector<2x256x4096xf32> to vector<256xf32>
    %div3A = arith.constant 8.192000e+03 : f32
    %div3A_4 = vector.broadcast %div3A : f32 to vector<256xf32>
    %div3A_5 = arith.divf %reduce_sum3A_3, %div3A_4 : vector<256xf32>
    %broadcast_in_dim3A = vector.shape_cast %div3A_5 : vector<256xf32> to vector<1x256x1xf32>
    %sub3A = vector.broadcast %broadcast_in_dim3A : vector<1x256x1xf32> to vector<2x256x4096xf32>
    %sub3A_6 = arith.subf %get3A_2, %sub3A : vector<2x256x4096xf32>
    %square3A = arith.mulf %sub3A_6, %sub3A_6 : vector<2x256x4096xf32>
    %reduce_sum3A_7 = arith.constant dense<0.000000e+00> : vector<256xf32>
    %reduce_sum3A_8 = vector.multi_reduction <add>, %square3A, %reduce_sum3A_7 [0, 2] : vector<2x256x4096xf32> to vector<256xf32>
    %div3A_9 = arith.constant 8.192000e+03 : f32
    %div3A_10 = vector.broadcast %div3A_9 : f32 to vector<256xf32>
    %div3A_11 = arith.divf %reduce_sum3A_8, %div3A_10 : vector<256xf32>
    %get3A_12 = arith.constant 0 : index
    %get3A_13 = arith.constant 0 : index
    %get3A_14 = vector.load %arg2[%get3A_12, %get3A_13] : memref<1x256xf32, #tpu.memory_space<vmem>>, vector<1x256xf32>
    %reshape3A = vector.shape_cast %get3A_14 : vector<1x256xf32> to vector<256xf32>
    %add3A = arith.constant 9.99999974E-6 : f32
    %add3A_15 = vector.broadcast %add3A : f32 to vector<256xf32>
    %add3A_16 = arith.addf %div3A_11, %add3A_15 : vector<256xf32>
    %sqrt3A = math.sqrt %add3A_16 : vector<256xf32>
    %div3A_17 = arith.divf %reshape3A, %sqrt3A : vector<256xf32>
    %get3A_18 = arith.constant 0 : index
    %get3A_19 = arith.constant 0 : index
    %get3A_20 = vector.load %arg3[%get3A_18, %get3A_19] : memref<1x256xf32, #tpu.memory_space<vmem>>, vector<1x256xf32>
    %reshape3A_21 = vector.shape_cast %get3A_20 : vector<1x256xf32> to vector<256xf32>
    %mul3A = arith.mulf %div3A_5, %div3A_17 : vector<256xf32>
    %sub3A_22 = arith.subf %reshape3A_21, %mul3A : vector<256xf32>
    %get3A_23 = arith.constant 0 : index
    %get3A_24 = arith.constant 0 : index
    %get3A_25 = vector.load %arg1[%get3A_23, %get3A_24] : memref<128x256xf32, #tpu.memory_space<vmem>>, vector<128x256xf32>
    %broadcast_in_dim3A_26 = vector.shape_cast %div3A_17 : vector<256xf32> to vector<1x256xf32>
    %mul3A_27 = vector.broadcast %broadcast_in_dim3A_26 : vector<1x256xf32> to vector<128x256xf32>
    %mul3A_28 = arith.mulf %get3A_25, %mul3A_27 : vector<128x256xf32>
    %swap3A = arith.constant 0 : index
    %swap3A_29 = arith.constant 0 : index
    %swap3A_30 = vector.load %arg4[%swap3A, %swap3A_29] : memref<128x256xf32, #tpu.memory_space<vmem>>, vector<128x256xf32>
    tpu.vector_store %arg4[%swap3A, %swap3A_29], %mul3A_28 {strides = array<i32>} : memref<128x256xf32, #tpu.memory_space<vmem>>, vector<128x256xf32>,
    %broadcast_in_dim3A_31 = vector.shape_cast %sub3A_22 : vector<256xf32> to vector<256x1xf32>
    %dot_general3A = arith.constant dense<0.000000e+00> : vector<128x1xf32>
    %dot_general3A_32 = tpu.matmul %get3A_25, %broadcast_in_dim3A_31, %dot_general3A {dimension_numbers = #tpu.dot_dimension_numbers<[1], [0], [0], [1], [0, 0, 1, 1], [], []>, transpose_lhs_hint = false} : vector<128x256xf32>, vector<256x1xf32>, vector<128x1xf32> -> vector<128x1xf32>
    %reshape3A_33 = vector.shape_cast %dot_general3A_32 : vector<128x1xf32> to vector<1x128xf32>
    %swap3A_34 = arith.constant 0 : index
    %swap3A_35 = arith.constant 0 : index
    %swap3A_36 = vector.load %arg5[%swap3A_34, %swap3A_35] : memref<1x128xf32, #tpu.memory_space<vmem>>, vector<1x128xf32>
    tpu.vector_store %arg5[%swap3A_34, %swap3A_35], %reshape3A_33 {strides = array<i32>} : memref<1x128xf32, #tpu.memory_space<vmem>>, vector<1x128xf32>,
    return
  }
}

module attributes {stable_mosaic.version = 14 : i64} {
  func.func @_out_body(%arg0: i32, %arg1: i32, %arg2: memref<1x256x128xf32, #tpu.memory_space<vmem>>, %arg3: memref<1x256x128xf32, #tpu.memory_space<vmem>>, %arg4: memref<256x128xf32, #tpu.memory_space<vmem>>, %arg5: memref<1x256x256xf32, #tpu.memory_space<vmem>>) attributes {dimension_semantics = [#tpu.dimension_semantics<arbitrary>, #tpu.dimension_semantics<arbitrary>], iteration_bounds = array<i64: 2, 16>, scalar_prefetch = 0 : i64, scratch_operands = 0 : i64, tpu.core_type = #tpu.core_type<tc>, window_params = [{transform_indices = @transform_0, window_bounds = array<i64: 1, 256, 128>}, {transform_indices = @transform_1, window_bounds = array<i64: 1, 256, 128>}, {pipeline_mode = #tpu.pipeline_mode<synchronous>, transform_indices = @transform_2, window_bounds = array<i64: 256, 128>}, {transform_indices = @transform_3, window_bounds = array<i64: 1, 256, 256>}]} {
    %get3A = arith.constant 0 : index
    %get3A_0 = arith.constant 0 : index
    %get3A_1 = arith.constant 0 : index
    %get3A_2 = vector.load %arg2[%get3A, %get3A_0, %get3A_1] : memref<1x256x128xf32, #tpu.memory_space<vmem>>, vector<1x256x128xf32>
    %get3A_3 = vector.shape_cast %get3A_2 : vector<1x256x128xf32> to vector<256x128xf32>
    %get3A_4 = arith.constant 0 : index
    %get3A_5 = arith.constant 0 : index
    %get3A_6 = arith.constant 0 : index
    %get3A_7 = vector.load %arg3[%get3A_4, %get3A_5, %get3A_6] : memref<1x256x128xf32, #tpu.memory_space<vmem>>, vector<1x256x128xf32>
    %get3A_8 = vector.shape_cast %get3A_7 : vector<1x256x128xf32> to vector<256x128xf32>
    %sub3A = arith.subf %get3A_3, %get3A_8 : vector<256x128xf32>
    %get3A_9 = arith.constant 0 : index
    %get3A_10 = arith.constant 0 : index
    %get3A_11 = vector.load %arg4[%get3A_9, %get3A_10] : memref<256x128xf32, #tpu.memory_space<vmem>>, vector<256x128xf32>
    %dot_general3A = arith.constant dense<0.000000e+00> : vector<256x256xf32>
    %dot_general3A_12 = tpu.matmul %get3A_11, %sub3A, %dot_general3A {dimension_numbers = #tpu.dot_dimension_numbers<[1], [1], [0], [0], [0, 0, 1, 0], [], []>, transpose_lhs_hint = false} : vector<256x128xf32>, vector<256x128xf32>, vector<256x256xf32> -> vector<256x256xf32>
    %swap3A = arith.constant 0 : index
    %swap3A_13 = arith.constant 0 : index
    %swap3A_14 = arith.constant 0 : index
    %swap3A_15 = vector.load %arg5[%swap3A, %swap3A_13, %swap3A_14] : memref<1x256x256xf32, #tpu.memory_space<vmem>>, vector<1x256x256xf32>
    %swap3A_16 = vector.shape_cast %swap3A_15 : vector<1x256x256xf32> to vector<256x256xf32>
    %swap3A_17 = vector.shape_cast %dot_general3A_12 : vector<256x256xf32> to vector<1x256x256xf32>
    tpu.vector_store %arg5[%swap3A, %swap3A_13, %swap3A_14], %swap3A_17 {strides = array<i32>} : memref<1x256x256xf32, #tpu.memory_space<vmem>>, vector<1x256x256xf32>,
    return
  }
  func.func @transform_0(%arg0: i32, %arg1: i32) -> (i32, i32, i32) {
    %c0_i32 = arith.constant 0 : i32
    %c0_i32_0 = arith.constant 0 : i32
    return %arg0, %arg1, %c0_i32 : i32, i32, i32
  }
  func.func @transform_1(%arg0: i32, %arg1: i32) -> (i32, i32, i32) {
    %c0_i32 = arith.constant 0 : i32
    %c0_i32_0 = arith.constant 0 : i32
    return %arg0, %arg1, %c0_i32 : i32, i32, i32
  }
  func.func @transform_2(%arg0: i32, %arg1: i32) -> (i32, i32) {
    %c0_i32 = arith.constant 0 : i32
    %c0_i32_0 = arith.constant 0 : i32
    %c0_i32_1 = arith.constant 0 : i32
    return %c0_i32, %c0_i32_0 : i32, i32
  }
  func.func @transform_3(%arg0: i32, %arg1: i32) -> (i32, i32, i32) {
    %c0_i32 = arith.constant 0 : i32
    %c0_i32_0 = arith.constant 0 : i32
    return %arg0, %c0_i32, %arg1 : i32, i32, i32
  }
}

module attributes {stable_mosaic.version = 14 : i64} {
  func.func @_feat0_knn_body(%arg0: i32, %arg1: i32, %arg2: memref<1x256x3xf32, #tpu.memory_space<vmem>>, %arg3: memref<1x4096x3xf32, #tpu.memory_space<vmem>>, %arg4: memref<1x256x256xf32, #tpu.memory_space<vmem>>, %arg5: memref<128x256xf32, #tpu.memory_space<vmem>>, %arg6: memref<128x3xf32, #tpu.memory_space<vmem>>, %arg7: memref<1x128xf32, #tpu.memory_space<vmem>>, %arg8: memref<1x256x128xf32, #tpu.memory_space<vmem>>, %arg9: memref<1x64x128xi32, #tpu.memory_space<vmem>>) attributes {dimension_semantics = [#tpu.dimension_semantics<arbitrary>, #tpu.dimension_semantics<arbitrary>], iteration_bounds = array<i64: 2, 16>, scalar_prefetch = 0 : i64, scratch_operands = 0 : i64, tpu.core_type = #tpu.core_type<tc>, window_params = [{transform_indices = @transform_0, window_bounds = array<i64: 1, 256, 3>}, {transform_indices = @transform_1, window_bounds = array<i64: 1, 4096, 3>}, {transform_indices = @transform_2, window_bounds = array<i64: 1, 256, 256>}, {pipeline_mode = #tpu.pipeline_mode<synchronous>, transform_indices = @transform_3, window_bounds = array<i64: 128, 256>}, {pipeline_mode = #tpu.pipeline_mode<synchronous>, transform_indices = @transform_4, window_bounds = array<i64: 128, 3>}, {pipeline_mode = #tpu.pipeline_mode<synchronous>, transform_indices = @transform_5, window_bounds = array<i64: 1, 128>}, {transform_indices = @transform_6, window_bounds = array<i64: 1, 256, 128>}, {transform_indices = @transform_7, window_bounds = array<i64: 1, 64, 128>}]} {
    %get3A = arith.constant 0 : index
    %get3A_0 = arith.constant 0 : index
    %get3A_1 = arith.constant 0 : index
    %get3A_2 = vector.load %arg2[%get3A, %get3A_0, %get3A_1] : memref<1x256x3xf32, #tpu.memory_space<vmem>>, vector<1x256x3xf32>
    %get3A_3 = vector.shape_cast %get3A_2 : vector<1x256x3xf32> to vector<256x3xf32>
    %get3A_4 = arith.constant 0 : index
    %get3A_5 = arith.constant 0 : index
    %get3A_6 = arith.constant 0 : index
    %get3A_7 = vector.load %arg3[%get3A_4, %get3A_5, %get3A_6] : memref<1x4096x3xf32, #tpu.memory_space<vmem>>, vector<1x4096x3xf32>
    %get3A_8 = vector.shape_cast %get3A_7 : vector<1x4096x3xf32> to vector<4096x3xf32>
    %get3A_9 = arith.constant 0 : index
    %get3A_10 = arith.constant 0 : index
    %get3A_11 = arith.constant 0 : index
    %get3A_12 = vector.load %arg4[%get3A_9, %get3A_10, %get3A_11] : memref<1x256x256xf32, #tpu.memory_space<vmem>>, vector<1x256x256xf32>
    %get3A_13 = vector.shape_cast %get3A_12 : vector<1x256x256xf32> to vector<256x256xf32>
    %get3A_14 = arith.constant 0 : index
    %get3A_15 = arith.constant 0 : index
    %get3A_16 = vector.load %arg5[%get3A_14, %get3A_15] : memref<128x256xf32, #tpu.memory_space<vmem>>, vector<128x256xf32>
    %dot_general3A = arith.constant dense<0.000000e+00> : vector<256x128xf32>
    %dot_general3A_17 = tpu.matmul %get3A_13, %get3A_16, %dot_general3A {dimension_numbers = #tpu.dot_dimension_numbers<[0], [1], [1], [0], [0, 1, 1, 0], [], []>, transpose_lhs_hint = false} : vector<256x256xf32>, vector<128x256xf32>, vector<256x128xf32> -> vector<256x128xf32>
    %get3A_18 = arith.constant 0 : index
    %get3A_19 = arith.constant 0 : index
    %get3A_20 = vector.load %arg6[%get3A_18, %get3A_19] : memref<128x3xf32, #tpu.memory_space<vmem>>, vector<128x3xf32>
    %dot_general3A_21 = arith.constant dense<0.000000e+00> : vector<256x128xf32>
    %dot_general3A_22 = tpu.matmul %get3A_3, %get3A_20, %dot_general3A_21 {dimension_numbers = #tpu.dot_dimension_numbers<[1], [1], [0], [0], [0, 0, 1, 0], [], []>, transpose_lhs_hint = false} : vector<256x3xf32>, vector<128x3xf32>, vector<256x128xf32> -> vector<256x128xf32>
    %add3A = arith.addf %dot_general3A_17, %dot_general3A_22 : vector<256x128xf32>
    %get3A_23 = arith.constant 0 : index
    %get3A_24 = arith.constant 0 : index
    %get3A_25 = vector.load %arg7[%get3A_23, %get3A_24] : memref<1x128xf32, #tpu.memory_space<vmem>>, vector<1x128xf32>
    %add3A_26 = vector.broadcast %get3A_25 : vector<1x128xf32> to vector<256x128xf32>
    %add3A_27 = arith.addf %add3A, %add3A_26 : vector<256x128xf32>
    %swap3A = arith.constant 0 : index
    %swap3A_28 = arith.constant 0 : index
    %swap3A_29 = arith.constant 0 : index
    %swap3A_30 = vector.load %arg8[%swap3A, %swap3A_28, %swap3A_29] : memref<1x256x128xf32, #tpu.memory_space<vmem>>, vector<1x256x128xf32>
    %swap3A_31 = vector.shape_cast %swap3A_30 : vector<1x256x128xf32> to vector<256x128xf32>
    %swap3A_32 = vector.shape_cast %add3A_27 : vector<256x128xf32> to vector<1x256x128xf32>
    tpu.vector_store %arg8[%swap3A, %swap3A_28, %swap3A_29], %swap3A_32 {strides = array<i32>} : memref<1x256x128xf32, #tpu.memory_space<vmem>>, vector<1x256x128xf32>,
    %dot_general3A_33 = arith.constant dense<0.000000e+00> : vector<256x4096xf32>
    %dot_general3A_34 = tpu.matmul %get3A_3, %get3A_8, %dot_general3A_33 {dimension_numbers = #tpu.dot_dimension_numbers<[1], [1], [0], [0], [0, 0, 1, 0], [], []>, transpose_lhs_hint = false} : vector<256x3xf32>, vector<4096x3xf32>, vector<256x4096xf32> -> vector<256x4096xf32>
    %mul3A = arith.mulf %get3A_8, %get3A_8 : vector<4096x3xf32>
    %reduce_sum3A = arith.constant dense<0.000000e+00> : vector<4096xf32>
    %reduce_sum3A_35 = vector.multi_reduction <add>, %mul3A, %reduce_sum3A [1] : vector<4096x3xf32> to vector<4096xf32>
    %mul3A_36 = arith.constant 2.000000e+00 : f32
    %mul3A_37 = vector.broadcast %mul3A_36 : f32 to vector<256x4096xf32>
    %mul3A_38 = arith.mulf %mul3A_37, %dot_general3A_34 : vector<256x4096xf32>
    %broadcast_in_dim3A = vector.shape_cast %reduce_sum3A_35 : vector<4096xf32> to vector<1x4096xf32>
    %sub3A = vector.broadcast %broadcast_in_dim3A : vector<1x4096xf32> to vector<256x4096xf32>
    %sub3A_39 = arith.subf %mul3A_38, %sub3A : vector<256x4096xf32>
    %iota3A = tpu.iota {dimensions = array<i32: 1>} : vector<256x4096xi32>
    %convert_element_type3A = arith.sitofp %iota3A : vector<256x4096xi32> to vector<256x4096xf32>
    %reduce_max3A = arith.constant dense<0xFF800000> : vector<256xf32>
    %reduce_max3A_40 = vector.multi_reduction <maximumf>, %sub3A_39, %reduce_max3A [1] : vector<256x4096xf32> to vector<256xf32>
    %broadcast_in_dim3A_41 = vector.shape_cast %reduce_max3A_40 : vector<256xf32> to vector<256x1xf32>
    %ge3A = vector.broadcast %broadcast_in_dim3A_41 : vector<256x1xf32> to vector<256x4096xf32>
    %ge3A_42 = arith.cmpf oge, %sub3A_39, %ge3A : vector<256x4096xf32>
    %jit3A = arith.constant 4.096000e+03 : f32
    %broadcast_in_dim3A_43 = vector.broadcast %jit3A : f32 to vector<256x4096xf32>
    %select_n3A = arith.select %ge3A_42, %convert_element_type3A, %broadcast_in_dim3A_43 : vector<256x4096xi1>, vector<256x4096xf32>
    %reduce_min3A = arith.constant dense<0x7F800000> : vector<256xf32>
    %reduce_min3A_44 = vector.multi_reduction <minimumf>, %select_n3A, %reduce_min3A [1] : vector<256x4096xf32> to vector<256xf32>
    %jit3A_45 = arith.constant 0xFF800000 : f32
    %broadcast_in_dim3A_46 = vector.broadcast %jit3A_45 : f32 to vector<256x4096xf32>
    %select_n3A_47 = arith.select %ge3A_42, %broadcast_in_dim3A_46, %sub3A_39 : vector<256x4096xi1>, vector<256x4096xf32>
    %reduce_max3A_48 = arith.constant dense<0xFF800000> : vector<256xf32>
    %reduce_max3A_49 = vector.multi_reduction <maximumf>, %select_n3A_47, %reduce_max3A_48 [1] : vector<256x4096xf32> to vector<256xf32>
    %broadcast_in_dim3A_50 = vector.shape_cast %reduce_max3A_49 : vector<256xf32> to vector<256x1xf32>
    %ge3A_51 = vector.broadcast %broadcast_in_dim3A_50 : vector<256x1xf32> to vector<256x4096xf32>
    %ge3A_52 = arith.cmpf oge, %select_n3A_47, %ge3A_51 : vector<256x4096xf32>
    %jit3A_53 = arith.constant 4.096000e+03 : f32
    %broadcast_in_dim3A_54 = vector.broadcast %jit3A_53 : f32 to vector<256x4096xf32>
    %select_n3A_55 = arith.select %ge3A_52, %convert_element_type3A, %broadcast_in_dim3A_54 : vector<256x4096xi1>, vector<256x4096xf32>
    %reduce_min3A_56 = arith.constant dense<0x7F800000> : vector<256xf32>
    %reduce_min3A_57 = vector.multi_reduction <minimumf>, %select_n3A_55, %reduce_min3A_56 [1] : vector<256x4096xf32> to vector<256xf32>
    %jit3A_58 = arith.constant 0xFF800000 : f32
    %broadcast_in_dim3A_59 = vector.broadcast %jit3A_58 : f32 to vector<256x4096xf32>
    %select_n3A_60 = arith.select %ge3A_52, %broadcast_in_dim3A_59, %select_n3A_47 : vector<256x4096xi1>, vector<256x4096xf32>
    %reduce_max3A_61 = arith.constant dense<0xFF800000> : vector<256xf32>
    %reduce_max3A_62 = vector.multi_reduction <maximumf>, %select_n3A_60, %reduce_max3A_61 [1] : vector<256x4096xf32> to vector<256xf32>
    %broadcast_in_dim3A_63 = vector.shape_cast %reduce_max3A_62 : vector<256xf32> to vector<256x1xf32>
    %ge3A_64 = vector.broadcast %broadcast_in_dim3A_63 : vector<256x1xf32> to vector<256x4096xf32>
    %ge3A_65 = arith.cmpf oge, %select_n3A_60, %ge3A_64 : vector<256x4096xf32>
    %jit3A_66 = arith.constant 4.096000e+03 : f32
    %broadcast_in_dim3A_67 = vector.broadcast %jit3A_66 : f32 to vector<256x4096xf32>
    %select_n3A_68 = arith.select %ge3A_65, %convert_element_type3A, %broadcast_in_dim3A_67 : vector<256x4096xi1>, vector<256x4096xf32>
    %reduce_min3A_69 = arith.constant dense<0x7F800000> : vector<256xf32>
    %reduce_min3A_70 = vector.multi_reduction <minimumf>, %select_n3A_68, %reduce_min3A_69 [1] : vector<256x4096xf32> to vector<256xf32>
    %jit3A_71 = arith.constant 0xFF800000 : f32
    %broadcast_in_dim3A_72 = vector.broadcast %jit3A_71 : f32 to vector<256x4096xf32>
    %select_n3A_73 = arith.select %ge3A_65, %broadcast_in_dim3A_72, %select_n3A_60 : vector<256x4096xi1>, vector<256x4096xf32>
    %reduce_max3A_74 = arith.constant dense<0xFF800000> : vector<256xf32>
    %reduce_max3A_75 = vector.multi_reduction <maximumf>, %select_n3A_73, %reduce_max3A_74 [1] : vector<256x4096xf32> to vector<256xf32>
    %broadcast_in_dim3A_76 = vector.shape_cast %reduce_max3A_75 : vector<256xf32> to vector<256x1xf32>
    %ge3A_77 = vector.broadcast %broadcast_in_dim3A_76 : vector<256x1xf32> to vector<256x4096xf32>
    %ge3A_78 = arith.cmpf oge, %select_n3A_73, %ge3A_77 : vector<256x4096xf32>
    %jit3A_79 = arith.constant 4.096000e+03 : f32
    %broadcast_in_dim3A_80 = vector.broadcast %jit3A_79 : f32 to vector<256x4096xf32>
    %select_n3A_81 = arith.select %ge3A_78, %convert_element_type3A, %broadcast_in_dim3A_80 : vector<256x4096xi1>, vector<256x4096xf32>
    %reduce_min3A_82 = arith.constant dense<0x7F800000> : vector<256xf32>
    %reduce_min3A_83 = vector.multi_reduction <minimumf>, %select_n3A_81, %reduce_min3A_82 [1] : vector<256x4096xf32> to vector<256xf32>
    %jit3A_84 = arith.constant 0xFF800000 : f32
    %broadcast_in_dim3A_85 = vector.broadcast %jit3A_84 : f32 to vector<256x4096xf32>
    %select_n3A_86 = arith.select %ge3A_78, %broadcast_in_dim3A_85, %select_n3A_73 : vector<256x4096xi1>, vector<256x4096xf32>
    %reduce_max3A_87 = arith.constant dense<0xFF800000> : vector<256xf32>
    %reduce_max3A_88 = vector.multi_reduction <maximumf>, %select_n3A_86, %reduce_max3A_87 [1] : vector<256x4096xf32> to vector<256xf32>
    %broadcast_in_dim3A_89 = vector.shape_cast %reduce_max3A_88 : vector<256xf32> to vector<256x1xf32>
    %ge3A_90 = vector.broadcast %broadcast_in_dim3A_89 : vector<256x1xf32> to vector<256x4096xf32>
    %ge3A_91 = arith.cmpf oge, %select_n3A_86, %ge3A_90 : vector<256x4096xf32>
    %jit3A_92 = arith.constant 4.096000e+03 : f32
    %broadcast_in_dim3A_93 = vector.broadcast %jit3A_92 : f32 to vector<256x4096xf32>
    %select_n3A_94 = arith.select %ge3A_91, %convert_element_type3A, %broadcast_in_dim3A_93 : vector<256x4096xi1>, vector<256x4096xf32>
    %reduce_min3A_95 = arith.constant dense<0x7F800000> : vector<256xf32>
    %reduce_min3A_96 = vector.multi_reduction <minimumf>, %select_n3A_94, %reduce_min3A_95 [1] : vector<256x4096xf32> to vector<256xf32>
    %jit3A_97 = arith.constant 0xFF800000 : f32
    %broadcast_in_dim3A_98 = vector.broadcast %jit3A_97 : f32 to vector<256x4096xf32>
    %select_n3A_99 = arith.select %ge3A_91, %broadcast_in_dim3A_98, %select_n3A_86 : vector<256x4096xi1>, vector<256x4096xf32>
    %reduce_max3A_100 = arith.constant dense<0xFF800000> : vector<256xf32>
    %reduce_max3A_101 = vector.multi_reduction <maximumf>, %select_n3A_99, %reduce_max3A_100 [1] : vector<256x4096xf32> to vector<256xf32>
    %broadcast_in_dim3A_102 = vector.shape_cast %reduce_max3A_101 : vector<256xf32> to vector<256x1xf32>
    %ge3A_103 = vector.broadcast %broadcast_in_dim3A_102 : vector<256x1xf32> to vector<256x4096xf32>
    %ge3A_104 = arith.cmpf oge, %select_n3A_99, %ge3A_103 : vector<256x4096xf32>
    %jit3A_105 = arith.constant 4.096000e+03 : f32
    %broadcast_in_dim3A_106 = vector.broadcast %jit3A_105 : f32 to vector<256x4096xf32>
    %select_n3A_107 = arith.select %ge3A_104, %convert_element_type3A, %broadcast_in_dim3A_106 : vector<256x4096xi1>, vector<256x4096xf32>
    %reduce_min3A_108 = arith.constant dense<0x7F800000> : vector<256xf32>
    %reduce_min3A_109 = vector.multi_reduction <minimumf>, %select_n3A_107, %reduce_min3A_108 [1] : vector<256x4096xf32> to vector<256xf32>
    %jit3A_110 = arith.constant 0xFF800000 : f32
    %broadcast_in_dim3A_111 = vector.broadcast %jit3A_110 : f32 to vector<256x4096xf32>
    %select_n3A_112 = arith.select %ge3A_104, %broadcast_in_dim3A_111, %select_n3A_99 : vector<256x4096xi1>, vector<256x4096xf32>
    %reduce_max3A_113 = arith.constant dense<0xFF800000> : vector<256xf32>
    %reduce_max3A_114 = vector.multi_reduction <maximumf>, %select_n3A_112, %reduce_max3A_113 [1] : vector<256x4096xf32> to vector<256xf32>
    %broadcast_in_dim3A_115 = vector.shape_cast %reduce_max3A_114 : vector<256xf32> to vector<256x1xf32>
    %ge3A_116 = vector.broadcast %broadcast_in_dim3A_115 : vector<256x1xf32> to vector<256x4096xf32>
    %ge3A_117 = arith.cmpf oge, %select_n3A_112, %ge3A_116 : vector<256x4096xf32>
    %jit3A_118 = arith.constant 4.096000e+03 : f32
    %broadcast_in_dim3A_119 = vector.broadcast %jit3A_118 : f32 to vector<256x4096xf32>
    %select_n3A_120 = arith.select %ge3A_117, %convert_element_type3A, %broadcast_in_dim3A_119 : vector<256x4096xi1>, vector<256x4096xf32>
    %reduce_min3A_121 = arith.constant dense<0x7F800000> : vector<256xf32>
    %reduce_min3A_122 = vector.multi_reduction <minimumf>, %select_n3A_120, %reduce_min3A_121 [1] : vector<256x4096xf32> to vector<256xf32>
    %jit3A_123 = arith.constant 0xFF800000 : f32
    %broadcast_in_dim3A_124 = vector.broadcast %jit3A_123 : f32 to vector<256x4096xf32>
    %select_n3A_125 = arith.select %ge3A_117, %broadcast_in_dim3A_124, %select_n3A_112 : vector<256x4096xi1>, vector<256x4096xf32>
    %reduce_max3A_126 = arith.constant dense<0xFF800000> : vector<256xf32>
    %reduce_max3A_127 = vector.multi_reduction <maximumf>, %select_n3A_125, %reduce_max3A_126 [1] : vector<256x4096xf32> to vector<256xf32>
    %broadcast_in_dim3A_128 = vector.shape_cast %reduce_max3A_127 : vector<256xf32> to vector<256x1xf32>
    %ge3A_129 = vector.broadcast %broadcast_in_dim3A_128 : vector<256x1xf32> to vector<256x4096xf32>
    %ge3A_130 = arith.cmpf oge, %select_n3A_125, %ge3A_129 : vector<256x4096xf32>
    %jit3A_131 = arith.constant 4.096000e+03 : f32
    %broadcast_in_dim3A_132 = vector.broadcast %jit3A_131 : f32 to vector<256x4096xf32>
    %select_n3A_133 = arith.select %ge3A_130, %convert_element_type3A, %broadcast_in_dim3A_132 : vector<256x4096xi1>, vector<256x4096xf32>
    %reduce_min3A_134 = arith.constant dense<0x7F800000> : vector<256xf32>
    %reduce_min3A_135 = vector.multi_reduction <minimumf>, %select_n3A_133, %reduce_min3A_134 [1] : vector<256x4096xf32> to vector<256xf32>
    %jit3A_136 = arith.constant 0xFF800000 : f32
    %broadcast_in_dim3A_137 = vector.broadcast %jit3A_136 : f32 to vector<256x4096xf32>
    %select_n3A_138 = arith.select %ge3A_130, %broadcast_in_dim3A_137, %select_n3A_125 : vector<256x4096xi1>, vector<256x4096xf32>
    %reduce_max3A_139 = arith.constant dense<0xFF800000> : vector<256xf32>
    %reduce_max3A_140 = vector.multi_reduction <maximumf>, %select_n3A_138, %reduce_max3A_139 [1] : vector<256x4096xf32> to vector<256xf32>
    %broadcast_in_dim3A_141 = vector.shape_cast %reduce_max3A_140 : vector<256xf32> to vector<256x1xf32>
    %ge3A_142 = vector.broadcast %broadcast_in_dim3A_141 : vector<256x1xf32> to vector<256x4096xf32>
    %ge3A_143 = arith.cmpf oge, %select_n3A_138, %ge3A_142 : vector<256x4096xf32>
    %jit3A_144 = arith.constant 4.096000e+03 : f32
    %broadcast_in_dim3A_145 = vector.broadcast %jit3A_144 : f32 to vector<256x4096xf32>
    %select_n3A_146 = arith.select %ge3A_143, %convert_element_type3A, %broadcast_in_dim3A_145 : vector<256x4096xi1>, vector<256x4096xf32>
    %reduce_min3A_147 = arith.constant dense<0x7F800000> : vector<256xf32>
    %reduce_min3A_148 = vector.multi_reduction <minimumf>, %select_n3A_146, %reduce_min3A_147 [1] : vector<256x4096xf32> to vector<256xf32>
    %jit3A_149 = arith.constant 0xFF800000 : f32
    %broadcast_in_dim3A_150 = vector.broadcast %jit3A_149 : f32 to vector<256x4096xf32>
    %select_n3A_151 = arith.select %ge3A_143, %broadcast_in_dim3A_150, %select_n3A_138 : vector<256x4096xi1>, vector<256x4096xf32>
    %reduce_max3A_152 = arith.constant dense<0xFF800000> : vector<256xf32>
    %reduce_max3A_153 = vector.multi_reduction <maximumf>, %select_n3A_151, %reduce_max3A_152 [1] : vector<256x4096xf32> to vector<256xf32>
    %broadcast_in_dim3A_154 = vector.shape_cast %reduce_max3A_153 : vector<256xf32> to vector<256x1xf32>
    %ge3A_155 = vector.broadcast %broadcast_in_dim3A_154 : vector<256x1xf32> to vector<256x4096xf32>
    %ge3A_156 = arith.cmpf oge, %select_n3A_151, %ge3A_155 : vector<256x4096xf32>
    %jit3A_157 = arith.constant 4.096000e+03 : f32
    %broadcast_in_dim3A_158 = vector.broadcast %jit3A_157 : f32 to vector<256x4096xf32>
    %select_n3A_159 = arith.select %ge3A_156, %convert_element_type3A, %broadcast_in_dim3A_158 : vector<256x4096xi1>, vector<256x4096xf32>
    %reduce_min3A_160 = arith.constant dense<0x7F800000> : vector<256xf32>
    %reduce_min3A_161 = vector.multi_reduction <minimumf>, %select_n3A_159, %reduce_min3A_160 [1] : vector<256x4096xf32> to vector<256xf32>
    %jit3A_162 = arith.constant 0xFF800000 : f32
    %broadcast_in_dim3A_163 = vector.broadcast %jit3A_162 : f32 to vector<256x4096xf32>
    %select_n3A_164 = arith.select %ge3A_156, %broadcast_in_dim3A_163, %select_n3A_151 : vector<256x4096xi1>, vector<256x4096xf32>
    %reduce_max3A_165 = arith.constant dense<0xFF800000> : vector<256xf32>
    %reduce_max3A_166 = vector.multi_reduction <maximumf>, %select_n3A_164, %reduce_max3A_165 [1] : vector<256x4096xf32> to vector<256xf32>
    %broadcast_in_dim3A_167 = vector.shape_cast %reduce_max3A_166 : vector<256xf32> to vector<256x1xf32>
    %ge3A_168 = vector.broadcast %broadcast_in_dim3A_167 : vector<256x1xf32> to vector<256x4096xf32>
    %ge3A_169 = arith.cmpf oge, %select_n3A_164, %ge3A_168 : vector<256x4096xf32>
    %jit3A_170 = arith.constant 4.096000e+03 : f32
    %broadcast_in_dim3A_171 = vector.broadcast %jit3A_170 : f32 to vector<256x4096xf32>
    %select_n3A_172 = arith.select %ge3A_169, %convert_element_type3A, %broadcast_in_dim3A_171 : vector<256x4096xi1>, vector<256x4096xf32>
    %reduce_min3A_173 = arith.constant dense<0x7F800000> : vector<256xf32>
    %reduce_min3A_174 = vector.multi_reduction <minimumf>, %select_n3A_172, %reduce_min3A_173 [1] : vector<256x4096xf32> to vector<256xf32>
    %jit3A_175 = arith.constant 0xFF800000 : f32
    %broadcast_in_dim3A_176 = vector.broadcast %jit3A_175 : f32 to vector<256x4096xf32>
    %select_n3A_177 = arith.select %ge3A_169, %broadcast_in_dim3A_176, %select_n3A_164 : vector<256x4096xi1>, vector<256x4096xf32>
    %reduce_max3A_178 = arith.constant dense<0xFF800000> : vector<256xf32>
    %reduce_max3A_179 = vector.multi_reduction <maximumf>, %select_n3A_177, %reduce_max3A_178 [1] : vector<256x4096xf32> to vector<256xf32>
    %broadcast_in_dim3A_180 = vector.shape_cast %reduce_max3A_179 : vector<256xf32> to vector<256x1xf32>
    %ge3A_181 = vector.broadcast %broadcast_in_dim3A_180 : vector<256x1xf32> to vector<256x4096xf32>
    %ge3A_182 = arith.cmpf oge, %select_n3A_177, %ge3A_181 : vector<256x4096xf32>
    %jit3A_183 = arith.constant 4.096000e+03 : f32
    %broadcast_in_dim3A_184 = vector.broadcast %jit3A_183 : f32 to vector<256x4096xf32>
    %select_n3A_185 = arith.select %ge3A_182, %convert_element_type3A, %broadcast_in_dim3A_184 : vector<256x4096xi1>, vector<256x4096xf32>
    %reduce_min3A_186 = arith.constant dense<0x7F800000> : vector<256xf32>
    %reduce_min3A_187 = vector.multi_reduction <minimumf>, %select_n3A_185, %reduce_min3A_186 [1] : vector<256x4096xf32> to vector<256xf32>
    %jit3A_188 = arith.constant 0xFF800000 : f32
    %broadcast_in_dim3A_189 = vector.broadcast %jit3A_188 : f32 to vector<256x4096xf32>
    %select_n3A_190 = arith.select %ge3A_182, %broadcast_in_dim3A_189, %select_n3A_177 : vector<256x4096xi1>, vector<256x4096xf32>
    %reduce_max3A_191 = arith.constant dense<0xFF800000> : vector<256xf32>
    %reduce_max3A_192 = vector.multi_reduction <maximumf>, %select_n3A_190, %reduce_max3A_191 [1] : vector<256x4096xf32> to vector<256xf32>
    %broadcast_in_dim3A_193 = vector.shape_cast %reduce_max3A_192 : vector<256xf32> to vector<256x1xf32>
    %ge3A_194 = vector.broadcast %broadcast_in_dim3A_193 : vector<256x1xf32> to vector<256x4096xf32>
    %ge3A_195 = arith.cmpf oge, %select_n3A_190, %ge3A_194 : vector<256x4096xf32>
    %jit3A_196 = arith.constant 4.096000e+03 : f32
    %broadcast_in_dim3A_197 = vector.broadcast %jit3A_196 : f32 to vector<256x4096xf32>
    %select_n3A_198 = arith.select %ge3A_195, %convert_element_type3A, %broadcast_in_dim3A_197 : vector<256x4096xi1>, vector<256x4096xf32>
    %reduce_min3A_199 = arith.constant dense<0x7F800000> : vector<256xf32>
    %reduce_min3A_200 = vector.multi_reduction <minimumf>, %select_n3A_198, %reduce_min3A_199 [1] : vector<256x4096xf32> to vector<256xf32>
    %jit3A_201 = arith.constant 0xFF800000 : f32
    %broadcast_in_dim3A_202 = vector.broadcast %jit3A_201 : f32 to vector<256x4096xf32>
    %select_n3A_203 = arith.select %ge3A_195, %broadcast_in_dim3A_202, %select_n3A_190 : vector<256x4096xi1>, vector<256x4096xf32>
    %reduce_max3A_204 = arith.constant dense<0xFF800000> : vector<256xf32>
    %reduce_max3A_205 = vector.multi_reduction <maximumf>, %select_n3A_203, %reduce_max3A_204 [1] : vector<256x4096xf32> to vector<256xf32>
    %broadcast_in_dim3A_206 = vector.shape_cast %reduce_max3A_205 : vector<256xf32> to vector<256x1xf32>
    %ge3A_207 = vector.broadcast %broadcast_in_dim3A_206 : vector<256x1xf32> to vector<256x4096xf32>
    %ge3A_208 = arith.cmpf oge, %select_n3A_203, %ge3A_207 : vector<256x4096xf32>
    %jit3A_209 = arith.constant 4.096000e+03 : f32
    %broadcast_in_dim3A_210 = vector.broadcast %jit3A_209 : f32 to vector<256x4096xf32>
    %select_n3A_211 = arith.select %ge3A_208, %convert_element_type3A, %broadcast_in_dim3A_210 : vector<256x4096xi1>, vector<256x4096xf32>
    %reduce_min3A_212 = arith.constant dense<0x7F800000> : vector<256xf32>
    %reduce_min3A_213 = vector.multi_reduction <minimumf>, %select_n3A_211, %reduce_min3A_212 [1] : vector<256x4096xf32> to vector<256xf32>
    %jit3A_214 = arith.constant 0xFF800000 : f32
    %broadcast_in_dim3A_215 = vector.broadcast %jit3A_214 : f32 to vector<256x4096xf32>
    %select_n3A_216 = arith.select %ge3A_208, %broadcast_in_dim3A_215, %select_n3A_203 : vector<256x4096xi1>, vector<256x4096xf32>
    %reduce_max3A_217 = arith.constant dense<0xFF800000> : vector<256xf32>
    %reduce_max3A_218 = vector.multi_reduction <maximumf>, %select_n3A_216, %reduce_max3A_217 [1] : vector<256x4096xf32> to vector<256xf32>
    %broadcast_in_dim3A_219 = vector.shape_cast %reduce_max3A_218 : vector<256xf32> to vector<256x1xf32>
    %ge3A_220 = vector.broadcast %broadcast_in_dim3A_219 : vector<256x1xf32> to vector<256x4096xf32>
    %ge3A_221 = arith.cmpf oge, %select_n3A_216, %ge3A_220 : vector<256x4096xf32>
    %jit3A_222 = arith.constant 4.096000e+03 : f32
    %broadcast_in_dim3A_223 = vector.broadcast %jit3A_222 : f32 to vector<256x4096xf32>
    %select_n3A_224 = arith.select %ge3A_221, %convert_element_type3A, %broadcast_in_dim3A_223 : vector<256x4096xi1>, vector<256x4096xf32>
    %reduce_min3A_225 = arith.constant dense<0x7F800000> : vector<256xf32>
    %reduce_min3A_226 = vector.multi_reduction <minimumf>, %select_n3A_224, %reduce_min3A_225 [1] : vector<256x4096xf32> to vector<256xf32>
    %jit3A_227 = arith.constant 0xFF800000 : f32
    %broadcast_in_dim3A_228 = vector.broadcast %jit3A_227 : f32 to vector<256x4096xf32>
    %select_n3A_229 = arith.select %ge3A_221, %broadcast_in_dim3A_228, %select_n3A_216 : vector<256x4096xi1>, vector<256x4096xf32>
    %reduce_max3A_230 = arith.constant dense<0xFF800000> : vector<256xf32>
    %reduce_max3A_231 = vector.multi_reduction <maximumf>, %select_n3A_229, %reduce_max3A_230 [1] : vector<256x4096xf32> to vector<256xf32>
    %broadcast_in_dim3A_232 = vector.shape_cast %reduce_max3A_231 : vector<256xf32> to vector<256x1xf32>
    %ge3A_233 = vector.broadcast %broadcast_in_dim3A_232 : vector<256x1xf32> to vector<256x4096xf32>
    %ge3A_234 = arith.cmpf oge, %select_n3A_229, %ge3A_233 : vector<256x4096xf32>
    %jit3A_235 = arith.constant 4.096000e+03 : f32
    %broadcast_in_dim3A_236 = vector.broadcast %jit3A_235 : f32 to vector<256x4096xf32>
    %select_n3A_237 = arith.select %ge3A_234, %convert_element_type3A, %broadcast_in_dim3A_236 : vector<256x4096xi1>, vector<256x4096xf32>
    %reduce_min3A_238 = arith.constant dense<0x7F800000> : vector<256xf32>
    %reduce_min3A_239 = vector.multi_reduction <minimumf>, %select_n3A_237, %reduce_min3A_238 [1] : vector<256x4096xf32> to vector<256xf32>
    %jit3A_240 = arith.constant 0xFF800000 : f32
    %broadcast_in_dim3A_241 = vector.broadcast %jit3A_240 : f32 to vector<256x4096xf32>
    %select_n3A_242 = arith.select %ge3A_234, %broadcast_in_dim3A_241, %select_n3A_229 : vector<256x4096xi1>, vector<256x4096xf32>
    %reduce_max3A_243 = arith.constant dense<0xFF800000> : vector<256xf32>
    %reduce_max3A_244 = vector.multi_reduction <maximumf>, %select_n3A_242, %reduce_max3A_243 [1] : vector<256x4096xf32> to vector<256xf32>
    %broadcast_in_dim3A_245 = vector.shape_cast %reduce_max3A_244 : vector<256xf32> to vector<256x1xf32>
    %ge3A_246 = vector.broadcast %broadcast_in_dim3A_245 : vector<256x1xf32> to vector<256x4096xf32>
    %ge3A_247 = arith.cmpf oge, %select_n3A_242, %ge3A_246 : vector<256x4096xf32>
    %jit3A_248 = arith.constant 4.096000e+03 : f32
    %broadcast_in_dim3A_249 = vector.broadcast %jit3A_248 : f32 to vector<256x4096xf32>
    %select_n3A_250 = arith.select %ge3A_247, %convert_element_type3A, %broadcast_in_dim3A_249 : vector<256x4096xi1>, vector<256x4096xf32>
    %reduce_min3A_251 = arith.constant dense<0x7F800000> : vector<256xf32>
    %reduce_min3A_252 = vector.multi_reduction <minimumf>, %select_n3A_250, %reduce_min3A_251 [1] : vector<256x4096xf32> to vector<256xf32>
    %jit3A_253 = arith.constant 0xFF800000 : f32
    %broadcast_in_dim3A_254 = vector.broadcast %jit3A_253 : f32 to vector<256x4096xf32>
    %select_n3A_255 = arith.select %ge3A_247, %broadcast_in_dim3A_254, %select_n3A_242 : vector<256x4096xi1>, vector<256x4096xf32>
    %reduce_max3A_256 = arith.constant dense<0xFF800000> : vector<256xf32>
    %reduce_max3A_257 = vector.multi_reduction <maximumf>, %select_n3A_255, %reduce_max3A_256 [1] : vector<256x4096xf32> to vector<256xf32>
    %broadcast_in_dim3A_258 = vector.shape_cast %reduce_max3A_257 : vector<256xf32> to vector<256x1xf32>
    %ge3A_259 = vector.broadcast %broadcast_in_dim3A_258 : vector<256x1xf32> to vector<256x4096xf32>
    %ge3A_260 = arith.cmpf oge, %select_n3A_255, %ge3A_259 : vector<256x4096xf32>
    %jit3A_261 = arith.constant 4.096000e+03 : f32
    %broadcast_in_dim3A_262 = vector.broadcast %jit3A_261 : f32 to vector<256x4096xf32>
    %select_n3A_263 = arith.select %ge3A_260, %convert_element_type3A, %broadcast_in_dim3A_262 : vector<256x4096xi1>, vector<256x4096xf32>
    %reduce_min3A_264 = arith.constant dense<0x7F800000> : vector<256xf32>
    %reduce_min3A_265 = vector.multi_reduction <minimumf>, %select_n3A_263, %reduce_min3A_264 [1] : vector<256x4096xf32> to vector<256xf32>
    %jit3A_266 = arith.constant 0xFF800000 : f32
    %broadcast_in_dim3A_267 = vector.broadcast %jit3A_266 : f32 to vector<256x4096xf32>
    %select_n3A_268 = arith.select %ge3A_260, %broadcast_in_dim3A_267, %select_n3A_255 : vector<256x4096xi1>, vector<256x4096xf32>
    %reduce_max3A_269 = arith.constant dense<0xFF800000> : vector<256xf32>
    %reduce_max3A_270 = vector.multi_reduction <maximumf>, %select_n3A_268, %reduce_max3A_269 [1] : vector<256x4096xf32> to vector<256xf32>
    %broadcast_in_dim3A_271 = vector.shape_cast %reduce_max3A_270 : vector<256xf32> to vector<256x1xf32>
    %ge3A_272 = vector.broadcast %broadcast_in_dim3A_271 : vector<256x1xf32> to vector<256x4096xf32>
    %ge3A_273 = arith.cmpf oge, %select_n3A_268, %ge3A_272 : vector<256x4096xf32>
    %jit3A_274 = arith.constant 4.096000e+03 : f32
    %broadcast_in_dim3A_275 = vector.broadcast %jit3A_274 : f32 to vector<256x4096xf32>
    %select_n3A_276 = arith.select %ge3A_273, %convert_element_type3A, %broadcast_in_dim3A_275 : vector<256x4096xi1>, vector<256x4096xf32>
    %reduce_min3A_277 = arith.constant dense<0x7F800000> : vector<256xf32>
    %reduce_min3A_278 = vector.multi_reduction <minimumf>, %select_n3A_276, %reduce_min3A_277 [1] : vector<256x4096xf32> to vector<256xf32>
    %jit3A_279 = arith.constant 0xFF800000 : f32
    %broadcast_in_dim3A_280 = vector.broadcast %jit3A_279 : f32 to vector<256x4096xf32>
    %select_n3A_281 = arith.select %ge3A_273, %broadcast_in_dim3A_280, %select_n3A_268 : vector<256x4096xi1>, vector<256x4096xf32>
    %reduce_max3A_282 = arith.constant dense<0xFF800000> : vector<256xf32>
    %reduce_max3A_283 = vector.multi_reduction <maximumf>, %select_n3A_281, %reduce_max3A_282 [1] : vector<256x4096xf32> to vector<256xf32>
    %broadcast_in_dim3A_284 = vector.shape_cast %reduce_max3A_283 : vector<256xf32> to vector<256x1xf32>
    %ge3A_285 = vector.broadcast %broadcast_in_dim3A_284 : vector<256x1xf32> to vector<256x4096xf32>
    %ge3A_286 = arith.cmpf oge, %select_n3A_281, %ge3A_285 : vector<256x4096xf32>
    %jit3A_287 = arith.constant 4.096000e+03 : f32
    %broadcast_in_dim3A_288 = vector.broadcast %jit3A_287 : f32 to vector<256x4096xf32>
    %select_n3A_289 = arith.select %ge3A_286, %convert_element_type3A, %broadcast_in_dim3A_288 : vector<256x4096xi1>, vector<256x4096xf32>
    %reduce_min3A_290 = arith.constant dense<0x7F800000> : vector<256xf32>
    %reduce_min3A_291 = vector.multi_reduction <minimumf>, %select_n3A_289, %reduce_min3A_290 [1] : vector<256x4096xf32> to vector<256xf32>
    %jit3A_292 = arith.constant 0xFF800000 : f32
    %broadcast_in_dim3A_293 = vector.broadcast %jit3A_292 : f32 to vector<256x4096xf32>
    %select_n3A_294 = arith.select %ge3A_286, %broadcast_in_dim3A_293, %select_n3A_281 : vector<256x4096xi1>, vector<256x4096xf32>
    %reduce_max3A_295 = arith.constant dense<0xFF800000> : vector<256xf32>
    %reduce_max3A_296 = vector.multi_reduction <maximumf>, %select_n3A_294, %reduce_max3A_295 [1] : vector<256x4096xf32> to vector<256xf32>
    %broadcast_in_dim3A_297 = vector.shape_cast %reduce_max3A_296 : vector<256xf32> to vector<256x1xf32>
    %ge3A_298 = vector.broadcast %broadcast_in_dim3A_297 : vector<256x1xf32> to vector<256x4096xf32>
    %ge3A_299 = arith.cmpf oge, %select_n3A_294, %ge3A_298 : vector<256x4096xf32>
    %jit3A_300 = arith.constant 4.096000e+03 : f32
    %broadcast_in_dim3A_301 = vector.broadcast %jit3A_300 : f32 to vector<256x4096xf32>
    %select_n3A_302 = arith.select %ge3A_299, %convert_element_type3A, %broadcast_in_dim3A_301 : vector<256x4096xi1>, vector<256x4096xf32>
    %reduce_min3A_303 = arith.constant dense<0x7F800000> : vector<256xf32>
    %reduce_min3A_304 = vector.multi_reduction <minimumf>, %select_n3A_302, %reduce_min3A_303 [1] : vector<256x4096xf32> to vector<256xf32>
    %jit3A_305 = arith.constant 0xFF800000 : f32
    %broadcast_in_dim3A_306 = vector.broadcast %jit3A_305 : f32 to vector<256x4096xf32>
    %select_n3A_307 = arith.select %ge3A_299, %broadcast_in_dim3A_306, %select_n3A_294 : vector<256x4096xi1>, vector<256x4096xf32>
    %reduce_max3A_308 = arith.constant dense<0xFF800000> : vector<256xf32>
    %reduce_max3A_309 = vector.multi_reduction <maximumf>, %select_n3A_307, %reduce_max3A_308 [1] : vector<256x4096xf32> to vector<256xf32>
    %broadcast_in_dim3A_310 = vector.shape_cast %reduce_max3A_309 : vector<256xf32> to vector<256x1xf32>
    %ge3A_311 = vector.broadcast %broadcast_in_dim3A_310 : vector<256x1xf32> to vector<256x4096xf32>
    %ge3A_312 = arith.cmpf oge, %select_n3A_307, %ge3A_311 : vector<256x4096xf32>
    %jit3A_313 = arith.constant 4.096000e+03 : f32
    %broadcast_in_dim3A_314 = vector.broadcast %jit3A_313 : f32 to vector<256x4096xf32>
    %select_n3A_315 = arith.select %ge3A_312, %convert_element_type3A, %broadcast_in_dim3A_314 : vector<256x4096xi1>, vector<256x4096xf32>
    %reduce_min3A_316 = arith.constant dense<0x7F800000> : vector<256xf32>
    %reduce_min3A_317 = vector.multi_reduction <minimumf>, %select_n3A_315, %reduce_min3A_316 [1] : vector<256x4096xf32> to vector<256xf32>
    %jit3A_318 = arith.constant 0xFF800000 : f32
    %broadcast_in_dim3A_319 = vector.broadcast %jit3A_318 : f32 to vector<256x4096xf32>
    %select_n3A_320 = arith.select %ge3A_312, %broadcast_in_dim3A_319, %select_n3A_307 : vector<256x4096xi1>, vector<256x4096xf32>
    %reduce_max3A_321 = arith.constant dense<0xFF800000> : vector<256xf32>
    %reduce_max3A_322 = vector.multi_reduction <maximumf>, %select_n3A_320, %reduce_max3A_321 [1] : vector<256x4096xf32> to vector<256xf32>
    %broadcast_in_dim3A_323 = vector.shape_cast %reduce_max3A_322 : vector<256xf32> to vector<256x1xf32>
    %ge3A_324 = vector.broadcast %broadcast_in_dim3A_323 : vector<256x1xf32> to vector<256x4096xf32>
    %ge3A_325 = arith.cmpf oge, %select_n3A_320, %ge3A_324 : vector<256x4096xf32>
    %jit3A_326 = arith.constant 4.096000e+03 : f32
    %broadcast_in_dim3A_327 = vector.broadcast %jit3A_326 : f32 to vector<256x4096xf32>
    %select_n3A_328 = arith.select %ge3A_325, %convert_element_type3A, %broadcast_in_dim3A_327 : vector<256x4096xi1>, vector<256x4096xf32>
    %reduce_min3A_329 = arith.constant dense<0x7F800000> : vector<256xf32>
    %reduce_min3A_330 = vector.multi_reduction <minimumf>, %select_n3A_328, %reduce_min3A_329 [1] : vector<256x4096xf32> to vector<256xf32>
    %jit3A_331 = arith.constant 0xFF800000 : f32
    %broadcast_in_dim3A_332 = vector.broadcast %jit3A_331 : f32 to vector<256x4096xf32>
    %select_n3A_333 = arith.select %ge3A_325, %broadcast_in_dim3A_332, %select_n3A_320 : vector<256x4096xi1>, vector<256x4096xf32>
    %reduce_max3A_334 = arith.constant dense<0xFF800000> : vector<256xf32>
    %reduce_max3A_335 = vector.multi_reduction <maximumf>, %select_n3A_333, %reduce_max3A_334 [1] : vector<256x4096xf32> to vector<256xf32>
    %broadcast_in_dim3A_336 = vector.shape_cast %reduce_max3A_335 : vector<256xf32> to vector<256x1xf32>
    %ge3A_337 = vector.broadcast %broadcast_in_dim3A_336 : vector<256x1xf32> to vector<256x4096xf32>
    %ge3A_338 = arith.cmpf oge, %select_n3A_333, %ge3A_337 : vector<256x4096xf32>
    %jit3A_339 = arith.constant 4.096000e+03 : f32
    %broadcast_in_dim3A_340 = vector.broadcast %jit3A_339 : f32 to vector<256x4096xf32>
    %select_n3A_341 = arith.select %ge3A_338, %convert_element_type3A, %broadcast_in_dim3A_340 : vector<256x4096xi1>, vector<256x4096xf32>
    %reduce_min3A_342 = arith.constant dense<0x7F800000> : vector<256xf32>
    %reduce_min3A_343 = vector.multi_reduction <minimumf>, %select_n3A_341, %reduce_min3A_342 [1] : vector<256x4096xf32> to vector<256xf32>
    %jit3A_344 = arith.constant 0xFF800000 : f32
    %broadcast_in_dim3A_345 = vector.broadcast %jit3A_344 : f32 to vector<256x4096xf32>
    %select_n3A_346 = arith.select %ge3A_338, %broadcast_in_dim3A_345, %select_n3A_333 : vector<256x4096xi1>, vector<256x4096xf32>
    %reduce_max3A_347 = arith.constant dense<0xFF800000> : vector<256xf32>
    %reduce_max3A_348 = vector.multi_reduction <maximumf>, %select_n3A_346, %reduce_max3A_347 [1] : vector<256x4096xf32> to vector<256xf32>
    %broadcast_in_dim3A_349 = vector.shape_cast %reduce_max3A_348 : vector<256xf32> to vector<256x1xf32>
    %ge3A_350 = vector.broadcast %broadcast_in_dim3A_349 : vector<256x1xf32> to vector<256x4096xf32>
    %ge3A_351 = arith.cmpf oge, %select_n3A_346, %ge3A_350 : vector<256x4096xf32>
    %jit3A_352 = arith.constant 4.096000e+03 : f32
    %broadcast_in_dim3A_353 = vector.broadcast %jit3A_352 : f32 to vector<256x4096xf32>
    %select_n3A_354 = arith.select %ge3A_351, %convert_element_type3A, %broadcast_in_dim3A_353 : vector<256x4096xi1>, vector<256x4096xf32>
    %reduce_min3A_355 = arith.constant dense<0x7F800000> : vector<256xf32>
    %reduce_min3A_356 = vector.multi_reduction <minimumf>, %select_n3A_354, %reduce_min3A_355 [1] : vector<256x4096xf32> to vector<256xf32>
    %jit3A_357 = arith.constant 0xFF800000 : f32
    %broadcast_in_dim3A_358 = vector.broadcast %jit3A_357 : f32 to vector<256x4096xf32>
    %select_n3A_359 = arith.select %ge3A_351, %broadcast_in_dim3A_358, %select_n3A_346 : vector<256x4096xi1>, vector<256x4096xf32>
    %reduce_max3A_360 = arith.constant dense<0xFF800000> : vector<256xf32>
    %reduce_max3A_361 = vector.multi_reduction <maximumf>, %select_n3A_359, %reduce_max3A_360 [1] : vector<256x4096xf32> to vector<256xf32>
    %broadcast_in_dim3A_362 = vector.shape_cast %reduce_max3A_361 : vector<256xf32> to vector<256x1xf32>
    %ge3A_363 = vector.broadcast %broadcast_in_dim3A_362 : vector<256x1xf32> to vector<256x4096xf32>
    %ge3A_364 = arith.cmpf oge, %select_n3A_359, %ge3A_363 : vector<256x4096xf32>
    %jit3A_365 = arith.constant 4.096000e+03 : f32
    %broadcast_in_dim3A_366 = vector.broadcast %jit3A_365 : f32 to vector<256x4096xf32>
    %select_n3A_367 = arith.select %ge3A_364, %convert_element_type3A, %broadcast_in_dim3A_366 : vector<256x4096xi1>, vector<256x4096xf32>
    %reduce_min3A_368 = arith.constant dense<0x7F800000> : vector<256xf32>
    %reduce_min3A_369 = vector.multi_reduction <minimumf>, %select_n3A_367, %reduce_min3A_368 [1] : vector<256x4096xf32> to vector<256xf32>
    %jit3A_370 = arith.constant 0xFF800000 : f32
    %broadcast_in_dim3A_371 = vector.broadcast %jit3A_370 : f32 to vector<256x4096xf32>
    %select_n3A_372 = arith.select %ge3A_364, %broadcast_in_dim3A_371, %select_n3A_359 : vector<256x4096xi1>, vector<256x4096xf32>
    %reduce_max3A_373 = arith.constant dense<0xFF800000> : vector<256xf32>
    %reduce_max3A_374 = vector.multi_reduction <maximumf>, %select_n3A_372, %reduce_max3A_373 [1] : vector<256x4096xf32> to vector<256xf32>
    %broadcast_in_dim3A_375 = vector.shape_cast %reduce_max3A_374 : vector<256xf32> to vector<256x1xf32>
    %ge3A_376 = vector.broadcast %broadcast_in_dim3A_375 : vector<256x1xf32> to vector<256x4096xf32>
    %ge3A_377 = arith.cmpf oge, %select_n3A_372, %ge3A_376 : vector<256x4096xf32>
    %jit3A_378 = arith.constant 4.096000e+03 : f32
    %broadcast_in_dim3A_379 = vector.broadcast %jit3A_378 : f32 to vector<256x4096xf32>
    %select_n3A_380 = arith.select %ge3A_377, %convert_element_type3A, %broadcast_in_dim3A_379 : vector<256x4096xi1>, vector<256x4096xf32>
    %reduce_min3A_381 = arith.constant dense<0x7F800000> : vector<256xf32>
    %reduce_min3A_382 = vector.multi_reduction <minimumf>, %select_n3A_380, %reduce_min3A_381 [1] : vector<256x4096xf32> to vector<256xf32>
    %jit3A_383 = arith.constant 0xFF800000 : f32
    %broadcast_in_dim3A_384 = vector.broadcast %jit3A_383 : f32 to vector<256x4096xf32>
    %select_n3A_385 = arith.select %ge3A_377, %broadcast_in_dim3A_384, %select_n3A_372 : vector<256x4096xi1>, vector<256x4096xf32>
    %reduce_max3A_386 = arith.constant dense<0xFF800000> : vector<256xf32>
    %reduce_max3A_387 = vector.multi_reduction <maximumf>, %select_n3A_385, %reduce_max3A_386 [1] : vector<256x4096xf32> to vector<256xf32>
    %broadcast_in_dim3A_388 = vector.shape_cast %reduce_max3A_387 : vector<256xf32> to vector<256x1xf32>
    %ge3A_389 = vector.broadcast %broadcast_in_dim3A_388 : vector<256x1xf32> to vector<256x4096xf32>
    %ge3A_390 = arith.cmpf oge, %select_n3A_385, %ge3A_389 : vector<256x4096xf32>
    %jit3A_391 = arith.constant 4.096000e+03 : f32
    %broadcast_in_dim3A_392 = vector.broadcast %jit3A_391 : f32 to vector<256x4096xf32>
    %select_n3A_393 = arith.select %ge3A_390, %convert_element_type3A, %broadcast_in_dim3A_392 : vector<256x4096xi1>, vector<256x4096xf32>
    %reduce_min3A_394 = arith.constant dense<0x7F800000> : vector<256xf32>
    %reduce_min3A_395 = vector.multi_reduction <minimumf>, %select_n3A_393, %reduce_min3A_394 [1] : vector<256x4096xf32> to vector<256xf32>
    %jit3A_396 = arith.constant 0xFF800000 : f32
    %broadcast_in_dim3A_397 = vector.broadcast %jit3A_396 : f32 to vector<256x4096xf32>
    %select_n3A_398 = arith.select %ge3A_390, %broadcast_in_dim3A_397, %select_n3A_385 : vector<256x4096xi1>, vector<256x4096xf32>
    %reduce_max3A_399 = arith.constant dense<0xFF800000> : vector<256xf32>
    %reduce_max3A_400 = vector.multi_reduction <maximumf>, %select_n3A_398, %reduce_max3A_399 [1] : vector<256x4096xf32> to vector<256xf32>
    %broadcast_in_dim3A_401 = vector.shape_cast %reduce_max3A_400 : vector<256xf32> to vector<256x1xf32>
    %ge3A_402 = vector.broadcast %broadcast_in_dim3A_401 : vector<256x1xf32> to vector<256x4096xf32>
    %ge3A_403 = arith.cmpf oge, %select_n3A_398, %ge3A_402 : vector<256x4096xf32>
    %jit3A_404 = arith.constant 4.096000e+03 : f32
    %broadcast_in_dim3A_405 = vector.broadcast %jit3A_404 : f32 to vector<256x4096xf32>
    %select_n3A_406 = arith.select %ge3A_403, %convert_element_type3A, %broadcast_in_dim3A_405 : vector<256x4096xi1>, vector<256x4096xf32>
    %reduce_min3A_407 = arith.constant dense<0x7F800000> : vector<256xf32>
    %reduce_min3A_408 = vector.multi_reduction <minimumf>, %select_n3A_406, %reduce_min3A_407 [1] : vector<256x4096xf32> to vector<256xf32>
    %jit3A_409 = arith.constant 0xFF800000 : f32
    %broadcast_in_dim3A_410 = vector.broadcast %jit3A_409 : f32 to vector<256x4096xf32>
    %select_n3A_411 = arith.select %ge3A_403, %broadcast_in_dim3A_410, %select_n3A_398 : vector<256x4096xi1>, vector<256x4096xf32>
    %reduce_max3A_412 = arith.constant dense<0xFF800000> : vector<256xf32>
    %reduce_max3A_413 = vector.multi_reduction <maximumf>, %select_n3A_411, %reduce_max3A_412 [1] : vector<256x4096xf32> to vector<256xf32>
    %broadcast_in_dim3A_414 = vector.shape_cast %reduce_max3A_413 : vector<256xf32> to vector<256x1xf32>
    %ge3A_415 = vector.broadcast %broadcast_in_dim3A_414 : vector<256x1xf32> to vector<256x4096xf32>
    %ge3A_416 = arith.cmpf oge, %select_n3A_411, %ge3A_415 : vector<256x4096xf32>
    %jit3A_417 = arith.constant 4.096000e+03 : f32
    %broadcast_in_dim3A_418 = vector.broadcast %jit3A_417 : f32 to vector<256x4096xf32>
    %select_n3A_419 = arith.select %ge3A_416, %convert_element_type3A, %broadcast_in_dim3A_418 : vector<256x4096xi1>, vector<256x4096xf32>
    %reduce_min3A_420 = arith.constant dense<0x7F800000> : vector<256xf32>
    %reduce_min3A_421 = vector.multi_reduction <minimumf>, %select_n3A_419, %reduce_min3A_420 [1] : vector<256x4096xf32> to vector<256xf32>
    %jit3A_422 = arith.constant 0xFF800000 : f32
    %broadcast_in_dim3A_423 = vector.broadcast %jit3A_422 : f32 to vector<256x4096xf32>
    %select_n3A_424 = arith.select %ge3A_416, %broadcast_in_dim3A_423, %select_n3A_411 : vector<256x4096xi1>, vector<256x4096xf32>
    %reduce_max3A_425 = arith.constant dense<0xFF800000> : vector<256xf32>
    %reduce_max3A_426 = vector.multi_reduction <maximumf>, %select_n3A_424, %reduce_max3A_425 [1] : vector<256x4096xf32> to vector<256xf32>
    %broadcast_in_dim3A_427 = vector.shape_cast %reduce_max3A_426 : vector<256xf32> to vector<256x1xf32>
    %ge3A_428 = vector.broadcast %broadcast_in_dim3A_427 : vector<256x1xf32> to vector<256x4096xf32>
    %ge3A_429 = arith.cmpf oge, %select_n3A_424, %ge3A_428 : vector<256x4096xf32>
    %jit3A_430 = arith.constant 4.096000e+03 : f32
    %broadcast_in_dim3A_431 = vector.broadcast %jit3A_430 : f32 to vector<256x4096xf32>
    %select_n3A_432 = arith.select %ge3A_429, %convert_element_type3A, %broadcast_in_dim3A_431 : vector<256x4096xi1>, vector<256x4096xf32>
    %reduce_min3A_433 = arith.constant dense<0x7F800000> : vector<256xf32>
    %reduce_min3A_434 = vector.multi_reduction <minimumf>, %select_n3A_432, %reduce_min3A_433 [1] : vector<256x4096xf32> to vector<256xf32>
    %jit3A_435 = arith.constant 0xFF800000 : f32
    %broadcast_in_dim3A_436 = vector.broadcast %jit3A_435 : f32 to vector<256x4096xf32>
    %select_n3A_437 = arith.select %ge3A_429, %broadcast_in_dim3A_436, %select_n3A_424 : vector<256x4096xi1>, vector<256x4096xf32>
    %reduce_max3A_438 = arith.constant dense<0xFF800000> : vector<256xf32>
    %reduce_max3A_439 = vector.multi_reduction <maximumf>, %select_n3A_437, %reduce_max3A_438 [1] : vector<256x4096xf32> to vector<256xf32>
    %broadcast_in_dim3A_440 = vector.shape_cast %reduce_max3A_439 : vector<256xf32> to vector<256x1xf32>
    %ge3A_441 = vector.broadcast %broadcast_in_dim3A_440 : vector<256x1xf32> to vector<256x4096xf32>
    %ge3A_442 = arith.cmpf oge, %select_n3A_437, %ge3A_441 : vector<256x4096xf32>
    %jit3A_443 = arith.constant 4.096000e+03 : f32
    %broadcast_in_dim3A_444 = vector.broadcast %jit3A_443 : f32 to vector<256x4096xf32>
    %select_n3A_445 = arith.select %ge3A_442, %convert_element_type3A, %broadcast_in_dim3A_444 : vector<256x4096xi1>, vector<256x4096xf32>
    %reduce_min3A_446 = arith.constant dense<0x7F800000> : vector<256xf32>
    %reduce_min3A_447 = vector.multi_reduction <minimumf>, %select_n3A_445, %reduce_min3A_446 [1] : vector<256x4096xf32> to vector<256xf32>
    %stack3A = vector.shape_cast %reduce_min3A_44 : vector<256xf32> to vector<256x1xf32>
    %stack3A_448 = vector.shape_cast %reduce_min3A_57 : vector<256xf32> to vector<256x1xf32>
    %stack3A_449 = vector.shape_cast %reduce_min3A_70 : vector<256xf32> to vector<256x1xf32>
    %stack3A_450 = vector.shape_cast %reduce_min3A_83 : vector<256xf32> to vector<256x1xf32>
    %stack3A_451 = vector.shape_cast %reduce_min3A_96 : vector<256xf32> to vector<256x1xf32>
    %stack3A_452 = vector.shape_cast %reduce_min3A_109 : vector<256xf32> to vector<256x1xf32>
    %stack3A_453 = vector.shape_cast %reduce_min3A_122 : vector<256xf32> to vector<256x1xf32>
    %stack3A_454 = vector.shape_cast %reduce_min3A_135 : vector<256xf32> to vector<256x1xf32>
    %stack3A_455 = vector.shape_cast %reduce_min3A_148 : vector<256xf32> to vector<256x1xf32>
    %stack3A_456 = vector.shape_cast %reduce_min3A_161 : vector<256xf32> to vector<256x1xf32>
    %stack3A_457 = vector.shape_cast %reduce_min3A_174 : vector<256xf32> to vector<256x1xf32>
    %stack3A_458 = vector.shape_cast %reduce_min3A_187 : vector<256xf32> to vector<256x1xf32>
    %stack3A_459 = vector.shape_cast %reduce_min3A_200 : vector<256xf32> to vector<256x1xf32>
    %stack3A_460 = vector.shape_cast %reduce_min3A_213 : vector<256xf32> to vector<256x1xf32>
    %stack3A_461 = vector.shape_cast %reduce_min3A_226 : vector<256xf32> to vector<256x1xf32>
    %stack3A_462 = vector.shape_cast %reduce_min3A_239 : vector<256xf32> to vector<256x1xf32>
    %stack3A_463 = vector.shape_cast %reduce_min3A_252 : vector<256xf32> to vector<256x1xf32>
    %stack3A_464 = vector.shape_cast %reduce_min3A_265 : vector<256xf32> to vector<256x1xf32>
    %stack3A_465 = vector.shape_cast %reduce_min3A_278 : vector<256xf32> to vector<256x1xf32>
    %stack3A_466 = vector.shape_cast %reduce_min3A_291 : vector<256xf32> to vector<256x1xf32>
    %stack3A_467 = vector.shape_cast %reduce_min3A_304 : vector<256xf32> to vector<256x1xf32>
    %stack3A_468 = vector.shape_cast %reduce_min3A_317 : vector<256xf32> to vector<256x1xf32>
    %stack3A_469 = vector.shape_cast %reduce_min3A_330 : vector<256xf32> to vector<256x1xf32>
    %stack3A_470 = vector.shape_cast %reduce_min3A_343 : vector<256xf32> to vector<256x1xf32>
    %stack3A_471 = vector.shape_cast %reduce_min3A_356 : vector<256xf32> to vector<256x1xf32>
    %stack3A_472 = vector.shape_cast %reduce_min3A_369 : vector<256xf32> to vector<256x1xf32>
    %stack3A_473 = vector.shape_cast %reduce_min3A_382 : vector<256xf32> to vector<256x1xf32>
    %stack3A_474 = vector.shape_cast %reduce_min3A_395 : vector<256xf32> to vector<256x1xf32>
    %stack3A_475 = vector.shape_cast %reduce_min3A_408 : vector<256xf32> to vector<256x1xf32>
    %stack3A_476 = vector.shape_cast %reduce_min3A_421 : vector<256xf32> to vector<256x1xf32>
    %stack3A_477 = vector.shape_cast %reduce_min3A_434 : vector<256xf32> to vector<256x1xf32>
    %stack3A_478 = vector.shape_cast %reduce_min3A_447 : vector<256xf32> to vector<256x1xf32>
    %stack3A_479 = tpu.concatenate %stack3A, %stack3A_448, %stack3A_449, %stack3A_450, %stack3A_451, %stack3A_452, %stack3A_453, %stack3A_454, %stack3A_455, %stack3A_456, %stack3A_457, %stack3A_458, %stack3A_459, %stack3A_460, %stack3A_461, %stack3A_462, %stack3A_463, %stack3A_464, %stack3A_465, %stack3A_466, %stack3A_467, %stack3A_468, %stack3A_469, %stack3A_470, %stack3A_471, %stack3A_472, %stack3A_473, %stack3A_474, %stack3A_475, %stack3A_476, %stack3A_477, %stack3A_478 in 1 : vector<256x1xf32>, vector<256x1xf32>, vector<256x1xf32>, vector<256x1xf32>, vector<256x1xf32>, vector<256x1xf32>, vector<256x1xf32>, vector<256x1xf32>, vector<256x1xf32>, vector<256x1xf32>, vector<256x1xf32>, vector<256x1xf32>, vector<256x1xf32>, vector<256x1xf32>, vector<256x1xf32>, vector<256x1xf32>, vector<256x1xf32>, vector<256x1xf32>, vector<256x1xf32>, vector<256x1xf32>, vector<256x1xf32>, vector<256x1xf32>, vector<256x1xf32>, vector<256x1xf32>, vector<256x1xf32>, vector<256x1xf32>, vector<256x1xf32>, vector<256x1xf32>, vector<256x1xf32>, vector<256x1xf32>, vector<256x1xf32>, vector<256x1xf32> -> vector<256x32xf32>
    %convert_element_type3A_480 = arith.fptosi %stack3A_479 : vector<256x32xf32> to vector<256x32xi32>
    %mul3A_481 = arith.constant 4096 : i32
    %mul3A_482 = arith.muli %arg0, %mul3A_481 : i32
    %add3A_483 = vector.broadcast %mul3A_482 : i32 to vector<256x32xi32>
    %add3A_484 = arith.addi %convert_element_type3A_480, %add3A_483 : vector<256x32xi32>
    %slice3A = vector.extract_strided_slice %add3A_484 {offsets = [0, 0], sizes = [64, 32], strides = [1, 1]} : vector<256x32xi32> to vector<64x32xi32>
    %slice3A_485 = vector.extract_strided_slice %add3A_484 {offsets = [64, 0], sizes = [64, 32], strides = [1, 1]} : vector<256x32xi32> to vector<64x32xi32>
    %slice3A_486 = vector.extract_strided_slice %add3A_484 {offsets = [128, 0], sizes = [64, 32], strides = [1, 1]} : vector<256x32xi32> to vector<64x32xi32>
    %slice3A_487 = vector.extract_strided_slice %add3A_484 {offsets = [192, 0], sizes = [64, 32], strides = [1, 1]} : vector<256x32xi32> to vector<64x32xi32>
    %concatenate3A = tpu.concatenate %slice3A, %slice3A_485, %slice3A_486, %slice3A_487 in 1 : vector<64x32xi32>, vector<64x32xi32>, vector<64x32xi32>, vector<64x32xi32> -> vector<64x128xi32>
    %swap3A_488 = arith.constant 0 : index
    %swap3A_489 = arith.constant 0 : index
    %swap3A_490 = arith.constant 0 : index
    %swap3A_491 = vector.load %arg9[%swap3A_488, %swap3A_489, %swap3A_490] : memref<1x64x128xi32, #tpu.memory_space<vmem>>, vector<1x64x128xi32>
    %swap3A_492 = vector.shape_cast %swap3A_491 : vector<1x64x128xi32> to vector<64x128xi32>
    %swap3A_493 = vector.shape_cast %concatenate3A : vector<64x128xi32> to vector<1x64x128xi32>
    tpu.vector_store %arg9[%swap3A_488, %swap3A_489, %swap3A_490], %swap3A_493 {strides = array<i32>} : memref<1x64x128xi32, #tpu.memory_space<vmem>>, vector<1x64x128xi32>,
    return
  }
  func.func @transform_0(%arg0: i32, %arg1: i32) -> (i32, i32, i32) {
    %c0_i32 = arith.constant 0 : i32
    %c0_i32_0 = arith.constant 0 : i32
    return %arg0, %arg1, %c0_i32 : i32, i32, i32
  }
  func.func @transform_1(%arg0: i32, %arg1: i32) -> (i32, i32, i32) {
    %c0_i32 = arith.constant 0 : i32
    %c0_i32_0 = arith.constant 0 : i32
    %c0_i32_1 = arith.constant 0 : i32
    return %arg0, %c0_i32, %c0_i32_0 : i32, i32, i32
  }
  func.func @transform_2(%arg0: i32, %arg1: i32) -> (i32, i32, i32) {
    %c0_i32 = arith.constant 0 : i32
    %c0_i32_0 = arith.constant 0 : i32
    return %arg0, %c0_i32, %arg1 : i32, i32, i32
  }
  func.func @transform_3(%arg0: i32, %arg1: i32) -> (i32, i32) {
    %c0_i32 = arith.constant 0 : i32
    %c0_i32_0 = arith.constant 0 : i32
    %c0_i32_1 = arith.constant 0 : i32
    return %c0_i32, %c0_i32_0 : i32, i32
  }
  func.func @transform_4(%arg0: i32, %arg1: i32) -> (i32, i32) {
    %c0_i32 = arith.constant 0 : i32
    %c0_i32_0 = arith.constant 0 : i32
    %c0_i32_1 = arith.constant 0 : i32
    return %c0_i32, %c0_i32_0 : i32, i32
  }
  func.func @transform_5(%arg0: i32, %arg1: i32) -> (i32, i32) {
    %c0_i32 = arith.constant 0 : i32
    %c0_i32_0 = arith.constant 0 : i32
    %c0_i32_1 = arith.constant 0 : i32
    return %c0_i32, %c0_i32_0 : i32, i32
  }
  func.func @transform_6(%arg0: i32, %arg1: i32) -> (i32, i32, i32) {
    %c0_i32 = arith.constant 0 : i32
    %c0_i32_0 = arith.constant 0 : i32
    return %arg0, %arg1, %c0_i32 : i32, i32, i32
  }
  func.func @transform_7(%arg0: i32, %arg1: i32) -> (i32, i32, i32) {
    %c0_i32 = arith.constant 0 : i32
    %c0_i32_0 = arith.constant 0 : i32
    return %arg0, %arg1, %c0_i32 : i32, i32, i32
  }
}

</mosaic_0001>

<sc_bundles>
// kernel: kernel.6.cloned.1.call-start
scs
__scs_entry_jumppad:
0x0: {  	(pc) =	sbr.rel $0x88, $3  }
0x1: {  	(tag) =	ssettag $0x0;
	lr =	simm.s32 $0x1  }
0x2: {  	[smem:$0x3F9B] =	sst lr;
	_ =	strace $0xD0000000  }
0x3: {  	_ = 	snop  }
0x4: {  	_ = 	snop  }
0x5: {  	_ = 	snop  }
0x6: {  	_ = 	snop  }
0x7: {  	_ = 	snop  }
__scs_overlays_trampoline_lowered:
0x8: {  	[smem:$0x3FAA] =	sst s0  }
0x9: {  	[smem:$0x3FAB] =	sst s1  }
0xa: {  	[smem:$0x3FAC] =	sst s2  }
0xb: {  	[smem:$0x3FAD] =	sst s3  }
0xc: {  	[smem:$0x3FAE] =	sst s4  }
0xd: {  	[smem:$0x3FAF] =	sst s5  }
0xe: {  	[smem:$0x3FB0] =	sst s6  }
0xf: {  	[smem:$0x3FB1] =	sst s7  }
0x10: {  	[smem:$0x3FB2] =	sst s8  }
0x11: {  	[smem:$0x3FB3] =	sst s9;
	s0 =	simm.s32 @!p0 $0x0  }
0x12: {  	s1 =	sld [smem:$0x3F99];
	s0 =	simm.s32 @p0 $0x1  }
0x13: {  	[smem:$0x3FB4] =	sst s0;
	s0 =	simm.s32 @!p1 $0x0  }
0x14: {  	s2 =	sld [smem:$0x3F98];
	s0 =	simm.s32 @p1 $0x1  }
0x15: {  	[smem:$0x3FB5] =	sst s0;
	s0 =	simm.s32 @!p2 $0x0  }
0x16: {  	s3 =	sld [smem:$0x3FDB];
	s0 =	simm.s32 @p2 $0x1  }
0x17: {  	s4 =	simm.s32 $0x1BF5;
	[smem:$0x3FB7] =	sst s0  }
0x18: {  	s0 =	sld [smem:$0x3F9A];
	_ =	swait.ge [sflag:s4], $0x0  }
0x19: {  	s7 =	sld [smem:$0x3F9B]  }
0x1a: {  	s8 =	sadd.s32 $0xFFFFE003, lr  }
0x1b: {  	s9 =	sadd.s32 $0xFFFFFEF7, lr;
	s5 =	simm.s32 $0xFFFFFFFF;
	p2 =	slt.u32 s8, $0xFFFFF086  }
0x1c: {  	p1 =	slt.u32 s9, $0xF7A;
	s5 =	simm.s32 @!p2 $0x0  }
0x1d: {  	s5 =	simm.s32 @p1 $0x1;
	p0 =	seq.s32 s7, s2  }
0x1e: {  	s7 =	smul.u32 @!p0 $0xF7A, s2;
	p2 =	seq.s32 @!p0 s5, $0x0  }
0x1f: {  	s9 =	smul.u32 $0xF7A, s1;
	s8 =	simm.s32 @!p0 $0x1BF5;
	p2 =	por !p2, p0  }
0x20: {  	[sflag:s8] =	ssyncset.s32 @!p0 $0xFFFFF086;
	s6 =	sadd.s32 @!p0 s3, s7;
	s7 =	simm.s32 @!p0 $0x108  }
0x21: {  	s3 =	sadd.s32 s3, s9;
	s6 =	sadd.s32 @!p0 $0x88, s6;
	s7 =	simm.s32 @p2 $0x1082  }
0x22: {  	[simem:s7], [sflag:s8] =	dma.local @!p0 [hbm:s6], $0xF7A  }
0x23: {  	s9 =	sor.u32 $0xD0000000, s2;
	s6 =	simm.s32 $0x108;
	_ =	swait.ge @!p0 [sflag:s8], $0x0  }
0x24: {  	s3 =	sadd.s32 $0x88, s3;
	s6 =	simm.s32 @!p1 $0x1082;
	[sflag:s4] =	ssyncset.s32 $0xFFFFF086  }
0x25: {  	[simem:s6], [sflag:s4] =	dma.local [hbm:s3], $0xF7A  }
0x26: {  	[smem:$0x3F9B] =	sst s1;
	(tag) =	ssettag s2;
	_ =	strace s9  }
0x27: {  	s1 =	sld [smem:$0x3FAB]  }
0x28: {  	s2 =	sld [smem:$0x3FAC]  }
0x29: {  	s4 =	sld [smem:$0x3FAE]  }
0x2a: {  	p0 =	seq.s32 s5, $0x0;
	s5 =	sld [smem:$0x3FAF]  }
0x2b: {  	s6 =	sld [smem:$0x3FB0]  }
0x2c: {  	s7 =	sld [smem:$0x3FB1]  }
0x2d: {  	s3 =	simm.s32 $0x108;
	s8 =	sld [smem:$0x3FB2]  }
0x2e: {  	s3 =	simm.s32 @!p0 $0x1082;
	s9 =	sld [smem:$0x3FB3]  }
0x2f: {  	lr =	sadd.s32 s0, s3;
	s0 =	sld [smem:$0x3FAA]  }
0x30: {  	s3 =	sld [smem:$0x3FAD]  }
0x31: {  	[smem:$0x3FB6] =	sst s10  }
0x32: {  	s10 =	sld [smem:$0x3FB4];
	_ =	sdelay $0x3  }
0x33: {  	p0 =	seq.s32 s10, $0x1;
	s10 =	sld [smem:$0x3FB6];
	_ =	sdelay $0x3  }
0x34: {  	[smem:$0x3FB6] =	sst s10  }
0x35: {  	s10 =	sld [smem:$0x3FB5];
	_ =	sdelay $0x3  }
0x36: {  	p1 =	seq.s32 s10, $0x1;
	s10 =	sld [smem:$0x3FB6];
	_ =	sdelay $0x3  }
0x37: {  	[smem:$0x3FB6] =	sst s10  }
0x38: {  	s10 =	sld [smem:$0x3FB7]  }
0x39: {  	_ = 	snop;
	(pc) =	sbr.ind lr, $3  }
0x3a: {  	_ = 	snop  }
0x3b: {  	_ = 	snop  }
0x3c: {  	p2 =	seq.s32 s10, $0x1;
	s10 =	sld [smem:$0x3FB6]  }
0x3d: {  	_ =	shalt  }
0x3e: {  	_ =	shalt  }
0x3f: {  	_ =	shalt  }
0x40: {  	_ =	shalt  }
0x41: {  	_ =	shalt  }
0x42: {  	_ =	shalt  }
0x43: {  	_ =	shalt  }
0x44: {  	_ =	shalt  }
0x45: {  	_ =	shalt  }
0x46: {  	_ =	shalt  }
0x47: {  	_ =	shalt  }
0x48: {  	_ =	shalt  }
0x49: {  	_ =	shalt  }
0x4a: {  	_ =	shalt  }
0x4b: {  	_ =	shalt  }
0x4c: {  	_ =	shalt  }
0x4d: {  	_ =	shalt  }
0x4e: {  	_ =	shalt  }
0x4f: {  	_ =	shalt  }
0x50: {  	_ =	shalt  }
0x51: {  	_ =	shalt  }
0x52: {  	_ =	shalt  }
0x53: {  	_ =	shalt  }
0x54: {  	_ =	shalt  }
0x55: {  	_ =	shalt  }
0x56: {  	_ =	shalt  }
0x57: {  	_ =	shalt  }
0x58: {  	_ =	shalt  }
0x59: {  	_ =	shalt  }
0x5a: {  	_ =	shalt  }
0x5b: {  	_ =	shalt  }
0x5c: {  	_ =	shalt  }
0x5d: {  	_ =	shalt  }
0x5e: {  	_ =	shalt  }
0x5f: {  	_ =	shalt  }
0x60: {  	_ =	shalt  }
0x61: {  	_ =	shalt  }
0x62: {  	_ =	shalt  }
0x63: {  	_ =	shalt  }
0x64: {  	_ =	shalt  }
0x65: {  	_ =	shalt  }
0x66: {  	_ =	shalt  }
0x67: {  	_ =	shalt  }
0x68: {  	_ =	shalt  }
0x69: {  	_ =	shalt  }
0x6a: {  	_ =	shalt  }
0x6b: {  	_ =	shalt  }
0x6c: {  	_ =	shalt  }
0x6d: {  	_ =	shalt  }
0x6e: {  	_ =	shalt  }
0x6f: {  	_ =	shalt  }
0x70: {  	_ =	shalt  }
0x71: {  	_ =	shalt  }
0x72: {  	_ =	shalt  }
0x73: {  	_ =	shalt  }
0x74: {  	_ =	shalt  }
0x75: {  	_ =	shalt  }
0x76: {  	_ =	shalt  }
0x77: {  	_ =	shalt  }
0x78: {  	_ =	shalt  }
0x79: {  	_ =	shalt  }
0x7a: {  	_ =	shalt  }
0x7b: {  	_ =	shalt  }
0x7c: {  	_ =	shalt  }
0x7d: {  	_ =	shalt  }
0x7e: {  	_ =	shalt  }
0x7f: {  	_ =	shalt  }
0x80: {  	_ =	shalt  }
0x81: {  	_ =	shalt  }
0x82: {  	_ =	shalt  }
0x83: {  	_ =	shalt  }
0x84: {  	_ =	shalt  }
0x85: {  	_ =	shalt  }
0x86: {  	_ =	shalt  }
0x87: {  	_ =	shalt  }
.Lfunc_end0:
.L_simem_size_0:
called_computation_lowered:
.L_overlay_start_0:
0x88: {  	s2 =	sld [smem:$0x3FD9]  }
0x89: {  	s3 =	sld [smem:$0x3FFE];
	_ =	sdelay $0x1  }
0x8a: {  	s1 =	srdreg.scid  }
0x8b: {  	s0 =	sand.u32 $0x1, s1  }
0x8c: {  	s17 =	sshll.u32 s0, $0xA;
	s2 =	sadd.s32 s3, s2  }
0x8d: {  	s2 =	sadd.s32 s2, s17  }
0x8e: {  	[smem:$0x3FC2] =	sst s2  }
0x8f: {  	_ = 	snop  }
0x90: {  	s2 =	sld [smem:$0x3FD0];
	(tm) =	ssettm $0x1  }
0x91: {  	s18 =	sld [smem:$0x3FFB];
	_ =	sdelay $0x3  }
0x92: {  	_ =	strace s18  }
0x93: {  	s3 =	sld [smem:$0x3FFC];
	_ =	sdelay $0x3  }
0x94: {  	_ =	strace s3  }
0x95: {  	s3 =	sld [smem:$0x3FFD];
	_ =	sdelay $0x3  }
0x96: {  	_ =	strace s3  }
0x97: {  	_ =	strace $0x8FFFFFFF  }
0x98: {  	s19 =	sld [smem:$0x3FDB];
	_ =	sdelay $0x1  }
0x99: {  	s4 =	simm.s32 $_scs_section_size  }
0x9a: {  	s5 =	simm.s32 $_size__tile_overlayer_lowered;
	s6 =	simm.s32 $_tile_overlayer_lowered  }
0x9b: {  	s22 =	simm.s32 $0x1BFF;
	s21 =	sshll.u32 s6, $0x1;
	s3 =	sadd.s32 s4, s19  }
0x9c: {  	s7 =	simm.s32 $0x0;
	s20 =	sshll.u32 s5, $0x1;
	s5 =	sadd.s32 s21, s3  }
0x9d: {  	[timem:s7], [sflag:s22] =	dma.local [hbm:s5], s20  }
0x9e: {  	_ =	swait.ge [sflag:s22], s20  }
0x9f: {  	s4 =	ssub.s32 $0x0, s20;
	[sflag:s22] =	ssyncset.done $0x0  }
0xa0: {  	[sflag:s22] =	ssyncadd.s32 s4;
	_ =	sdelay $0x1  }
0xa1: {  	s23 =	simm.s32 $0x1B8B  }
0xa2: {  	_ =	swait.ge [sflag:s23], $0x1  }
0xa3: {  	[sflag:s23] =	ssyncset.done $0x0  }
0xa4: {  	s25 =	simm.s32 $0x1B8E;
	s24 =	sld [smem:$0x3FFE];
	[sflag:s23] =	ssyncadd.s32 $0xFFFFFFFF  }
0xa5: {  	s26 =	simm.s32 $execute0_lowered;
	[smem:$0x3FD2] =	sst s25  }
0xa6: {  	s5 =	sshll.u32 s26, $0x1;
	_ =	strace $0x80000046;
	[dreg:$0x1] =	wrdreg $0xFFFFFFFF  }
0xa7: {  	s28 =	simm.s32 $_size_execute0_lowered;
	s3 =	sadd.s32 s3, s5;
	[dreg:$0x0] =	wrdreg $0x0  }
0xa8: {  	s5 =	sshll.u32 s28, $0x1;
	[dreg:$0x2] =	wrdreg s3  }
0xa9: {  	[dreg:$0x3] =	wrdreg s5  }
0xaa: {  	[dreg:$0x4] =	wrdreg $0xC0  }
0xab: {  	_ =	task [dreg:s7], $0x5FFFF  }
0xac: {  	[dreg:$0x1] =	wrdreg $0xFFFFFFFF  }
0xad: {  	[dreg:$0x0] =	wrdreg $0x60  }
0xae: {  	[dreg:$0x2] =	wrdreg s2  }
0xaf: {  	[dreg:$0x3] =	wrdreg s24  }
0xb0: {  	[dreg:$0x4] =	wrdreg $0x9  }
0xb1: {  	_ =	task.clear_ibuf [dreg:s7], $0x5FFFF;
	_ =	strace $0x90000046  }
0xb2: {  	s29 =	simm.s32 $0x9;
	_ =	strace $0x80000048  }
0xb3: {  	_ =	swait.ge [sflag:s29], $0x1  }
0xb4: {  	[sflag:s29] =	ssyncadd.s32 $0xFFFFFFFF  }
0xb5: {  	_ =	strace $0x90000048  }
0xb6: {  	_ =	sfence  }
0xb7: {  	s30 =	sld [smem:$0x0];
	_ =	sdelay $0x2  }
0xb8: {  	s31 =	sshll.u32 s1, $0xD;
	s1 =	sshrl.u32 s1, $0x2  }
0xb9: {  	s3 =	sand.u32 $0x4000, s31;
	s1 =	sadd.s32 s1, s30  }
0xba: {  	s0 =	sor.u32 s3, s0;
	s1 =	sshll.u32 s1, $0x11  }
0xbb: {  	s0 =	sor.u32 s1, s0  }
0xbc: {  	s0 =	sadd.s32 $0x8F2B, s0  }
0xbd: {  	[sflag:s0] =	ssyncadd.remote.s32 $0x1  }
0xbe: {  	_ =	sfence.sel $0xFFFF  }
0xbf: {  	[dreg:$0x0] =	wrdreg $0xFFFFFFFF;
	(pc) =	sbr.abs _section_cstart, $3  }
0xc0: {  	[dreg:$0x1] =	wrdreg $0xFFFFFFFF  }
0xc1: {  	_ =	task.clear_ibuf [dreg:s7], $0x2FFFF;
	_ =	strace $0x9FFFFFFF  }
0xc2: {  	(tm) =	ssettm $0x7FFFFFFF  }
0xc3: {  	_ =	shalt  }
tec
execute0_lowered:
.L_overlay_start_1:
0x0: {  	(tag) =	ssettag $0x1  }
0x1: {  	s2 =	rddreg [dreg:$0x0];
	s1 =	srdreg.scid  }
0x2: {  	s0 =	stileid.u32;
	s4 =	rddreg [dreg:$0x1]  }
0x3: {  	s3 =	simm.s32 $0x0;
	s10 =	simm.s32 $0x3;
	s11 =	simm.s32 $0x80  }
0x4: {  	s12 =	simm.s32 $0x2000;
	s13 =	simm.s32 $0x6000;
	s14 =	simm.s32 $0x1  }
0x5: {  	s15 =	simm.s32 $0x2;
	s16 =	simm.s32 $0xA000;
	s17 =	simm.s32 $0xC000  }
0x6: {  	s18 =	simm.s32 $0xE000;
	s19 =	simm.s32 $0x10000;
	s20 =	simm.s32 $0x0  }
0x7: {  	s5 =	sand.u32 $0x1, s1;
	s6 =	sshll.u32 s0, $0x1;
	s1 =	rddreg [dreg:$0x2]  }
0x8: {  	[smem:$0x7FF] =	sst s3;
	s7 =	sshll.u32 s0, $0xD;
	s6 =	sor.u32 s5, s6  }
0x9: {  	_ =	strace $0x80000047;
	s7 =	sand.u32 $0x10000, s7;
	s8 =	sshll.u32 s6, $0xC  }
.Ltmp0:
0xa: {  	s5 =	ssub.s32 $0x2, s5;
	s8 =	sand.u32 $0xF000, s8;
	(pc) =	sbr.rel .LBB2_1-.Ltmp0, $4  }
0xb: {  	s6 =	sshll.u32 s6, $0xA;
	s31 =	sshrl.u32 s5, $0x1;
	s7 =	sor.u32 s7, s8  }
0xc: {  	s6 =	sadd.s32 s6, s4;
	s9 =	ssub.s32 s5, s31;
	s8 =	sadd.s32 s7, s4  }
0xd: {  	s9 =	smax.u32 s9, $0x1;
	s4 =	sadd.s32 $0x1600, s6;
	s5 =	sadd.s32 $0x9600, s8  }
0xe: {  	s6 =	sadd.s32 $0x9A00, s8;
	s7 =	sadd.s32 $0x9E00, s8;
	s8 =	sadd.s32 $0xA200, s8  }
.LBB2_8:
0xf: {  	[hbm4b:s5+s3] =	stream.linear.scatter [tilespmem:s16], [sflag:$0x3], $0x2000, $0x38;
	[tilespmem:$0x12000] =	vst v63  }
0x10: {  	_ =	swait.ge [sflag:s10], $0x2000  }
0x11: {  	[sflag:s10] =	ssyncset.done $0x0  }
0x12: {  	[sflag:s10] =	ssyncadd.s32 $0xFFFFE000  }
0x13: {  	[hbm4b:s6+s3] =	stream.linear.scatter [tilespmem:s17], [sflag:$0x3], $0x2000, $0x38;
	[tilespmem:$0x12000] =	vst v63  }
0x14: {  	_ =	swait.ge [sflag:s10], $0x2000  }
0x15: {  	[sflag:s10] =	ssyncset.done $0x0  }
0x16: {  	[sflag:s10] =	ssyncadd.s32 $0xFFFFE000  }
0x17: {  	[hbm4b:s7+s3] =	stream.linear.scatter [tilespmem:s18], [sflag:$0x3], $0x2000, $0x38;
	[tilespmem:$0x12000] =	vst v63  }
0x18: {  	s20 =	sadd.s32 $0x1, s20;
	_ =	swait.ge [sflag:s10], $0x2000  }
0x19: {  	p0 =	sne.s32 s20, s9;
	[sflag:s10] =	ssyncset.done $0x0  }
.Ltmp1:
0x1a: {  	[sflag:s10] =	ssyncadd.s32 $0xFFFFE000;
	(pc) =	sbr.rel @!p0 .LBB2_9-.Ltmp1, $4  }
0x1b: {  	[hbm4b:s8+s3] =	stream.linear.scatter [tilespmem:s19], [sflag:$0x3], $0x2000, $0x38;
	[tilespmem:$0x12000] =	vst v63  }
0x1c: {  	_ =	swait.ge [sflag:s10], $0x2000  }
0x1d: {  	[sflag:s10] =	ssyncset.done $0x0  }
0x1e: {  	[sflag:s10] =	ssyncadd.s32 $0xFFFFE000  }
.LBB2_1:
0x1f: {  	[tilespmem:s3], [sflag:$0x3] =	stream.linear.gather [hbm4b:s4+s3], $0x2000, $0x38;
	[tilespmem:$0x12000] =	vst v63  }
0x20: {  	_ =	swait.ge [sflag:s10], $0x2000  }
0x21: {  	[sflag:s10] =	ssyncset.done $0x0  }
0x22: {  	[sflag:s10] =	ssyncadd.s32 $0xFFFFE000  }
0x23: {  	[tilespmem:s12], [sflag:$0x1] =	stream.indirect.gather [hbm4b:s2+s11], $0x80, s3, s11, $0xb8;
	[tilespmem:$0x12000] =	vst v63  }
0x24: {  	s21 =	simm.s32 $0xA000;
	s22 =	simm.s32 $0x0  }
0x25: {  	[tilespmem:s13], [sflag:$0x2] =	stream.indirect.gather [hbm4b:s2+s11], $0x80, s11, s11, $0xb8;
	[tilespmem:$0x12000] =	vst v63  }
.LBB2_2:
0x26: {  	_ =	swait.ge [sflag:s14], $0x4000  }
0x27: {  	[sflag:s14] =	ssyncset.done $0x0  }
0x28: {  	s23 =	sshll.u32 s22, $0xA;
	s24 =	simm.s32 $0x0;
	v0 =	vmov s21;
	[sflag:s14] =	ssyncadd.s32 $0xFFFFC000  }
.LBB2_3:
0x29: {  	s25 =	sshra.s32 s24, $0x2  }
0x2a: {  	v1 =	vld [tilespmem:s25+$0x2000]  }
0x2b: {  	v2 =	vld [tilespmem:s25+$0x2080]  }
0x2c: {  	v3 =	vld [tilespmem:s25+$0x2100]  }
0x2d: {  	v4 =	vld [tilespmem:s25+$0x2180]  }
0x2e: {  	v5 =	vld [tilespmem:s25+$0x2200]  }
0x2f: {  	v6 =	vld [tilespmem:s25+$0x2280]  }
0x30: {  	v7 =	vld [tilespmem:s25+$0x2300]  }
0x31: {  	v8 =	vld [tilespmem:s25+$0x2380]  }
0x32: {  	v9 =	vld [tilespmem:s25+$0x2400]  }
0x33: {  	v10 =	vld [tilespmem:s25+$0x2480]  }
0x34: {  	v11 =	vld [tilespmem:s25+$0x2500]  }
0x35: {  	v12 =	vld [tilespmem:s25+$0x2580]  }
0x36: {  	v13 =	vld [tilespmem:s25+$0x2600]  }
0x37: {  	v14 =	vld [tilespmem:s25+$0x2680]  }
0x38: {  	v15 =	vld [tilespmem:s25+$0x2700]  }
0x39: {  	v16 =	vld [tilespmem:s25+$0x2780]  }
0x3a: {  	v17 =	vld [tilespmem:s25+$0x2800]  }
0x3b: {  	v18 =	vld [tilespmem:s25+$0x2880]  }
0x3c: {  	v19 =	vld [tilespmem:s25+$0x2900]  }
0x3d: {  	v20 =	vld [tilespmem:s25+$0x2980]  }
0x3e: {  	v21 =	vld [tilespmem:s25+$0x2A00]  }
0x3f: {  	v22 =	vld [tilespmem:s25+$0x2A80]  }
0x40: {  	v23 =	vld [tilespmem:s25+$0x2B00]  }
0x41: {  	v24 =	vld [tilespmem:s25+$0x2B80]  }
0x42: {  	v25 =	vld [tilespmem:s25+$0x2C00]  }
0x43: {  	v26 =	vld [tilespmem:s25+$0x2C80]  }
0x44: {  	v27 =	vld [tilespmem:s25+$0x2D00]  }
0x45: {  	v28 =	vld [tilespmem:s25+$0x2D80]  }
0x46: {  	v29 =	vld [tilespmem:s25+$0x2E00]  }
0x47: {  	v30 =	vld [tilespmem:s25+$0x2E80]  }
0x48: {  	v31 =	vld [tilespmem:s25+$0x2F00]  }
0x49: {  	v32 =	vld [tilespmem:s25+$0x2F80];
	v1 =	vmax.f32 v1, v2  }
0x4a: {  	v2 =	vmax.f32 v3, v4;
	v3 =	vmax.f32 v5, v6;
	v58 =	vmax.f32 v7, v8  }
0x4b: {  	v59 =	vmax.f32 v9, v10;
	v60 =	vmax.f32 v11, v12;
	v61 =	vmax.f32 v13, v14  }
0x4c: {  	v62 =	vmax.f32 v15, v16;
	v63 =	vmax.f32 v17, v18;
	v20 =	vmax.f32 v19, v20  }
0x4d: {  	v22 =	vmax.f32 v21, v22;
	v24 =	vmax.f32 v23, v24;
	v26 =	vmax.f32 v25, v26  }
0x4e: {  	v28 =	vmax.f32 v27, v28;
	v30 =	vmax.f32 v29, v30;
	v32 =	vmax.f32 v31, v32  }
0x4f: {  	v1 =	vmax.f32 v1, v2;
	v2 =	vmax.f32 v3, v58;
	v3 =	vmax.f32 v59, v60  }
0x50: {  	v33 =	vmax.f32 v61, v62;
	v34 =	vmax.f32 v63, v20;
	v35 =	vmax.f32 v22, v24  }
0x51: {  	v36 =	vmax.f32 v26, v28;
	v37 =	vmax.f32 v30, v32;
	v1 =	vmax.f32 v1, v2  }
0x52: {  	v2 =	vmax.f32 v3, v33;
	v3 =	vmax.f32 v34, v35;
	v38 =	vmax.f32 v36, v37  }
0x53: {  	v1 =	vmax.f32 v1, v2;
	v2 =	vmax.f32 v3, v38  }
0x54: {  	v1 =	vmax.f32 v1, v2  }
0x55: {  	[tilespmem:v0+s25+$0x0 ss:$0x1] =	vst.idx.msk $0xffff, v1  }
0x56: {  	v1 =	vld [tilespmem:s25+$0x3000]  }
0x57: {  	v2 =	vld [tilespmem:s25+$0x3080]  }
0x58: {  	v3 =	vld [tilespmem:s25+$0x3100]  }
0x59: {  	v4 =	vld [tilespmem:s25+$0x3180]  }
0x5a: {  	v39 =	vld [tilespmem:s25+$0x3200]  }
0x5b: {  	v40 =	vld [tilespmem:s25+$0x3280]  }
0x5c: {  	v41 =	vld [tilespmem:s25+$0x3300]  }
0x5d: {  	v42 =	vld [tilespmem:s25+$0x3380]  }
0x5e: {  	v43 =	vld [tilespmem:s25+$0x3400]  }
0x5f: {  	v44 =	vld [tilespmem:s25+$0x3480]  }
0x60: {  	v45 =	vld [tilespmem:s25+$0x3500]  }
0x61: {  	v46 =	vld [tilespmem:s25+$0x3580]  }
0x62: {  	v47 =	vld [tilespmem:s25+$0x3600]  }
0x63: {  	v48 =	vld [tilespmem:s25+$0x3680]  }
0x64: {  	v49 =	vld [tilespmem:s25+$0x3700]  }
0x65: {  	v50 =	vld [tilespmem:s25+$0x3780]  }
0x66: {  	v51 =	vld [tilespmem:s25+$0x3800]  }
0x67: {  	v52 =	vld [tilespmem:s25+$0x3880]  }
0x68: {  	v53 =	vld [tilespmem:s25+$0x3900]  }
0x69: {  	v54 =	vld [tilespmem:s25+$0x3980]  }
0x6a: {  	v55 =	vld [tilespmem:s25+$0x3A00]  }
0x6b: {  	v56 =	vld [tilespmem:s25+$0x3A80]  }
0x6c: {  	v57 =	vld [tilespmem:s25+$0x3B00]  }
0x6d: {  	v58 =	vld [tilespmem:s25+$0x3B80]  }
0x6e: {  	v59 =	vld [tilespmem:s25+$0x3C00]  }
0x6f: {  	v60 =	vld [tilespmem:s25+$0x3C80]  }
0x70: {  	v61 =	vld [tilespmem:s25+$0x3D00]  }
0x71: {  	v62 =	vld [tilespmem:s25+$0x3D80]  }
0x72: {  	v63 =	vld [tilespmem:s25+$0x3E00]  }
0x73: {  	v36 =	vld [tilespmem:s25+$0x3E80]  }
0x74: {  	v37 =	vld [tilespmem:s25+$0x3F00]  }
0x75: {  	v38 =	vld [tilespmem:s25+$0x3F80];
	v1 =	vmax.f32 v1, v2  }
0x76: {  	v2 =	vmax.f32 v3, v4;
	v3 =	vmax.f32 v39, v40;
	v39 =	vmax.f32 v41, v42  }
0x77: {  	v40 =	vmax.f32 v43, v44;
	v41 =	vmax.f32 v45, v46;
	v42 =	vmax.f32 v47, v48  }
0x78: {  	v43 =	vmax.f32 v49, v50;
	v44 =	vmax.f32 v51, v52;
	v45 =	vmax.f32 v53, v54  }
0x79: {  	v46 =	vmax.f32 v55, v56;
	v47 =	vmax.f32 v57, v58;
	v48 =	vmax.f32 v59, v60  }
0x7a: {  	v49 =	vmax.f32 v61, v62;
	v50 =	vmax.f32 v63, v36;
	v51 =	vmax.f32 v37, v38  }
0x7b: {  	v1 =	vmax.f32 v1, v2;
	v2 =	vmax.f32 v3, v39;
	v3 =	vmax.f32 v40, v41  }
0x7c: {  	v52 =	vmax.f32 v42, v43;
	v53 =	vmax.f32 v44, v45;
	v54 =	vmax.f32 v46, v47  }
0x7d: {  	v55 =	vmax.f32 v48, v49;
	v56 =	vmax.f32 v50, v51;
	v1 =	vmax.f32 v1, v2  }
0x7e: {  	v2 =	vmax.f32 v3, v52;
	v3 =	vmax.f32 v53, v54;
	v57 =	vmax.f32 v55, v56  }
0x7f: {  	v1 =	vmax.f32 v1, v2;
	v2 =	vmax.f32 v3, v57  }
0x80: {  	v1 =	vmax.f32 v1, v2  }
0x81: {  	[tilespmem:v0+s25+$0x2000 ss:$0x1] =	vst.idx.msk $0xffff, v1  }
0x82: {  	v1 =	vld [tilespmem:s25+$0x4000]  }
0x83: {  	v2 =	vld [tilespmem:s25+$0x4080]  }
0x84: {  	v3 =	vld [tilespmem:s25+$0x4100]  }
0x85: {  	v4 =	vld [tilespmem:s25+$0x4180]  }
0x86: {  	v58 =	vld [tilespmem:s25+$0x4200]  }
0x87: {  	v59 =	vld [tilespmem:s25+$0x4280]  }
0x88: {  	v60 =	vld [tilespmem:s25+$0x4300]  }
0x89: {  	v61 =	vld [tilespmem:s25+$0x4380]  }
0x8a: {  	v62 =	vld [tilespmem:s25+$0x4400]  }
0x8b: {  	v63 =	vld [tilespmem:s25+$0x4480]  }
0x8c: {  	v36 =	vld [tilespmem:s25+$0x4500]  }
0x8d: {  	v37 =	vld [tilespmem:s25+$0x4580]  }
0x8e: {  	v38 =	vld [tilespmem:s25+$0x4600]  }
0x8f: {  	v39 =	vld [tilespmem:s25+$0x4680]  }
0x90: {  	v40 =	vld [tilespmem:s25+$0x4700]  }
0x91: {  	v41 =	vld [tilespmem:s25+$0x4780]  }
0x92: {  	v42 =	vld [tilespmem:s25+$0x4800]  }
0x93: {  	v43 =	vld [tilespmem:s25+$0x4880]  }
0x94: {  	v44 =	vld [tilespmem:s25+$0x4900]  }
0x95: {  	v45 =	vld [tilespmem:s25+$0x4980]  }
0x96: {  	v46 =	vld [tilespmem:s25+$0x4A00]  }
0x97: {  	v47 =	vld [tilespmem:s25+$0x4A80]  }
0x98: {  	v48 =	vld [tilespmem:s25+$0x4B00]  }
0x99: {  	v49 =	vld [tilespmem:s25+$0x4B80]  }
0x9a: {  	v50 =	vld [tilespmem:s25+$0x4C00]  }
0x9b: {  	v51 =	vld [tilespmem:s25+$0x4C80]  }
0x9c: {  	v52 =	vld [tilespmem:s25+$0x4D00]  }
0x9d: {  	v53 =	vld [tilespmem:s25+$0x4D80]  }
0x9e: {  	v54 =	vld [tilespmem:s25+$0x4E00]  }
0x9f: {  	v55 =	vld [tilespmem:s25+$0x4E80]  }
0xa0: {  	v56 =	vld [tilespmem:s25+$0x4F00]  }
0xa1: {  	v57 =	vld [tilespmem:s25+$0x4F80];
	v1 =	vmax.f32 v1, v2  }
0xa2: {  	v2 =	vmax.f32 v3, v4;
	v3 =	vmax.f32 v58, v59;
	v58 =	vmax.f32 v60, v61  }
0xa3: {  	v59 =	vmax.f32 v62, v63;
	v60 =	vmax.f32 v36, v37;
	v61 =	vmax.f32 v38, v39  }
0xa4: {  	v62 =	vmax.f32 v40, v41;
	v63 =	vmax.f32 v42, v43;
	v20 =	vmax.f32 v44, v45  }
0xa5: {  	v33 =	vmax.f32 v46, v47;
	v34 =	vmax.f32 v48, v49;
	v35 =	vmax.f32 v50, v51  }
0xa6: {  	v36 =	vmax.f32 v52, v53;
	v37 =	vmax.f32 v54, v55;
	v38 =	vmax.f32 v56, v57  }
0xa7: {  	v1 =	vmax.f32 v1, v2;
	v2 =	vmax.f32 v3, v58;
	v3 =	vmax.f32 v59, v60  }
0xa8: {  	v39 =	vmax.f32 v61, v62;
	v40 =	vmax.f32 v63, v20;
	v41 =	vmax.f32 v33, v34  }
0xa9: {  	v42 =	vmax.f32 v35, v36;
	v43 =	vmax.f32 v37, v38;
	v1 =	vmax.f32 v1, v2  }
0xaa: {  	v2 =	vmax.f32 v3, v39;
	v3 =	vmax.f32 v40, v41;
	v44 =	vmax.f32 v42, v43  }
0xab: {  	v1 =	vmax.f32 v1, v2;
	v2 =	vmax.f32 v3, v44  }
0xac: {  	v1 =	vmax.f32 v1, v2  }
0xad: {  	[tilespmem:v0+s25+$0x4000 ss:$0x1] =	vst.idx.msk $0xffff, v1  }
0xae: {  	v1 =	vld [tilespmem:s25+$0x5000]  }
0xaf: {  	v2 =	vld [tilespmem:s25+$0x5080]  }
0xb0: {  	v3 =	vld [tilespmem:s25+$0x5100]  }
0xb1: {  	v4 =	vld [tilespmem:s25+$0x5180]  }
0xb2: {  	v45 =	vld [tilespmem:s25+$0x5200]  }
0xb3: {  	v46 =	vld [tilespmem:s25+$0x5280]  }
0xb4: {  	v47 =	vld [tilespmem:s25+$0x5300]  }
0xb5: {  	v48 =	vld [tilespmem:s25+$0x5380]  }
0xb6: {  	v49 =	vld [tilespmem:s25+$0x5400]  }
0xb7: {  	v50 =	vld [tilespmem:s25+$0x5480]  }
0xb8: {  	v51 =	vld [tilespmem:s25+$0x5500]  }
0xb9: {  	v52 =	vld [tilespmem:s25+$0x5580]  }
0xba: {  	v53 =	vld [tilespmem:s25+$0x5600]  }
0xbb: {  	v54 =	vld [tilespmem:s25+$0x5680]  }
0xbc: {  	v55 =	vld [tilespmem:s25+$0x5700]  }
0xbd: {  	v56 =	vld [tilespmem:s25+$0x5780]  }
0xbe: {  	v57 =	vld [tilespmem:s25+$0x5800]  }
0xbf: {  	v58 =	vld [tilespmem:s25+$0x5880]  }
0xc0: {  	v59 =	vld [tilespmem:s25+$0x5900]  }
0xc1: {  	v60 =	vld [tilespmem:s25+$0x5980]  }
0xc2: {  	v61 =	vld [tilespmem:s25+$0x5A00]  }
0xc3: {  	v62 =	vld [tilespmem:s25+$0x5A80]  }
0xc4: {  	v63 =	vld [tilespmem:s25+$0x5B00]  }
0xc5: {  	v36 =	vld [tilespmem:s25+$0x5B80]  }
0xc6: {  	v37 =	vld [tilespmem:s25+$0x5C00]  }
0xc7: {  	v38 =	vld [tilespmem:s25+$0x5C80]  }
0xc8: {  	v39 =	vld [tilespmem:s25+$0x5D00]  }
0xc9: {  	v40 =	vld [tilespmem:s25+$0x5D80]  }
0xca: {  	v41 =	vld [tilespmem:s25+$0x5E00]  }
0xcb: {  	v42 =	vld [tilespmem:s25+$0x5E80]  }
0xcc: {  	v43 =	vld [tilespmem:s25+$0x5F00]  }
0xcd: {  	v44 =	vld [tilespmem:s25+$0x5F80];
	v1 =	vmax.f32 v1, v2  }
0xce: {  	v2 =	vmax.f32 v3, v4;
	v3 =	vmax.f32 v45, v46;
	v45 =	vmax.f32 v47, v48  }
0xcf: {  	v46 =	vmax.f32 v49, v50;
	v47 =	vmax.f32 v51, v52;
	v48 =	vmax.f32 v53, v54  }
0xd0: {  	v49 =	vmax.f32 v55, v56;
	v50 =	vmax.f32 v57, v58;
	v51 =	vmax.f32 v59, v60  }
0xd1: {  	v52 =	vmax.f32 v61, v62;
	v53 =	vmax.f32 v63, v36;
	v54 =	vmax.f32 v37, v38  }
0xd2: {  	v55 =	vmax.f32 v39, v40;
	v56 =	vmax.f32 v41, v42;
	v57 =	vmax.f32 v43, v44  }
0xd3: {  	v1 =	vmax.f32 v1, v2;
	v2 =	vmax.f32 v3, v45;
	v3 =	vmax.f32 v46, v47  }
0xd4: {  	p0 =	sne.s32 s24, $0x1C0;
	v58 =	vmax.f32 v48, v49;
	v59 =	vmax.f32 v50, v51;
	v60 =	vmax.f32 v52, v53  }
.Ltmp2:
0xd5: {  	v61 =	vmax.f32 v54, v55;
	v62 =	vmax.f32 v56, v57;
	v1 =	vmax.f32 v1, v2;
	(pc) =	sbr.rel @p0 .LBB2_3-.Ltmp2, $4  }
0xd6: {  	v2 =	vmax.f32 v3, v58;
	v3 =	vmax.f32 v59, v60;
	v63 =	vmax.f32 v61, v62  }
0xd7: {  	v1 =	vmax.f32 v1, v2;
	v2 =	vmax.f32 v3, v63  }
0xd8: {  	v1 =	vmax.f32 v1, v2  }
0xd9: {  	s24 =	sadd.s32 $0x40, s24;
	[tilespmem:v0+s25+$0x6000 ss:$0x1] =	vst.idx.msk $0xffff, v1  }
0xda: {  	p0 =	seq.s32 s22, $0x1F  }
0xdb: {  	s24 =	sshrl.u32 @!p0 s23, $0x2  }
0xdc: {  	s25 =	simm.s32 @!p0 $0x80;
	s26 =	simm.s32 @!p0 $0x2000;
	s24 =	sadd.s32 @!p0 $0x100, s24  }
0xdd: {  	[tilespmem:s26], [sflag:$0x1] =	stream.indirect.gather @!p0 [hbm4b:s2+s25], $0x80, s24, s25, $0xb8;
	[tilespmem:$0x12000] =	vst v63  }
0xde: {  	_ =	swait.ge [sflag:s15], $0x4000  }
0xdf: {  	[sflag:s15] =	ssyncset.done $0x0  }
0xe0: {  	s24 =	simm.s32 $0x0;
	[sflag:s15] =	ssyncadd.s32 $0xFFFFC000  }
.LBB2_5:
0xe1: {  	s25 =	sshra.s32 s24, $0x2  }
0xe2: {  	v1 =	vld [tilespmem:s25+$0x6000]  }
0xe3: {  	v2 =	vld [tilespmem:s25+$0x6080]  }
0xe4: {  	v3 =	vld [tilespmem:s25+$0x6100]  }
0xe5: {  	v4 =	vld [tilespmem:s25+$0x6180]  }
0xe6: {  	v5 =	vld [tilespmem:s25+$0x6200]  }
0xe7: {  	v6 =	vld [tilespmem:s25+$0x6280]  }
0xe8: {  	v7 =	vld [tilespmem:s25+$0x6300]  }
0xe9: {  	v8 =	vld [tilespmem:s25+$0x6380]  }
0xea: {  	v9 =	vld [tilespmem:s25+$0x6400]  }
0xeb: {  	v10 =	vld [tilespmem:s25+$0x6480]  }
0xec: {  	v11 =	vld [tilespmem:s25+$0x6500]  }
0xed: {  	v12 =	vld [tilespmem:s25+$0x6580]  }
0xee: {  	v13 =	vld [tilespmem:s25+$0x6600]  }
0xef: {  	v14 =	vld [tilespmem:s25+$0x6680]  }
0xf0: {  	v15 =	vld [tilespmem:s25+$0x6700]  }
0xf1: {  	v16 =	vld [tilespmem:s25+$0x6780]  }
0xf2: {  	v17 =	vld [tilespmem:s25+$0x6800]  }
0xf3: {  	v18 =	vld [tilespmem:s25+$0x6880]  }
0xf4: {  	v19 =	vld [tilespmem:s25+$0x6900]  }
0xf5: {  	v20 =	vld [tilespmem:s25+$0x6980]  }
0xf6: {  	v21 =	vld [tilespmem:s25+$0x6A00]  }
0xf7: {  	v22 =	vld [tilespmem:s25+$0x6A80]  }
0xf8: {  	v23 =	vld [tilespmem:s25+$0x6B00]  }
0xf9: {  	v24 =	vld [tilespmem:s25+$0x6B80]  }
0xfa: {  	v25 =	vld [tilespmem:s25+$0x6C00]  }
0xfb: {  	v26 =	vld [tilespmem:s25+$0x6C80]  }
0xfc: {  	v27 =	vld [tilespmem:s25+$0x6D00]  }
0xfd: {  	v28 =	vld [tilespmem:s25+$0x6D80]  }
0xfe: {  	v29 =	vld [tilespmem:s25+$0x6E00]  }
0xff: {  	v30 =	vld [tilespmem:s25+$0x6E80]  }
0x100: {  	v31 =	vld [tilespmem:s25+$0x6F00]  }
0x101: {  	v32 =	vld [tilespmem:s25+$0x6F80];
	v1 =	vmax.f32 v1, v2  }
0x102: {  	v2 =	vmax.f32 v3, v4;
	v3 =	vmax.f32 v5, v6;
	v58 =	vmax.f32 v7, v8  }
0x103: {  	v59 =	vmax.f32 v9, v10;
	v60 =	vmax.f32 v11, v12;
	v61 =	vmax.f32 v13, v14  }
0x104: {  	v62 =	vmax.f32 v15, v16;
	v63 =	vmax.f32 v17, v18;
	v20 =	vmax.f32 v19, v20  }
0x105: {  	v22 =	vmax.f32 v21, v22;
	v24 =	vmax.f32 v23, v24;
	v26 =	vmax.f32 v25, v26  }
0x106: {  	v28 =	vmax.f32 v27, v28;
	v30 =	vmax.f32 v29, v30;
	v32 =	vmax.f32 v31, v32  }
0x107: {  	v1 =	vmax.f32 v1, v2;
	v2 =	vmax.f32 v3, v58;
	v3 =	vmax.f32 v59, v60  }
0x108: {  	v33 =	vmax.f32 v61, v62;
	v34 =	vmax.f32 v63, v20;
	v35 =	vmax.f32 v22, v24  }
0x109: {  	v36 =	vmax.f32 v26, v28;
	v37 =	vmax.f32 v30, v32;
	v1 =	vmax.f32 v1, v2  }
0x10a: {  	v2 =	vmax.f32 v3, v33;
	v3 =	vmax.f32 v34, v35;
	v38 =	vmax.f32 v36, v37  }
0x10b: {  	v1 =	vmax.f32 v1, v2;
	v2 =	vmax.f32 v3, v38  }
0x10c: {  	v1 =	vmax.f32 v1, v2  }
0x10d: {  	[tilespmem:v0+s25+$0x80 ss:$0x1] =	vst.idx.msk $0xffff, v1  }
0x10e: {  	v1 =	vld [tilespmem:s25+$0x7000]  }
0x10f: {  	v2 =	vld [tilespmem:s25+$0x7080]  }
0x110: {  	v3 =	vld [tilespmem:s25+$0x7100]  }
0x111: {  	v4 =	vld [tilespmem:s25+$0x7180]  }
0x112: {  	v39 =	vld [tilespmem:s25+$0x7200]  }
0x113: {  	v40 =	vld [tilespmem:s25+$0x7280]  }
0x114: {  	v41 =	vld [tilespmem:s25+$0x7300]  }
0x115: {  	v42 =	vld [tilespmem:s25+$0x7380]  }
0x116: {  	v43 =	vld [tilespmem:s25+$0x7400]  }
0x117: {  	v44 =	vld [tilespmem:s25+$0x7480]  }
0x118: {  	v45 =	vld [tilespmem:s25+$0x7500]  }
0x119: {  	v46 =	vld [tilespmem:s25+$0x7580]  }
0x11a: {  	v47 =	vld [tilespmem:s25+$0x7600]  }
0x11b: {  	v48 =	vld [tilespmem:s25+$0x7680]  }
0x11c: {  	v49 =	vld [tilespmem:s25+$0x7700]  }
0x11d: {  	v50 =	vld [tilespmem:s25+$0x7780]  }
0x11e: {  	v51 =	vld [tilespmem:s25+$0x7800]  }
0x11f: {  	v52 =	vld [tilespmem:s25+$0x7880]  }
0x120: {  	v53 =	vld [tilespmem:s25+$0x7900]  }
0x121: {  	v54 =	vld [tilespmem:s25+$0x7980]  }
0x122: {  	v55 =	vld [tilespmem:s25+$0x7A00]  }
0x123: {  	v56 =	vld [tilespmem:s25+$0x7A80]  }
0x124: {  	v57 =	vld [tilespmem:s25+$0x7B00]  }
0x125: {  	v58 =	vld [tilespmem:s25+$0x7B80]  }
0x126: {  	v59 =	vld [tilespmem:s25+$0x7C00]  }
0x127: {  	v60 =	vld [tilespmem:s25+$0x7C80]  }
0x128: {  	v61 =	vld [tilespmem:s25+$0x7D00]  }
0x129: {  	v62 =	vld [tilespmem:s25+$0x7D80]  }
0x12a: {  	v63 =	vld [tilespmem:s25+$0x7E00]  }
0x12b: {  	v36 =	vld [tilespmem:s25+$0x7E80]  }
0x12c: {  	v37 =	vld [tilespmem:s25+$0x7F00]  }
0x12d: {  	v38 =	vld [tilespmem:s25+$0x7F80];
	v1 =	vmax.f32 v1, v2  }
0x12e: {  	v2 =	vmax.f32 v3, v4;
	v3 =	vmax.f32 v39, v40;
	v39 =	vmax.f32 v41, v42  }
0x12f: {  	v40 =	vmax.f32 v43, v44;
	v41 =	vmax.f32 v45, v46;
	v42 =	vmax.f32 v47, v48  }
0x130: {  	v43 =	vmax.f32 v49, v50;
	v44 =	vmax.f32 v51, v52;
	v45 =	vmax.f32 v53, v54  }
0x131: {  	v46 =	vmax.f32 v55, v56;
	v47 =	vmax.f32 v57, v58;
	v48 =	vmax.f32 v59, v60  }
0x132: {  	v49 =	vmax.f32 v61, v62;
	v50 =	vmax.f32 v63, v36;
	v51 =	vmax.f32 v37, v38  }
0x133: {  	v1 =	vmax.f32 v1, v2;
	v2 =	vmax.f32 v3, v39;
	v3 =	vmax.f32 v40, v41  }
0x134: {  	v52 =	vmax.f32 v42, v43;
	v53 =	vmax.f32 v44, v45;
	v54 =	vmax.f32 v46, v47  }
0x135: {  	v55 =	vmax.f32 v48, v49;
	v56 =	vmax.f32 v50, v51;
	v1 =	vmax.f32 v1, v2  }
0x136: {  	v2 =	vmax.f32 v3, v52;
	v3 =	vmax.f32 v53, v54;
	v57 =	vmax.f32 v55, v56  }
0x137: {  	v1 =	vmax.f32 v1, v2;
	v2 =	vmax.f32 v3, v57  }
0x138: {  	v1 =	vmax.f32 v1, v2  }
0x139: {  	[tilespmem:v0+s25+$0x2080 ss:$0x1] =	vst.idx.msk $0xffff, v1  }
0x13a: {  	v1 =	vld [tilespmem:s25+$0x8000]  }
0x13b: {  	v2 =	vld [tilespmem:s25+$0x8080]  }
0x13c: {  	v3 =	vld [tilespmem:s25+$0x8100]  }
0x13d: {  	v4 =	vld [tilespmem:s25+$0x8180]  }
0x13e: {  	v58 =	vld [tilespmem:s25+$0x8200]  }
0x13f: {  	v59 =	vld [tilespmem:s25+$0x8280]  }
0x140: {  	v60 =	vld [tilespmem:s25+$0x8300]  }
0x141: {  	v61 =	vld [tilespmem:s25+$0x8380]  }
0x142: {  	v62 =	vld [tilespmem:s25+$0x8400]  }
0x143: {  	v63 =	vld [tilespmem:s25+$0x8480]  }
0x144: {  	v36 =	vld [tilespmem:s25+$0x8500]  }
0x145: {  	v37 =	vld [tilespmem:s25+$0x8580]  }
0x146: {  	v38 =	vld [tilespmem:s25+$0x8600]  }
0x147: {  	v39 =	vld [tilespmem:s25+$0x8680]  }
0x148: {  	v40 =	vld [tilespmem:s25+$0x8700]  }
0x149: {  	v41 =	vld [tilespmem:s25+$0x8780]  }
0x14a: {  	v42 =	vld [tilespmem:s25+$0x8800]  }
0x14b: {  	v43 =	vld [tilespmem:s25+$0x8880]  }
0x14c: {  	v44 =	vld [tilespmem:s25+$0x8900]  }
0x14d: {  	v45 =	vld [tilespmem:s25+$0x8980]  }
0x14e: {  	v46 =	vld [tilespmem:s25+$0x8A00]  }
0x14f: {  	v47 =	vld [tilespmem:s25+$0x8A80]  }
0x150: {  	v48 =	vld [tilespmem:s25+$0x8B00]  }
0x151: {  	v49 =	vld [tilespmem:s25+$0x8B80]  }
0x152: {  	v50 =	vld [tilespmem:s25+$0x8C00]  }
0x153: {  	v51 =	vld [tilespmem:s25+$0x8C80]  }
0x154: {  	v52 =	vld [tilespmem:s25+$0x8D00]  }
0x155: {  	v53 =	vld [tilespmem:s25+$0x8D80]  }
0x156: {  	v54 =	vld [tilespmem:s25+$0x8E00]  }
0x157: {  	v55 =	vld [tilespmem:s25+$0x8E80]  }
0x158: {  	v56 =	vld [tilespmem:s25+$0x8F00]  }
0x159: {  	v57 =	vld [tilespmem:s25+$0x8F80];
	v1 =	vmax.f32 v1, v2  }
0x15a: {  	v2 =	vmax.f32 v3, v4;
	v3 =	vmax.f32 v58, v59;
	v58 =	vmax.f32 v60, v61  }
0x15b: {  	v59 =	vmax.f32 v62, v63;
	v60 =	vmax.f32 v36, v37;
	v61 =	vmax.f32 v38, v39  }
0x15c: {  	v62 =	vmax.f32 v40, v41;
	v63 =	vmax.f32 v42, v43;
	v20 =	vmax.f32 v44, v45  }
0x15d: {  	v33 =	vmax.f32 v46, v47;
	v34 =	vmax.f32 v48, v49;
	v35 =	vmax.f32 v50, v51  }
0x15e: {  	v36 =	vmax.f32 v52, v53;
	v37 =	vmax.f32 v54, v55;
	v38 =	vmax.f32 v56, v57  }
0x15f: {  	v1 =	vmax.f32 v1, v2;
	v2 =	vmax.f32 v3, v58;
	v3 =	vmax.f32 v59, v60  }
0x160: {  	v39 =	vmax.f32 v61, v62;
	v40 =	vmax.f32 v63, v20;
	v41 =	vmax.f32 v33, v34  }
0x161: {  	v42 =	vmax.f32 v35, v36;
	v43 =	vmax.f32 v37, v38;
	v1 =	vmax.f32 v1, v2  }
0x162: {  	v2 =	vmax.f32 v3, v39;
	v3 =	vmax.f32 v40, v41;
	v44 =	vmax.f32 v42, v43  }
0x163: {  	v1 =	vmax.f32 v1, v2;
	v2 =	vmax.f32 v3, v44  }
0x164: {  	v1 =	vmax.f32 v1, v2  }
0x165: {  	[tilespmem:v0+s25+$0x4080 ss:$0x1] =	vst.idx.msk $0xffff, v1  }
0x166: {  	v1 =	vld [tilespmem:s25+$0x9000]  }
0x167: {  	v2 =	vld [tilespmem:s25+$0x9080]  }
0x168: {  	v3 =	vld [tilespmem:s25+$0x9100]  }
0x169: {  	v4 =	vld [tilespmem:s25+$0x9180]  }
0x16a: {  	v45 =	vld [tilespmem:s25+$0x9200]  }
0x16b: {  	v46 =	vld [tilespmem:s25+$0x9280]  }
0x16c: {  	v47 =	vld [tilespmem:s25+$0x9300]  }
0x16d: {  	v48 =	vld [tilespmem:s25+$0x9380]  }
0x16e: {  	v49 =	vld [tilespmem:s25+$0x9400]  }
0x16f: {  	v50 =	vld [tilespmem:s25+$0x9480]  }
0x170: {  	v51 =	vld [tilespmem:s25+$0x9500]  }
0x171: {  	v52 =	vld [tilespmem:s25+$0x9580]  }
0x172: {  	v53 =	vld [tilespmem:s25+$0x9600]  }
0x173: {  	v54 =	vld [tilespmem:s25+$0x9680]  }
0x174: {  	v55 =	vld [tilespmem:s25+$0x9700]  }
0x175: {  	v56 =	vld [tilespmem:s25+$0x9780]  }
0x176: {  	v57 =	vld [tilespmem:s25+$0x9800]  }
0x177: {  	v58 =	vld [tilespmem:s25+$0x9880]  }
0x178: {  	v59 =	vld [tilespmem:s25+$0x9900]  }
0x179: {  	v60 =	vld [tilespmem:s25+$0x9980]  }
0x17a: {  	v61 =	vld [tilespmem:s25+$0x9A00]  }
0x17b: {  	v62 =	vld [tilespmem:s25+$0x9A80]  }
0x17c: {  	v63 =	vld [tilespmem:s25+$0x9B00]  }
0x17d: {  	v36 =	vld [tilespmem:s25+$0x9B80]  }
0x17e: {  	v37 =	vld [tilespmem:s25+$0x9C00]  }
0x17f: {  	v38 =	vld [tilespmem:s25+$0x9C80]  }
0x180: {  	v39 =	vld [tilespmem:s25+$0x9D00]  }
0x181: {  	v40 =	vld [tilespmem:s25+$0x9D80]  }
0x182: {  	v41 =	vld [tilespmem:s25+$0x9E00]  }
0x183: {  	v42 =	vld [tilespmem:s25+$0x9E80]  }
0x184: {  	v43 =	vld [tilespmem:s25+$0x9F00]  }
0x185: {  	v44 =	vld [tilespmem:s25+$0x9F80];
	v1 =	vmax.f32 v1, v2  }
0x186: {  	v2 =	vmax.f32 v3, v4;
	v3 =	vmax.f32 v45, v46;
	v45 =	vmax.f32 v47, v48  }
0x187: {  	v46 =	vmax.f32 v49, v50;
	v47 =	vmax.f32 v51, v52;
	v48 =	vmax.f32 v53, v54  }
0x188: {  	v49 =	vmax.f32 v55, v56;
	v50 =	vmax.f32 v57, v58;
	v51 =	vmax.f32 v59, v60  }
0x189: {  	v52 =	vmax.f32 v61, v62;
	v53 =	vmax.f32 v63, v36;
	v54 =	vmax.f32 v37, v38  }
0x18a: {  	v55 =	vmax.f32 v39, v40;
	v56 =	vmax.f32 v41, v42;
	v57 =	vmax.f32 v43, v44  }
0x18b: {  	v1 =	vmax.f32 v1, v2;
	v2 =	vmax.f32 v3, v45;
	v3 =	vmax.f32 v46, v47  }
0x18c: {  	p1 =	sne.s32 s24, $0x1C0;
	v58 =	vmax.f32 v48, v49;
	v59 =	vmax.f32 v50, v51;
	v60 =	vmax.f32 v52, v53  }
.Ltmp3:
0x18d: {  	v61 =	vmax.f32 v54, v55;
	v62 =	vmax.f32 v56, v57;
	v1 =	vmax.f32 v1, v2;
	(pc) =	sbr.rel @p1 .LBB2_5-.Ltmp3, $4  }
0x18e: {  	v2 =	vmax.f32 v3, v58;
	v3 =	vmax.f32 v59, v60;
	v63 =	vmax.f32 v61, v62  }
0x18f: {  	v1 =	vmax.f32 v1, v2;
	v2 =	vmax.f32 v3, v63  }
0x190: {  	v1 =	vmax.f32 v1, v2  }
0x191: {  	s24 =	sadd.s32 $0x40, s24;
	[tilespmem:v0+s25+$0x6080 ss:$0x1] =	vst.idx.msk $0xffff, v1  }
.Ltmp4:
0x192: {  	(pc) =	sbr.rel @p0 .LBB2_8-.Ltmp4, $1  }
0x193: {  	_ =	sdelay $0x3  }
.Ltmp5:
0x194: {  	(pc) =	sbr.rel .LBB2_2-.Ltmp5, $4  }
0x195: {  	_ = 	snop  }
0x196: {  	s23 =	sshrl.u32 s23, $0x2  }
0x197: {  	s22 =	sadd.s32 $0x1, s22;
	s21 =	sadd.s32 $0x100, s21;
	s23 =	sadd.s32 $0x180, s23  }
0x198: {  	[tilespmem:s13], [sflag:$0x2] =	stream.indirect.gather [hbm4b:s2+s11], $0x80, s23, s11, $0xb8;
	[tilespmem:$0x12000] =	vst v63  }
.LBB2_9:
0x199: {  	_ =	sfence.sel $0x180000  }
0x19a: {  	[bflag:$0x0] =	sbarrier.arrive $0xFFFF  }
0x19b: {  	p0 =	sne.s32 s0, $0x0;
	_ =	strace $0x90000047  }
0x19c: {  	s0 =	sadd.s32 @!p0 $0x100000, s1;
	[bflag:$0x2] =	sbarrier.arrive $0xFFFF  }
0x19d: {  	[sflag:s0] =	ssyncadd.tile.s32 @!p0 $0x1;
	_ =	shalt  }
.Lfunc_end2:
_tile_overlayer_lowered:
.L_overlay_start_2:
0x19e: {  	(tag) =	ssettag $0x2  }
0x19f: {  	s0 =	rddreg [dreg:$0x0];
	s2 =	stileid.u32  }
0x1a0: {  	s1 =	rddreg [dreg:$0x1];
	p0 =	sne.s32 s2, $0x0  }
0x1a1: {  	s3 =	rddreg [dreg:$0x2];
	[bflag:$0x3] =	sbarrier.arrive $0xFFFF;
	s2 =	simm.s32 @!p0 $0x1C03  }
0x1a2: {  	[timem:s3], [sflag:s2] =	dma.local @!p0 [hbm:s0], s1  }
0x1a3: {  	s0 =	simm.s32 @!p0 $0x3  }
0x1a4: {  	_ =	swait.ge @!p0 [sflag:s0], s1  }
0x1a5: {  	s1 =	ssub.s32 @!p0 $0x0, s1;
	[sflag:s0] =	ssyncset.done @!p0 $0x0  }
0x1a6: {  	[sflag:s0] =	ssyncadd.s32 @!p0 s1  }
0x1a7: {  	[bflag:$0x3] =	sbarrier.arrive $0xFFFF  }
0x1a8: {  	_ =	shalt  }

</sc_bundles>
